<compile_context>
chip_gen: v7x
topology: tpu7x:2x2x1
jax: 0.10.2.dev20260603
libtpu: 0.0.44.dev20260713+nightly
codegen_flags: <defaults>
</compile_context>

<pallas_src>
import functools

import jax
import jax.numpy as jnp
from jax import lax
from jax.experimental import pallas as pl
from jax.experimental.pallas import tpu as pltpu
from jax.experimental.pallas import tpu_sc as plsc

_VOCAB = 1000000
_DIM = 64
_LANES = 16
_NC = 2
_NS = 16
_NW = _NC * _NS
_GRP = 128
_NBUF = 4
_NACC = 8
_RU = 4


def _make_bias_kernel(n_groups_total):
    n_groups_w = n_groups_total // _NW
    mesh = plsc.VectorSubcoreMesh(core_axis_name="c", subcore_axis_name="s")

    @functools.partial(
        pl.kernel,
        mesh=mesh,
        out_type=jax.ShapeDtypeStruct((_NW, _LANES), jnp.float32),
        compiler_params=pltpu.CompilerParams(use_tc_tiling_on_sc=False),
        scratch_types=[
            pltpu.VMEM((n_groups_w, _GRP), jnp.int32),
            pltpu.VMEM((n_groups_w, _GRP), jnp.int32),
            pltpu.VMEM((_NBUF, _GRP), jnp.float32),
            pltpu.VMEM((_NBUF, _GRP), jnp.float32),
            pltpu.VMEM((_LANES,), jnp.float32),
        ] + [pltpu.SemaphoreType.DMA] * _NBUF,
    )
    def bias_kernel(tok_hbm, head_hbm, ub_hbm, vb_hbm,
                    out_hbm, idx_t, idx_h, ub, vb, acc_v, *sems):
        wid = lax.axis_index("s") * _NC + lax.axis_index("c")
        g_base = wid * n_groups_w
        pltpu.sync_copy(tok_hbm.at[pl.ds(g_base, n_groups_w)], idx_t)
        pltpu.sync_copy(head_hbm.at[pl.ds(g_base, n_groups_w)], idx_h)

        def issue(gi, b):
            pltpu.async_copy(ub_hbm.at[idx_t.at[gi]], ub.at[b], sems[b])
            pltpu.async_copy(vb_hbm.at[idx_h.at[gi]], vb.at[b], sems[b])

        def drain(b):
            pltpu.make_async_copy(ub_hbm.at[pl.ds(0, _GRP)],
                                  ub.at[b], sems[b]).wait()
            pltpu.make_async_copy(vb_hbm.at[pl.ds(0, _GRP)],
                                  vb.at[b], sems[b]).wait()

        def compute(b, accs):
            a = list(accs)
            for j in range(_GRP // _LANES):
                sl = pl.ds(j * _LANES, _LANES)
                a[j] = a[j] + ub[b, sl] + vb[b, sl]
            return tuple(a)

        for b in range(_NBUF - 1):
            issue(b, b)

        def quad_body(q, accs):
            for b in range(_NBUF):
                gi = q * _NBUF + b
                issue(jnp.minimum(gi + _NBUF - 1, n_groups_w - 1),
                      (b + _NBUF - 1) % _NBUF)
                drain(b)
                accs = compute(b, accs)
            return accs

        accs = lax.fori_loop(
            0, n_groups_w // _NBUF, quad_body,
            tuple(jnp.zeros((_LANES,), jnp.float32) for _ in range(_NACC)))
        for b in range(_NBUF - 1):
            drain(b)

        total = accs[0]
        for a in accs[1:]:
            total = total + a
        acc_v[...] = total
        pltpu.sync_copy(acc_v, out_hbm.at[wid])

    return bias_kernel


def _make_sc_kernel(n_groups_total):
    n_groups_w = n_groups_total // _NW
    assert n_groups_w % _NBUF == 0
    mesh = plsc.VectorSubcoreMesh(core_axis_name="c", subcore_axis_name="s")

    @functools.partial(
        pl.kernel,
        mesh=mesh,
        out_type=jax.ShapeDtypeStruct((_NW, _LANES), jnp.float32),
        compiler_params=pltpu.CompilerParams(use_tc_tiling_on_sc=False),
        scratch_types=[
            pltpu.VMEM((n_groups_w, _GRP), jnp.int32),
            pltpu.VMEM((n_groups_w, _GRP), jnp.int32),
            pltpu.VMEM((_NBUF, _GRP, _DIM), jnp.float32),
            pltpu.VMEM((_NBUF, _GRP, _DIM), jnp.float32),
            pltpu.VMEM((_LANES,), jnp.float32),
        ] + [pltpu.SemaphoreType.DMA] * _NBUF,
    )
    def sc_kernel(tok_hbm, head_hbm, u_hbm, v_hbm,
                  out_hbm, idx_t, idx_h, u_rows, v_rows, acc_v,
                  *sems):
        wid = lax.axis_index("s") * _NC + lax.axis_index("c")
        g_base = wid * n_groups_w
        pltpu.sync_copy(tok_hbm.at[pl.ds(g_base, n_groups_w)], idx_t)
        pltpu.sync_copy(head_hbm.at[pl.ds(g_base, n_groups_w)], idx_h)

        def issue(gi, b):
            pltpu.async_copy(u_hbm.at[idx_t.at[gi]], u_rows.at[b], sems[b])
            pltpu.async_copy(v_hbm.at[idx_h.at[gi]], v_rows.at[b], sems[b])

        def drain(b):
            pltpu.make_async_copy(u_hbm.at[pl.ds(0, _GRP)],
                                  u_rows.at[b], sems[b]).wait()
            pltpu.make_async_copy(v_hbm.at[pl.ds(0, _GRP)],
                                  v_rows.at[b], sems[b]).wait()

        def compute(b, accs):
            def row_body(i, a):
                a = list(a)
                for r in range(_RU):
                    for s in range(_DIM // _LANES):
                        sl = pl.ds(s * _LANES, _LANES)
                        k = (r % 2) * (_DIM // _LANES) + s
                        a[k] = a[k] + (u_rows[b, i * _RU + r, sl] *
                                       v_rows[b, i * _RU + r, sl])
                return tuple(a)

            return lax.fori_loop(0, _GRP // _RU, row_body, accs)

        for b in range(_NBUF - 1):
            issue(b, b)

        def quad_body(q, accs):
            for b in range(_NBUF):
                gi = q * _NBUF + b
                issue(jnp.minimum(gi + _NBUF - 1, n_groups_w - 1),
                      (b + _NBUF - 1) % _NBUF)
                drain(b)
                accs = compute(b, accs)
            return accs

        accs = lax.fori_loop(
            0, n_groups_w // _NBUF, quad_body,
            tuple(jnp.zeros((_LANES,), jnp.float32) for _ in range(_NACC)))
        for b in range(_NBUF - 1):
            drain(b)

        total = accs[0]
        for a in accs[1:]:
            total = total + a
        acc_v[...] = total
        pltpu.sync_copy(acc_v, out_hbm.at[wid])

    return sc_kernel


def kernel(tokens_batch, heads_batch, U, Ubias, V, Vbias):
    b, l = tokens_batch.shape
    n = b * l
    n_groups_total = n // _GRP
    tok = tokens_batch.reshape(n_groups_total, _GRP).astype(jnp.int32)
    head = heads_batch.reshape(n_groups_total, _GRP).astype(jnp.int32)
    ub_flat = Ubias.reshape(-1)
    vb_flat = Vbias.reshape(-1)
    bias_partials = _make_bias_kernel(n_groups_total)(
        tok, head, ub_flat, vb_flat)
    partials = _make_sc_kernel(n_groups_total)(tok, head, U, V)
    return jnp.sum(partials) + jnp.sum(bias_partials)

# --- scband reference (transcript-rebuilt; emitter-appended) ---
"""Pipeline reference for scband-embedding-layer-2104533975407 (READ-ONLY COPY).

The authoritative reference and input builder live on the scoring server;
editing this copy changes nothing except your own understanding.
"""

import jax, jax.numpy as jnp
import numpy as np

VOCAB = 1000000
DIM = 64
B = 4096
L = 200

def setup_inputs(seed: int = 0) -> dict:
    key = jax.random.key(seed)
    k1, k2, k3, k4, k5, k6 = jax.random.split(key, 6)
    scale = 1.0 / jnp.sqrt(jnp.float32(DIM))
    U = jax.random.normal(k1, (VOCAB, DIM), dtype=jnp.float32) * scale
    Ubias = jax.random.normal(k2, (VOCAB, 1), dtype=jnp.float32)
    V = jax.random.normal(k3, (VOCAB, DIM), dtype=jnp.float32) * scale
    Vbias = jax.random.normal(k4, (VOCAB, 1), dtype=jnp.float32)
    tokens_batch = jax.random.randint(k5, (B, L), 0, VOCAB, dtype=jnp.int64 if jax.config.read('jax_enable_x64') else jnp.int32)
    heads_batch = jax.random.randint(k6, (B, L), 0, VOCAB, dtype=jnp.int64 if jax.config.read('jax_enable_x64') else jnp.int32)
    return {"tokens_batch": tokens_batch, "heads_batch": heads_batch, "U": U, "Ubias": Ubias, "V": V, "Vbias": Vbias}

def reference(tokens_batch, heads_batch, U, Ubias, V, Vbias):
    # link_energy with mask=False (no-op assignment in torch) and temp=1
    u_tok = jnp.take(U, tokens_batch, axis=0)          # [B, L, D]
    v_head = jnp.take(V, heads_batch, axis=0)          # [B, L, D]
    ub = jnp.take(Ubias, tokens_batch, axis=0)         # [B, L, 1]
    vb = jnp.take(Vbias, heads_batch, axis=0)          # [B, L, 1]
    energies = jnp.sum(u_tok * v_head, axis=-1, keepdims=True) + ub + vb  # [B, L, 1]
    energies = jnp.squeeze(energies, axis=-1)          # [B, L]
    # batch_energy: sum over all link energies
    return jnp.sum(energies)

if __name__ == "__main__":
    import jax
    _d = setup_inputs()
    print(jax.jit(kernel)(*tuple(_d.values())))

</pallas_src>

<mosaic_0001>
#map = affine_map<(d0, d1) -> (0, 0)>
module attributes {stable_mosaic.version = 14 : i64} {
  func.func @sc_kernel(%arg0: i32, %arg1: i32, %arg2: memref<6400x128xi32, #tpu.memory_space<hbm>>, %arg3: memref<6400x128xi32, #tpu.memory_space<hbm>>, %arg4: memref<1000000x64xf32, #tpu.memory_space<hbm>>, %arg5: memref<1000000x64xf32, #tpu.memory_space<hbm>>, %arg6: memref<32x16xf32, #tpu.memory_space<hbm>>, %arg7: memref<200x128xi32, #tpu.memory_space<vmem>>, %arg8: memref<200x128xi32, #tpu.memory_space<vmem>>, %arg9: memref<4x128x64xf32, #tpu.memory_space<vmem>>, %arg10: memref<4x128x64xf32, #tpu.memory_space<vmem>>, %arg11: memref<16xf32, #tpu.memory_space<vmem>>, %arg12: memref<!tpu.dma_semaphore, #tpu.memory_space<semaphore_mem>>, %arg13: memref<!tpu.dma_semaphore, #tpu.memory_space<semaphore_mem>>, %arg14: memref<!tpu.dma_semaphore, #tpu.memory_space<semaphore_mem>>, %arg15: memref<!tpu.dma_semaphore, #tpu.memory_space<semaphore_mem>>) attributes {dimension_semantics = [#tpu.dimension_semantics<core_parallel>, #tpu.dimension_semantics<subcore_parallel>], iteration_bounds = array<i64: 2, 16>, scalar_prefetch = 0 : i64, scratch_operands = 9 : i64, tpu.core_type = #tpu.core_type<sc_vector_subcore>, window_params = [{transform_indices = #map}, {transform_indices = #map}, {transform_indices = #map}, {transform_indices = #map}, {transform_indices = #map}]} {
    %mul3A = arith.constant 2 : i32
    %mul3A_0 = arith.muli %arg1, %mul3A : i32
    %add3A = arith.addi %mul3A_0, %arg0 : i32
    %mul3A_1 = arith.constant 200 : i32
    %mul3A_2 = arith.muli %add3A, %mul3A_1 : i32
    "tpu.region"() ({
      %run_scoped3A = tpu.sem_alloc : memref<!tpu.dma_semaphore, #tpu.memory_space<semaphore_mem>>
      %dma_start3A_193 = arith.constant 0 : i32
      %dma_start3A_194 = tpu.memref_slice %arg2[%mul3A_2, %dma_start3A_193] : memref<6400x128xi32, #tpu.memory_space<hbm>> -> memref<200x128xi32, #tpu.memory_space<hbm>>
      %dma_start3A_195 = arith.constant 0 : i32
      %dma_start3A_196 = tpu.memref_slice %arg2[%mul3A_2, %dma_start3A_195] : memref<6400x128xi32, #tpu.memory_space<hbm>> -> memref<200x128xi32, #tpu.memory_space<hbm>>
      tpu.enqueue_dma source(%dma_start3A_196 : memref<200x128xi32, #tpu.memory_space<hbm>>) target(%arg7 : memref<200x128xi32, #tpu.memory_space<vmem>>) target_semaphore(%run_scoped3A : memref<!tpu.dma_semaphore, #tpu.memory_space<semaphore_mem>>)
      %dma_wait3A_197 = arith.constant 0 : i32
      %dma_wait3A_198 = tpu.memref_slice %arg2[%mul3A_2, %dma_wait3A_197] : memref<6400x128xi32, #tpu.memory_space<hbm>> -> memref<200x128xi32, #tpu.memory_space<hbm>>
      %dma_wait3A_199 = arith.constant 0 : i32
      %dma_wait3A_200 = tpu.memref_slice %arg2[%mul3A_2, %dma_wait3A_199] : memref<6400x128xi32, #tpu.memory_space<hbm>> -> memref<200x128xi32, #tpu.memory_space<hbm>>
      tpu.wait_dma2 semaphore(%run_scoped3A : memref<!tpu.dma_semaphore, #tpu.memory_space<semaphore_mem>>) src(%dma_wait3A_200 : memref<200x128xi32, #tpu.memory_space<hbm>>) dst(%arg7 : memref<200x128xi32, #tpu.memory_space<vmem>>)
      tpu.yield
    }) : () -> ()
    "tpu.region"() ({
      %run_scoped3A = tpu.sem_alloc : memref<!tpu.dma_semaphore, #tpu.memory_space<semaphore_mem>>
      %dma_start3A_193 = arith.constant 0 : i32
      %dma_start3A_194 = tpu.memref_slice %arg3[%mul3A_2, %dma_start3A_193] : memref<6400x128xi32, #tpu.memory_space<hbm>> -> memref<200x128xi32, #tpu.memory_space<hbm>>
      %dma_start3A_195 = arith.constant 0 : i32
      %dma_start3A_196 = tpu.memref_slice %arg3[%mul3A_2, %dma_start3A_195] : memref<6400x128xi32, #tpu.memory_space<hbm>> -> memref<200x128xi32, #tpu.memory_space<hbm>>
      tpu.enqueue_dma source(%dma_start3A_196 : memref<200x128xi32, #tpu.memory_space<hbm>>) target(%arg8 : memref<200x128xi32, #tpu.memory_space<vmem>>) target_semaphore(%run_scoped3A : memref<!tpu.dma_semaphore, #tpu.memory_space<semaphore_mem>>)
      %dma_wait3A_197 = arith.constant 0 : i32
      %dma_wait3A_198 = tpu.memref_slice %arg3[%mul3A_2, %dma_wait3A_197] : memref<6400x128xi32, #tpu.memory_space<hbm>> -> memref<200x128xi32, #tpu.memory_space<hbm>>
      %dma_wait3A_199 = arith.constant 0 : i32
      %dma_wait3A_200 = tpu.memref_slice %arg3[%mul3A_2, %dma_wait3A_199] : memref<6400x128xi32, #tpu.memory_space<hbm>> -> memref<200x128xi32, #tpu.memory_space<hbm>>
      tpu.wait_dma2 semaphore(%run_scoped3A : memref<!tpu.dma_semaphore, #tpu.memory_space<semaphore_mem>>) src(%dma_wait3A_200 : memref<200x128xi32, #tpu.memory_space<hbm>>) dst(%arg8 : memref<200x128xi32, #tpu.memory_space<vmem>>)
      tpu.yield
    }) : () -> ()
    %dma_start3A = arith.constant 0 : i32
    %dma_start3A_3 = arith.constant 0 : i32
    %dma_start3A_4 = arith.constant 0 : i32
    %dma_start3A_5 = arith.constant 0 : i32
    %dma_start3A_6 = tpu.memref_slice %arg9[%dma_start3A_3, %dma_start3A_4, %dma_start3A_5] : memref<4x128x64xf32, #tpu.memory_space<vmem>> -> memref<1x128x64xf32, #tpu.memory_space<vmem>>
    %dma_start3A_7 = tpu.memref_squeeze %dma_start3A_6 : memref<1x128x64xf32, #tpu.memory_space<vmem>> -> memref<128x64xf32, #tpu.memory_space<vmem>>
    %dma_start3A_8 = arith.constant 0 : i32
    %dma_start3A_9 = tpu.memref_slice %arg7[%dma_start3A, %dma_start3A_8] : memref<200x128xi32, #tpu.memory_space<vmem>> -> memref<1x128xi32, #tpu.memory_space<vmem>>
    %dma_start3A_10 = tpu.memref_squeeze %dma_start3A_9 : memref<1x128xi32, #tpu.memory_space<vmem>> -> memref<128xi32, #tpu.memory_space<vmem>>
    %dma_start3A_11 = arith.constant 0 : i32
    %dma_start3A_12 = arith.constant 0 : i32
    %dma_start3A_13 = tpu.memref_slice %arg4[%dma_start3A_11, %dma_start3A_12] : memref<1000000x64xf32, #tpu.memory_space<hbm>> -> memref<1000000x64xf32, #tpu.memory_space<hbm>>
    tpu.enqueue_indirect_dma source(%dma_start3A_13 : memref<1000000x64xf32, #tpu.memory_space<hbm>>) target(%dma_start3A_7 : memref<128x64xf32, #tpu.memory_space<vmem>>) offsets(%dma_start3A_10 : memref<128xi32, #tpu.memory_space<vmem>>) semaphore(%arg12 : memref<!tpu.dma_semaphore, #tpu.memory_space<semaphore_mem>>)
    %dma_start3A_14 = arith.constant 0 : i32
    %dma_start3A_15 = arith.constant 0 : i32
    %dma_start3A_16 = arith.constant 0 : i32
    %dma_start3A_17 = arith.constant 0 : i32
    %dma_start3A_18 = tpu.memref_slice %arg10[%dma_start3A_15, %dma_start3A_16, %dma_start3A_17] : memref<4x128x64xf32, #tpu.memory_space<vmem>> -> memref<1x128x64xf32, #tpu.memory_space<vmem>>
    %dma_start3A_19 = tpu.memref_squeeze %dma_start3A_18 : memref<1x128x64xf32, #tpu.memory_space<vmem>> -> memref<128x64xf32, #tpu.memory_space<vmem>>
    %dma_start3A_20 = arith.constant 0 : i32
    %dma_start3A_21 = tpu.memref_slice %arg8[%dma_start3A_14, %dma_start3A_20] : memref<200x128xi32, #tpu.memory_space<vmem>> -> memref<1x128xi32, #tpu.memory_space<vmem>>
    %dma_start3A_22 = tpu.memref_squeeze %dma_start3A_21 : memref<1x128xi32, #tpu.memory_space<vmem>> -> memref<128xi32, #tpu.memory_space<vmem>>
    %dma_start3A_23 = arith.constant 0 : i32
    %dma_start3A_24 = arith.constant 0 : i32
    %dma_start3A_25 = tpu.memref_slice %arg5[%dma_start3A_23, %dma_start3A_24] : memref<1000000x64xf32, #tpu.memory_space<hbm>> -> memref<1000000x64xf32, #tpu.memory_space<hbm>>
    tpu.enqueue_indirect_dma source(%dma_start3A_25 : memref<1000000x64xf32, #tpu.memory_space<hbm>>) target(%dma_start3A_19 : memref<128x64xf32, #tpu.memory_space<vmem>>) offsets(%dma_start3A_22 : memref<128xi32, #tpu.memory_space<vmem>>) semaphore(%arg12 : memref<!tpu.dma_semaphore, #tpu.memory_space<semaphore_mem>>)
    %dma_start3A_26 = arith.constant 1 : i32
    %dma_start3A_27 = arith.constant 1 : i32
    %dma_start3A_28 = arith.constant 0 : i32
    %dma_start3A_29 = arith.constant 0 : i32
    %dma_start3A_30 = tpu.memref_slice %arg9[%dma_start3A_27, %dma_start3A_28, %dma_start3A_29] : memref<4x128x64xf32, #tpu.memory_space<vmem>> -> memref<1x128x64xf32, #tpu.memory_space<vmem>>
    %dma_start3A_31 = tpu.memref_squeeze %dma_start3A_30 : memref<1x128x64xf32, #tpu.memory_space<vmem>> -> memref<128x64xf32, #tpu.memory_space<vmem>>
    %dma_start3A_32 = arith.constant 0 : i32
    %dma_start3A_33 = tpu.memref_slice %arg7[%dma_start3A_26, %dma_start3A_32] : memref<200x128xi32, #tpu.memory_space<vmem>> -> memref<1x128xi32, #tpu.memory_space<vmem>>
    %dma_start3A_34 = tpu.memref_squeeze %dma_start3A_33 : memref<1x128xi32, #tpu.memory_space<vmem>> -> memref<128xi32, #tpu.memory_space<vmem>>
    %dma_start3A_35 = arith.constant 0 : i32
    %dma_start3A_36 = arith.constant 0 : i32
    %dma_start3A_37 = tpu.memref_slice %arg4[%dma_start3A_35, %dma_start3A_36] : memref<1000000x64xf32, #tpu.memory_space<hbm>> -> memref<1000000x64xf32, #tpu.memory_space<hbm>>
    tpu.enqueue_indirect_dma source(%dma_start3A_37 : memref<1000000x64xf32, #tpu.memory_space<hbm>>) target(%dma_start3A_31 : memref<128x64xf32, #tpu.memory_space<vmem>>) offsets(%dma_start3A_34 : memref<128xi32, #tpu.memory_space<vmem>>) semaphore(%arg13 : memref<!tpu.dma_semaphore, #tpu.memory_space<semaphore_mem>>)
    %dma_start3A_38 = arith.constant 1 : i32
    %dma_start3A_39 = arith.constant 1 : i32
    %dma_start3A_40 = arith.constant 0 : i32
    %dma_start3A_41 = arith.constant 0 : i32
    %dma_start3A_42 = tpu.memref_slice %arg10[%dma_start3A_39, %dma_start3A_40, %dma_start3A_41] : memref<4x128x64xf32, #tpu.memory_space<vmem>> -> memref<1x128x64xf32, #tpu.memory_space<vmem>>
    %dma_start3A_43 = tpu.memref_squeeze %dma_start3A_42 : memref<1x128x64xf32, #tpu.memory_space<vmem>> -> memref<128x64xf32, #tpu.memory_space<vmem>>
    %dma_start3A_44 = arith.constant 0 : i32
    %dma_start3A_45 = tpu.memref_slice %arg8[%dma_start3A_38, %dma_start3A_44] : memref<200x128xi32, #tpu.memory_space<vmem>> -> memref<1x128xi32, #tpu.memory_space<vmem>>
    %dma_start3A_46 = tpu.memref_squeeze %dma_start3A_45 : memref<1x128xi32, #tpu.memory_space<vmem>> -> memref<128xi32, #tpu.memory_space<vmem>>
    %dma_start3A_47 = arith.constant 0 : i32
    %dma_start3A_48 = arith.constant 0 : i32
    %dma_start3A_49 = tpu.memref_slice %arg5[%dma_start3A_47, %dma_start3A_48] : memref<1000000x64xf32, #tpu.memory_space<hbm>> -> memref<1000000x64xf32, #tpu.memory_space<hbm>>
    tpu.enqueue_indirect_dma source(%dma_start3A_49 : memref<1000000x64xf32, #tpu.memory_space<hbm>>) target(%dma_start3A_43 : memref<128x64xf32, #tpu.memory_space<vmem>>) offsets(%dma_start3A_46 : memref<128xi32, #tpu.memory_space<vmem>>) semaphore(%arg13 : memref<!tpu.dma_semaphore, #tpu.memory_space<semaphore_mem>>)
    %dma_start3A_50 = arith.constant 2 : i32
    %dma_start3A_51 = arith.constant 2 : i32
    %dma_start3A_52 = arith.constant 0 : i32
    %dma_start3A_53 = arith.constant 0 : i32
    %dma_start3A_54 = tpu.memref_slice %arg9[%dma_start3A_51, %dma_start3A_52, %dma_start3A_53] : memref<4x128x64xf32, #tpu.memory_space<vmem>> -> memref<1x128x64xf32, #tpu.memory_space<vmem>>
    %dma_start3A_55 = tpu.memref_squeeze %dma_start3A_54 : memref<1x128x64xf32, #tpu.memory_space<vmem>> -> memref<128x64xf32, #tpu.memory_space<vmem>>
    %dma_start3A_56 = arith.constant 0 : i32
    %dma_start3A_57 = tpu.memref_slice %arg7[%dma_start3A_50, %dma_start3A_56] : memref<200x128xi32, #tpu.memory_space<vmem>> -> memref<1x128xi32, #tpu.memory_space<vmem>>
    %dma_start3A_58 = tpu.memref_squeeze %dma_start3A_57 : memref<1x128xi32, #tpu.memory_space<vmem>> -> memref<128xi32, #tpu.memory_space<vmem>>
    %dma_start3A_59 = arith.constant 0 : i32
    %dma_start3A_60 = arith.constant 0 : i32
    %dma_start3A_61 = tpu.memref_slice %arg4[%dma_start3A_59, %dma_start3A_60] : memref<1000000x64xf32, #tpu.memory_space<hbm>> -> memref<1000000x64xf32, #tpu.memory_space<hbm>>
    tpu.enqueue_indirect_dma source(%dma_start3A_61 : memref<1000000x64xf32, #tpu.memory_space<hbm>>) target(%dma_start3A_55 : memref<128x64xf32, #tpu.memory_space<vmem>>) offsets(%dma_start3A_58 : memref<128xi32, #tpu.memory_space<vmem>>) semaphore(%arg14 : memref<!tpu.dma_semaphore, #tpu.memory_space<semaphore_mem>>)
    %dma_start3A_62 = arith.constant 2 : i32
    %dma_start3A_63 = arith.constant 2 : i32
    %dma_start3A_64 = arith.constant 0 : i32
    %dma_start3A_65 = arith.constant 0 : i32
    %dma_start3A_66 = tpu.memref_slice %arg10[%dma_start3A_63, %dma_start3A_64, %dma_start3A_65] : memref<4x128x64xf32, #tpu.memory_space<vmem>> -> memref<1x128x64xf32, #tpu.memory_space<vmem>>
    %dma_start3A_67 = tpu.memref_squeeze %dma_start3A_66 : memref<1x128x64xf32, #tpu.memory_space<vmem>> -> memref<128x64xf32, #tpu.memory_space<vmem>>
    %dma_start3A_68 = arith.constant 0 : i32
    %dma_start3A_69 = tpu.memref_slice %arg8[%dma_start3A_62, %dma_start3A_68] : memref<200x128xi32, #tpu.memory_space<vmem>> -> memref<1x128xi32, #tpu.memory_space<vmem>>
    %dma_start3A_70 = tpu.memref_squeeze %dma_start3A_69 : memref<1x128xi32, #tpu.memory_space<vmem>> -> memref<128xi32, #tpu.memory_space<vmem>>
    %dma_start3A_71 = arith.constant 0 : i32
    %dma_start3A_72 = arith.constant 0 : i32
    %dma_start3A_73 = tpu.memref_slice %arg5[%dma_start3A_71, %dma_start3A_72] : memref<1000000x64xf32, #tpu.memory_space<hbm>> -> memref<1000000x64xf32, #tpu.memory_space<hbm>>
    tpu.enqueue_indirect_dma source(%dma_start3A_73 : memref<1000000x64xf32, #tpu.memory_space<hbm>>) target(%dma_start3A_67 : memref<128x64xf32, #tpu.memory_space<vmem>>) offsets(%dma_start3A_70 : memref<128xi32, #tpu.memory_space<vmem>>) semaphore(%arg14 : memref<!tpu.dma_semaphore, #tpu.memory_space<semaphore_mem>>)
    %broadcast_in_dim3A = arith.constant 0.000000e+00 : f32
    %broadcast_in_dim3A_74 = vector.broadcast %broadcast_in_dim3A : f32 to vector<16xf32>
    %broadcast_in_dim3A_75 = arith.constant 0.000000e+00 : f32
    %broadcast_in_dim3A_76 = vector.broadcast %broadcast_in_dim3A_75 : f32 to vector<16xf32>
    %broadcast_in_dim3A_77 = arith.constant 0.000000e+00 : f32
    %broadcast_in_dim3A_78 = vector.broadcast %broadcast_in_dim3A_77 : f32 to vector<16xf32>
    %broadcast_in_dim3A_79 = arith.constant 0.000000e+00 : f32
    %broadcast_in_dim3A_80 = vector.broadcast %broadcast_in_dim3A_79 : f32 to vector<16xf32>
    %broadcast_in_dim3A_81 = arith.constant 0.000000e+00 : f32
    %broadcast_in_dim3A_82 = vector.broadcast %broadcast_in_dim3A_81 : f32 to vector<16xf32>
    %broadcast_in_dim3A_83 = arith.constant 0.000000e+00 : f32
    %broadcast_in_dim3A_84 = vector.broadcast %broadcast_in_dim3A_83 : f32 to vector<16xf32>
    %broadcast_in_dim3A_85 = arith.constant 0.000000e+00 : f32
    %broadcast_in_dim3A_86 = vector.broadcast %broadcast_in_dim3A_85 : f32 to vector<16xf32>
    %broadcast_in_dim3A_87 = arith.constant 0.000000e+00 : f32
    %broadcast_in_dim3A_88 = vector.broadcast %broadcast_in_dim3A_87 : f32 to vector<16xf32>
    %scan3A = arith.constant 0 : i32
    %scan3A_89 = arith.constant 50 : i32
    %scan3A_90 = arith.addi %scan3A, %scan3A_89 : i32
    %scan3A_91 = arith.constant 1 : i32
    %scan3A_92:8 = scf.for %scan3A_193 = %scan3A to %scan3A_90 step %scan3A_91 iter_args(%scan3A_194 = %broadcast_in_dim3A_74, %scan3A_195 = %broadcast_in_dim3A_76, %scan3A_196 = %broadcast_in_dim3A_78, %scan3A_197 = %broadcast_in_dim3A_80, %scan3A_198 = %broadcast_in_dim3A_82, %scan3A_199 = %broadcast_in_dim3A_84, %scan3A_200 = %broadcast_in_dim3A_86, %scan3A_201 = %broadcast_in_dim3A_88) -> (vector<16xf32>, vector<16xf32>, vector<16xf32>, vector<16xf32>, vector<16xf32>, vector<16xf32>, vector<16xf32>, vector<16xf32>)  : i32 {
      %mul3A_202 = arith.constant 4 : i32
      %mul3A_203 = arith.muli %scan3A_193, %mul3A_202 : i32
      %add3A_204 = arith.constant 0 : i32
      %add3A_205 = arith.addi %mul3A_203, %add3A_204 : i32
      %add3A_206 = arith.constant 4 : i32
      %add3A_207 = arith.addi %add3A_205, %add3A_206 : i32
      %sub3A = arith.constant 1 : i32
      %sub3A_208 = arith.subi %add3A_207, %sub3A : i32
      %min3A = arith.constant 199 : i32
      %min3A_209 = arith.minsi %sub3A_208, %min3A : i32
      %dma_start3A_210 = arith.constant 3 : i32
      %dma_start3A_211 = arith.constant 0 : i32
      %dma_start3A_212 = arith.constant 0 : i32
      %dma_start3A_213 = tpu.memref_slice %arg9[%dma_start3A_210, %dma_start3A_211, %dma_start3A_212] : memref<4x128x64xf32, #tpu.memory_space<vmem>> -> memref<1x128x64xf32, #tpu.memory_space<vmem>>
      %dma_start3A_214 = tpu.memref_squeeze %dma_start3A_213 : memref<1x128x64xf32, #tpu.memory_space<vmem>> -> memref<128x64xf32, #tpu.memory_space<vmem>>
      %dma_start3A_215 = arith.constant 0 : i32
      %dma_start3A_216 = tpu.memref_slice %arg7[%min3A_209, %dma_start3A_215] : memref<200x128xi32, #tpu.memory_space<vmem>> -> memref<1x128xi32, #tpu.memory_space<vmem>>
      %dma_start3A_217 = tpu.memref_squeeze %dma_start3A_216 : memref<1x128xi32, #tpu.memory_space<vmem>> -> memref<128xi32, #tpu.memory_space<vmem>>
      %dma_start3A_218 = arith.constant 0 : i32
      %dma_start3A_219 = arith.constant 0 : i32
      %dma_start3A_220 = tpu.memref_slice %arg4[%dma_start3A_218, %dma_start3A_219] : memref<1000000x64xf32, #tpu.memory_space<hbm>> -> memref<1000000x64xf32, #tpu.memory_space<hbm>>
      tpu.enqueue_indirect_dma source(%dma_start3A_220 : memref<1000000x64xf32, #tpu.memory_space<hbm>>) target(%dma_start3A_214 : memref<128x64xf32, #tpu.memory_space<vmem>>) offsets(%dma_start3A_217 : memref<128xi32, #tpu.memory_space<vmem>>) semaphore(%arg15 : memref<!tpu.dma_semaphore, #tpu.memory_space<semaphore_mem>>)
      %dma_start3A_221 = arith.constant 3 : i32
      %dma_start3A_222 = arith.constant 0 : i32
      %dma_start3A_223 = arith.constant 0 : i32
      %dma_start3A_224 = tpu.memref_slice %arg10[%dma_start3A_221, %dma_start3A_222, %dma_start3A_223] : memref<4x128x64xf32, #tpu.memory_space<vmem>> -> memref<1x128x64xf32, #tpu.memory_space<vmem>>
      %dma_start3A_225 = tpu.memref_squeeze %dma_start3A_224 : memref<1x128x64xf32, #tpu.memory_space<vmem>> -> memref<128x64xf32, #tpu.memory_space<vmem>>
      %dma_start3A_226 = arith.constant 0 : i32
      %dma_start3A_227 = tpu.memref_slice %arg8[%min3A_209, %dma_start3A_226] : memref<200x128xi32, #tpu.memory_space<vmem>> -> memref<1x128xi32, #tpu.memory_space<vmem>>
      %dma_start3A_228 = tpu.memref_squeeze %dma_start3A_227 : memref<1x128xi32, #tpu.memory_space<vmem>> -> memref<128xi32, #tpu.memory_space<vmem>>
      %dma_start3A_229 = arith.constant 0 : i32
      %dma_start3A_230 = arith.constant 0 : i32
      %dma_start3A_231 = tpu.memref_slice %arg5[%dma_start3A_229, %dma_start3A_230] : memref<1000000x64xf32, #tpu.memory_space<hbm>> -> memref<1000000x64xf32, #tpu.memory_space<hbm>>
      tpu.enqueue_indirect_dma source(%dma_start3A_231 : memref<1000000x64xf32, #tpu.memory_space<hbm>>) target(%dma_start3A_225 : memref<128x64xf32, #tpu.memory_space<vmem>>) offsets(%dma_start3A_228 : memref<128xi32, #tpu.memory_space<vmem>>) semaphore(%arg15 : memref<!tpu.dma_semaphore, #tpu.memory_space<semaphore_mem>>)
      %dma_wait3A_232 = arith.constant 0 : i32
      %dma_wait3A_233 = arith.constant 0 : i32
      %dma_wait3A_234 = arith.constant 0 : i32
      %dma_wait3A_235 = tpu.memref_slice %arg9[%dma_wait3A_232, %dma_wait3A_233, %dma_wait3A_234] : memref<4x128x64xf32, #tpu.memory_space<vmem>> -> memref<1x128x64xf32, #tpu.memory_space<vmem>>
      %dma_wait3A_236 = tpu.memref_squeeze %dma_wait3A_235 : memref<1x128x64xf32, #tpu.memory_space<vmem>> -> memref<128x64xf32, #tpu.memory_space<vmem>>
      %dma_wait3A_237 = arith.constant 0 : i32
      %dma_wait3A_238 = arith.constant 0 : i32
      %dma_wait3A_239 = tpu.memref_slice %arg4[%dma_wait3A_237, %dma_wait3A_238] : memref<1000000x64xf32, #tpu.memory_space<hbm>> -> memref<128x64xf32, #tpu.memory_space<hbm>>
      %dma_wait3A_240 = arith.constant 0 : i32
      %dma_wait3A_241 = arith.constant 0 : i32
      %dma_wait3A_242 = tpu.memref_slice %arg9[%dma_wait3A_232, %dma_wait3A_240, %dma_wait3A_241] : memref<4x128x64xf32, #tpu.memory_space<vmem>> -> memref<1x128x64xf32, #tpu.memory_space<vmem>>
      %dma_wait3A_243 = tpu.memref_squeeze %dma_wait3A_242 : memref<1x128x64xf32, #tpu.memory_space<vmem>> -> memref<128x64xf32, #tpu.memory_space<vmem>>
      %dma_wait3A_244 = arith.constant 0 : i32
      %dma_wait3A_245 = arith.constant 0 : i32
      %dma_wait3A_246 = tpu.memref_slice %arg4[%dma_wait3A_244, %dma_wait3A_245] : memref<1000000x64xf32, #tpu.memory_space<hbm>> -> memref<128x64xf32, #tpu.memory_space<hbm>>
      tpu.wait_dma2 semaphore(%arg12 : memref<!tpu.dma_semaphore, #tpu.memory_space<semaphore_mem>>) src(%dma_wait3A_246 : memref<128x64xf32, #tpu.memory_space<hbm>>) dst(%dma_wait3A_243 : memref<128x64xf32, #tpu.memory_space<vmem>>)
      %dma_wait3A_247 = arith.constant 0 : i32
      %dma_wait3A_248 = arith.constant 0 : i32
      %dma_wait3A_249 = arith.constant 0 : i32
      %dma_wait3A_250 = tpu.memref_slice %arg10[%dma_wait3A_247, %dma_wait3A_248, %dma_wait3A_249] : memref<4x128x64xf32, #tpu.memory_space<vmem>> -> memref<1x128x64xf32, #tpu.memory_space<vmem>>
      %dma_wait3A_251 = tpu.memref_squeeze %dma_wait3A_250 : memref<1x128x64xf32, #tpu.memory_space<vmem>> -> memref<128x64xf32, #tpu.memory_space<vmem>>
      %dma_wait3A_252 = arith.constant 0 : i32
      %dma_wait3A_253 = arith.constant 0 : i32
      %dma_wait3A_254 = tpu.memref_slice %arg5[%dma_wait3A_252, %dma_wait3A_253] : memref<1000000x64xf32, #tpu.memory_space<hbm>> -> memref<128x64xf32, #tpu.memory_space<hbm>>
      %dma_wait3A_255 = arith.constant 0 : i32
      %dma_wait3A_256 = arith.constant 0 : i32
      %dma_wait3A_257 = tpu.memref_slice %arg10[%dma_wait3A_247, %dma_wait3A_255, %dma_wait3A_256] : memref<4x128x64xf32, #tpu.memory_space<vmem>> -> memref<1x128x64xf32, #tpu.memory_space<vmem>>
      %dma_wait3A_258 = tpu.memref_squeeze %dma_wait3A_257 : memref<1x128x64xf32, #tpu.memory_space<vmem>> -> memref<128x64xf32, #tpu.memory_space<vmem>>
      %dma_wait3A_259 = arith.constant 0 : i32
      %dma_wait3A_260 = arith.constant 0 : i32
      %dma_wait3A_261 = tpu.memref_slice %arg5[%dma_wait3A_259, %dma_wait3A_260] : memref<1000000x64xf32, #tpu.memory_space<hbm>> -> memref<128x64xf32, #tpu.memory_space<hbm>>
      tpu.wait_dma2 semaphore(%arg12 : memref<!tpu.dma_semaphore, #tpu.memory_space<semaphore_mem>>) src(%dma_wait3A_261 : memref<128x64xf32, #tpu.memory_space<hbm>>) dst(%dma_wait3A_258 : memref<128x64xf32, #tpu.memory_space<vmem>>)
      %scan3A_262 = arith.constant 0 : i32
      %scan3A_263 = arith.constant 32 : i32
      %scan3A_264 = arith.addi %scan3A_262, %scan3A_263 : i32
      %scan3A_265 = arith.constant 1 : i32
      %scan3A_266:8 = scf.for %scan3A_472 = %scan3A_262 to %scan3A_264 step %scan3A_265 iter_args(%scan3A_473 = %scan3A_194, %scan3A_474 = %scan3A_195, %scan3A_475 = %scan3A_196, %scan3A_476 = %scan3A_197, %scan3A_477 = %scan3A_198, %scan3A_478 = %scan3A_199, %scan3A_479 = %scan3A_200, %scan3A_480 = %scan3A_201) -> (vector<16xf32>, vector<16xf32>, vector<16xf32>, vector<16xf32>, vector<16xf32>, vector<16xf32>, vector<16xf32>, vector<16xf32>)  : i32 {
        %mul3A_481 = arith.constant 4 : i32
        %mul3A_482 = arith.muli %scan3A_472, %mul3A_481 : i32
        %add3A_483 = arith.constant 0 : i32
        %add3A_484 = arith.addi %mul3A_482, %add3A_483 : i32
        %get3A = arith.constant 0 : i32
        %get3A_485 = arith.index_cast %get3A : i32 to index
        %get3A_486 = arith.index_cast %add3A_484 : i32 to index
        %get3A_487 = arith.constant 0 : index
        %get3A_488 = tpu.vector_load %arg9[%get3A_485, %get3A_486, %get3A_487] {strides = array<i32>} : memref<4x128x64xf32, #tpu.memory_space<vmem>>, vector<1x1x16xf32>,
        %get3A_489 = vector.shape_cast %get3A_488 : vector<1x1x16xf32> to vector<16xf32>
        %mul3A_490 = arith.constant 4 : i32
        %mul3A_491 = arith.muli %scan3A_472, %mul3A_490 : i32
        %add3A_492 = arith.constant 0 : i32
        %add3A_493 = arith.addi %mul3A_491, %add3A_492 : i32
        %get3A_494 = arith.constant 0 : i32
        %get3A_495 = arith.index_cast %get3A_494 : i32 to index
        %get3A_496 = arith.index_cast %add3A_493 : i32 to index
        %get3A_497 = arith.constant 0 : index
        %get3A_498 = tpu.vector_load %arg10[%get3A_495, %get3A_496, %get3A_497] {strides = array<i32>} : memref<4x128x64xf32, #tpu.memory_space<vmem>>, vector<1x1x16xf32>,
        %get3A_499 = vector.shape_cast %get3A_498 : vector<1x1x16xf32> to vector<16xf32>
        %mul3A_500 = arith.mulf %get3A_489, %get3A_499 : vector<16xf32>
        %add3A_501 = arith.addf %scan3A_473, %mul3A_500 : vector<16xf32>
        %mul3A_502 = arith.constant 4 : i32
        %mul3A_503 = arith.muli %scan3A_472, %mul3A_502 : i32
        %add3A_504 = arith.constant 0 : i32
        %add3A_505 = arith.addi %mul3A_503, %add3A_504 : i32
        %get3A_506 = arith.constant 0 : i32
        %get3A_507 = arith.index_cast %get3A_506 : i32 to index
        %get3A_508 = arith.index_cast %add3A_505 : i32 to index
        %get3A_509 = arith.constant 16 : index
        %get3A_510 = tpu.vector_load %arg9[%get3A_507, %get3A_508, %get3A_509] {strides = array<i32>} : memref<4x128x64xf32, #tpu.memory_space<vmem>>, vector<1x1x16xf32>,
        %get3A_511 = vector.shape_cast %get3A_510 : vector<1x1x16xf32> to vector<16xf32>
        %mul3A_512 = arith.constant 4 : i32
        %mul3A_513 = arith.muli %scan3A_472, %mul3A_512 : i32
        %add3A_514 = arith.constant 0 : i32
        %add3A_515 = arith.addi %mul3A_513, %add3A_514 : i32
        %get3A_516 = arith.constant 0 : i32
        %get3A_517 = arith.index_cast %get3A_516 : i32 to index
        %get3A_518 = arith.index_cast %add3A_515 : i32 to index
        %get3A_519 = arith.constant 16 : index
        %get3A_520 = tpu.vector_load %arg10[%get3A_517, %get3A_518, %get3A_519] {strides = array<i32>} : memref<4x128x64xf32, #tpu.memory_space<vmem>>, vector<1x1x16xf32>,
        %get3A_521 = vector.shape_cast %get3A_520 : vector<1x1x16xf32> to vector<16xf32>
        %mul3A_522 = arith.mulf %get3A_511, %get3A_521 : vector<16xf32>
        %add3A_523 = arith.addf %scan3A_474, %mul3A_522 : vector<16xf32>
        %mul3A_524 = arith.constant 4 : i32
        %mul3A_525 = arith.muli %scan3A_472, %mul3A_524 : i32
        %add3A_526 = arith.constant 0 : i32
        %add3A_527 = arith.addi %mul3A_525, %add3A_526 : i32
        %get3A_528 = arith.constant 0 : i32
        %get3A_529 = arith.index_cast %get3A_528 : i32 to index
        %get3A_530 = arith.index_cast %add3A_527 : i32 to index
        %get3A_531 = arith.constant 32 : index
        %get3A_532 = tpu.vector_load %arg9[%get3A_529, %get3A_530, %get3A_531] {strides = array<i32>} : memref<4x128x64xf32, #tpu.memory_space<vmem>>, vector<1x1x16xf32>,
        %get3A_533 = vector.shape_cast %get3A_532 : vector<1x1x16xf32> to vector<16xf32>
        %mul3A_534 = arith.constant 4 : i32
        %mul3A_535 = arith.muli %scan3A_472, %mul3A_534 : i32
        %add3A_536 = arith.constant 0 : i32
        %add3A_537 = arith.addi %mul3A_535, %add3A_536 : i32
        %get3A_538 = arith.constant 0 : i32
        %get3A_539 = arith.index_cast %get3A_538 : i32 to index
        %get3A_540 = arith.index_cast %add3A_537 : i32 to index
        %get3A_541 = arith.constant 32 : index
        %get3A_542 = tpu.vector_load %arg10[%get3A_539, %get3A_540, %get3A_541] {strides = array<i32>} : memref<4x128x64xf32, #tpu.memory_space<vmem>>, vector<1x1x16xf32>,
        %get3A_543 = vector.shape_cast %get3A_542 : vector<1x1x16xf32> to vector<16xf32>
        %mul3A_544 = arith.mulf %get3A_533, %get3A_543 : vector<16xf32>
        %add3A_545 = arith.addf %scan3A_475, %mul3A_544 : vector<16xf32>
        %mul3A_546 = arith.constant 4 : i32
        %mul3A_547 = arith.muli %scan3A_472, %mul3A_546 : i32
        %add3A_548 = arith.constant 0 : i32
        %add3A_549 = arith.addi %mul3A_547, %add3A_548 : i32
        %get3A_550 = arith.constant 0 : i32
        %get3A_551 = arith.index_cast %get3A_550 : i32 to index
        %get3A_552 = arith.index_cast %add3A_549 : i32 to index
        %get3A_553 = arith.constant 48 : index
        %get3A_554 = tpu.vector_load %arg9[%get3A_551, %get3A_552, %get3A_553] {strides = array<i32>} : memref<4x128x64xf32, #tpu.memory_space<vmem>>, vector<1x1x16xf32>,
        %get3A_555 = vector.shape_cast %get3A_554 : vector<1x1x16xf32> to vector<16xf32>
        %mul3A_556 = arith.constant 4 : i32
        %mul3A_557 = arith.muli %scan3A_472, %mul3A_556 : i32
        %add3A_558 = arith.constant 0 : i32
        %add3A_559 = arith.addi %mul3A_557, %add3A_558 : i32
        %get3A_560 = arith.constant 0 : i32
        %get3A_561 = arith.index_cast %get3A_560 : i32 to index
        %get3A_562 = arith.index_cast %add3A_559 : i32 to index
        %get3A_563 = arith.constant 48 : index
        %get3A_564 = tpu.vector_load %arg10[%get3A_561, %get3A_562, %get3A_563] {strides = array<i32>} : memref<4x128x64xf32, #tpu.memory_space<vmem>>, vector<1x1x16xf32>,
        %get3A_565 = vector.shape_cast %get3A_564 : vector<1x1x16xf32> to vector<16xf32>
        %mul3A_566 = arith.mulf %get3A_555, %get3A_565 : vector<16xf32>
        %add3A_567 = arith.addf %scan3A_476, %mul3A_566 : vector<16xf32>
        %mul3A_568 = arith.constant 4 : i32
        %mul3A_569 = arith.muli %scan3A_472, %mul3A_568 : i32
        %add3A_570 = arith.constant 1 : i32
        %add3A_571 = arith.addi %mul3A_569, %add3A_570 : i32
        %get3A_572 = arith.constant 0 : i32
        %get3A_573 = arith.index_cast %get3A_572 : i32 to index
        %get3A_574 = arith.index_cast %add3A_571 : i32 to index
        %get3A_575 = arith.constant 0 : index
        %get3A_576 = tpu.vector_load %arg9[%get3A_573, %get3A_574, %get3A_575] {strides = array<i32>} : memref<4x128x64xf32, #tpu.memory_space<vmem>>, vector<1x1x16xf32>,
        %get3A_577 = vector.shape_cast %get3A_576 : vector<1x1x16xf32> to vector<16xf32>
        %mul3A_578 = arith.constant 4 : i32
        %mul3A_579 = arith.muli %scan3A_472, %mul3A_578 : i32
        %add3A_580 = arith.constant 1 : i32
        %add3A_581 = arith.addi %mul3A_579, %add3A_580 : i32
        %get3A_582 = arith.constant 0 : i32
        %get3A_583 = arith.index_cast %get3A_582 : i32 to index
        %get3A_584 = arith.index_cast %add3A_581 : i32 to index
        %get3A_585 = arith.constant 0 : index
        %get3A_586 = tpu.vector_load %arg10[%get3A_583, %get3A_584, %get3A_585] {strides = array<i32>} : memref<4x128x64xf32, #tpu.memory_space<vmem>>, vector<1x1x16xf32>,
        %get3A_587 = vector.shape_cast %get3A_586 : vector<1x1x16xf32> to vector<16xf32>
        %mul3A_588 = arith.mulf %get3A_577, %get3A_587 : vector<16xf32>
        %add3A_589 = arith.addf %scan3A_477, %mul3A_588 : vector<16xf32>
        %mul3A_590 = arith.constant 4 : i32
        %mul3A_591 = arith.muli %scan3A_472, %mul3A_590 : i32
        %add3A_592 = arith.constant 1 : i32
        %add3A_593 = arith.addi %mul3A_591, %add3A_592 : i32
        %get3A_594 = arith.constant 0 : i32
        %get3A_595 = arith.index_cast %get3A_594 : i32 to index
        %get3A_596 = arith.index_cast %add3A_593 : i32 to index
        %get3A_597 = arith.constant 16 : index
        %get3A_598 = tpu.vector_load %arg9[%get3A_595, %get3A_596, %get3A_597] {strides = array<i32>} : memref<4x128x64xf32, #tpu.memory_space<vmem>>, vector<1x1x16xf32>,
        %get3A_599 = vector.shape_cast %get3A_598 : vector<1x1x16xf32> to vector<16xf32>
        %mul3A_600 = arith.constant 4 : i32
        %mul3A_601 = arith.muli %scan3A_472, %mul3A_600 : i32
        %add3A_602 = arith.constant 1 : i32
        %add3A_603 = arith.addi %mul3A_601, %add3A_602 : i32
        %get3A_604 = arith.constant 0 : i32
        %get3A_605 = arith.index_cast %get3A_604 : i32 to index
        %get3A_606 = arith.index_cast %add3A_603 : i32 to index
        %get3A_607 = arith.constant 16 : index
        %get3A_608 = tpu.vector_load %arg10[%get3A_605, %get3A_606, %get3A_607] {strides = array<i32>} : memref<4x128x64xf32, #tpu.memory_space<vmem>>, vector<1x1x16xf32>,
        %get3A_609 = vector.shape_cast %get3A_608 : vector<1x1x16xf32> to vector<16xf32>
        %mul3A_610 = arith.mulf %get3A_599, %get3A_609 : vector<16xf32>
        %add3A_611 = arith.addf %scan3A_478, %mul3A_610 : vector<16xf32>
        %mul3A_612 = arith.constant 4 : i32
        %mul3A_613 = arith.muli %scan3A_472, %mul3A_612 : i32
        %add3A_614 = arith.constant 1 : i32
        %add3A_615 = arith.addi %mul3A_613, %add3A_614 : i32
        %get3A_616 = arith.constant 0 : i32
        %get3A_617 = arith.index_cast %get3A_616 : i32 to index
        %get3A_618 = arith.index_cast %add3A_615 : i32 to index
        %get3A_619 = arith.constant 32 : index
        %get3A_620 = tpu.vector_load %arg9[%get3A_617, %get3A_618, %get3A_619] {strides = array<i32>} : memref<4x128x64xf32, #tpu.memory_space<vmem>>, vector<1x1x16xf32>,
        %get3A_621 = vector.shape_cast %get3A_620 : vector<1x1x16xf32> to vector<16xf32>
        %mul3A_622 = arith.constant 4 : i32
        %mul3A_623 = arith.muli %scan3A_472, %mul3A_622 : i32
        %add3A_624 = arith.constant 1 : i32
        %add3A_625 = arith.addi %mul3A_623, %add3A_624 : i32
        %get3A_626 = arith.constant 0 : i32
        %get3A_627 = arith.index_cast %get3A_626 : i32 to index
        %get3A_628 = arith.index_cast %add3A_625 : i32 to index
        %get3A_629 = arith.constant 32 : index
        %get3A_630 = tpu.vector_load %arg10[%get3A_627, %get3A_628, %get3A_629] {strides = array<i32>} : memref<4x128x64xf32, #tpu.memory_space<vmem>>, vector<1x1x16xf32>,
        %get3A_631 = vector.shape_cast %get3A_630 : vector<1x1x16xf32> to vector<16xf32>
        %mul3A_632 = arith.mulf %get3A_621, %get3A_631 : vector<16xf32>
        %add3A_633 = arith.addf %scan3A_479, %mul3A_632 : vector<16xf32>
        %mul3A_634 = arith.constant 4 : i32
        %mul3A_635 = arith.muli %scan3A_472, %mul3A_634 : i32
        %add3A_636 = arith.constant 1 : i32
        %add3A_637 = arith.addi %mul3A_635, %add3A_636 : i32
        %get3A_638 = arith.constant 0 : i32
        %get3A_639 = arith.index_cast %get3A_638 : i32 to index
        %get3A_640 = arith.index_cast %add3A_637 : i32 to index
        %get3A_641 = arith.constant 48 : index
        %get3A_642 = tpu.vector_load %arg9[%get3A_639, %get3A_640, %get3A_641] {strides = array<i32>} : memref<4x128x64xf32, #tpu.memory_space<vmem>>, vector<1x1x16xf32>,
        %get3A_643 = vector.shape_cast %get3A_642 : vector<1x1x16xf32> to vector<16xf32>
        %mul3A_644 = arith.constant 4 : i32
        %mul3A_645 = arith.muli %scan3A_472, %mul3A_644 : i32
        %add3A_646 = arith.constant 1 : i32
        %add3A_647 = arith.addi %mul3A_645, %add3A_646 : i32
        %get3A_648 = arith.constant 0 : i32
        %get3A_649 = arith.index_cast %get3A_648 : i32 to index
        %get3A_650 = arith.index_cast %add3A_647 : i32 to index
        %get3A_651 = arith.constant 48 : index
        %get3A_652 = tpu.vector_load %arg10[%get3A_649, %get3A_650, %get3A_651] {strides = array<i32>} : memref<4x128x64xf32, #tpu.memory_space<vmem>>, vector<1x1x16xf32>,
        %get3A_653 = vector.shape_cast %get3A_652 : vector<1x1x16xf32> to vector<16xf32>
        %mul3A_654 = arith.mulf %get3A_643, %get3A_653 : vector<16xf32>
        %add3A_655 = arith.addf %scan3A_480, %mul3A_654 : vector<16xf32>
        %mul3A_656 = arith.constant 4 : i32
        %mul3A_657 = arith.muli %scan3A_472, %mul3A_656 : i32
        %add3A_658 = arith.constant 2 : i32
        %add3A_659 = arith.addi %mul3A_657, %add3A_658 : i32
        %get3A_660 = arith.constant 0 : i32
        %get3A_661 = arith.index_cast %get3A_660 : i32 to index
        %get3A_662 = arith.index_cast %add3A_659 : i32 to index
        %get3A_663 = arith.constant 0 : index
        %get3A_664 = tpu.vector_load %arg9[%get3A_661, %get3A_662, %get3A_663] {strides = array<i32>} : memref<4x128x64xf32, #tpu.memory_space<vmem>>, vector<1x1x16xf32>,
        %get3A_665 = vector.shape_cast %get3A_664 : vector<1x1x16xf32> to vector<16xf32>
        %mul3A_666 = arith.constant 4 : i32
        %mul3A_667 = arith.muli %scan3A_472, %mul3A_666 : i32
        %add3A_668 = arith.constant 2 : i32
        %add3A_669 = arith.addi %mul3A_667, %add3A_668 : i32
        %get3A_670 = arith.constant 0 : i32
        %get3A_671 = arith.index_cast %get3A_670 : i32 to index
        %get3A_672 = arith.index_cast %add3A_669 : i32 to index
        %get3A_673 = arith.constant 0 : index
        %get3A_674 = tpu.vector_load %arg10[%get3A_671, %get3A_672, %get3A_673] {strides = array<i32>} : memref<4x128x64xf32, #tpu.memory_space<vmem>>, vector<1x1x16xf32>,
        %get3A_675 = vector.shape_cast %get3A_674 : vector<1x1x16xf32> to vector<16xf32>
        %mul3A_676 = arith.mulf %get3A_665, %get3A_675 : vector<16xf32>
        %add3A_677 = arith.addf %add3A_501, %mul3A_676 : vector<16xf32>
        %mul3A_678 = arith.constant 4 : i32
        %mul3A_679 = arith.muli %scan3A_472, %mul3A_678 : i32
        %add3A_680 = arith.constant 2 : i32
        %add3A_681 = arith.addi %mul3A_679, %add3A_680 : i32
        %get3A_682 = arith.constant 0 : i32
        %get3A_683 = arith.index_cast %get3A_682 : i32 to index
        %get3A_684 = arith.index_cast %add3A_681 : i32 to index
        %get3A_685 = arith.constant 16 : index
        %get3A_686 = tpu.vector_load %arg9[%get3A_683, %get3A_684, %get3A_685] {strides = array<i32>} : memref<4x128x64xf32, #tpu.memory_space<vmem>>, vector<1x1x16xf32>,
        %get3A_687 = vector.shape_cast %get3A_686 : vector<1x1x16xf32> to vector<16xf32>
        %mul3A_688 = arith.constant 4 : i32
        %mul3A_689 = arith.muli %scan3A_472, %mul3A_688 : i32
        %add3A_690 = arith.constant 2 : i32
        %add3A_691 = arith.addi %mul3A_689, %add3A_690 : i32
        %get3A_692 = arith.constant 0 : i32
        %get3A_693 = arith.index_cast %get3A_692 : i32 to index
        %get3A_694 = arith.index_cast %add3A_691 : i32 to index
        %get3A_695 = arith.constant 16 : index
        %get3A_696 = tpu.vector_load %arg10[%get3A_693, %get3A_694, %get3A_695] {strides = array<i32>} : memref<4x128x64xf32, #tpu.memory_space<vmem>>, vector<1x1x16xf32>,
        %get3A_697 = vector.shape_cast %get3A_696 : vector<1x1x16xf32> to vector<16xf32>
        %mul3A_698 = arith.mulf %get3A_687, %get3A_697 : vector<16xf32>
        %add3A_699 = arith.addf %add3A_523, %mul3A_698 : vector<16xf32>
        %mul3A_700 = arith.constant 4 : i32
        %mul3A_701 = arith.muli %scan3A_472, %mul3A_700 : i32
        %add3A_702 = arith.constant 2 : i32
        %add3A_703 = arith.addi %mul3A_701, %add3A_702 : i32
        %get3A_704 = arith.constant 0 : i32
        %get3A_705 = arith.index_cast %get3A_704 : i32 to index
        %get3A_706 = arith.index_cast %add3A_703 : i32 to index
        %get3A_707 = arith.constant 32 : index
        %get3A_708 = tpu.vector_load %arg9[%get3A_705, %get3A_706, %get3A_707] {strides = array<i32>} : memref<4x128x64xf32, #tpu.memory_space<vmem>>, vector<1x1x16xf32>,
        %get3A_709 = vector.shape_cast %get3A_708 : vector<1x1x16xf32> to vector<16xf32>
        %mul3A_710 = arith.constant 4 : i32
        %mul3A_711 = arith.muli %scan3A_472, %mul3A_710 : i32
        %add3A_712 = arith.constant 2 : i32
        %add3A_713 = arith.addi %mul3A_711, %add3A_712 : i32
        %get3A_714 = arith.constant 0 : i32
        %get3A_715 = arith.index_cast %get3A_714 : i32 to index
        %get3A_716 = arith.index_cast %add3A_713 : i32 to index
        %get3A_717 = arith.constant 32 : index
        %get3A_718 = tpu.vector_load %arg10[%get3A_715, %get3A_716, %get3A_717] {strides = array<i32>} : memref<4x128x64xf32, #tpu.memory_space<vmem>>, vector<1x1x16xf32>,
        %get3A_719 = vector.shape_cast %get3A_718 : vector<1x1x16xf32> to vector<16xf32>
        %mul3A_720 = arith.mulf %get3A_709, %get3A_719 : vector<16xf32>
        %add3A_721 = arith.addf %add3A_545, %mul3A_720 : vector<16xf32>
        %mul3A_722 = arith.constant 4 : i32
        %mul3A_723 = arith.muli %scan3A_472, %mul3A_722 : i32
        %add3A_724 = arith.constant 2 : i32
        %add3A_725 = arith.addi %mul3A_723, %add3A_724 : i32
        %get3A_726 = arith.constant 0 : i32
        %get3A_727 = arith.index_cast %get3A_726 : i32 to index
        %get3A_728 = arith.index_cast %add3A_725 : i32 to index
        %get3A_729 = arith.constant 48 : index
        %get3A_730 = tpu.vector_load %arg9[%get3A_727, %get3A_728, %get3A_729] {strides = array<i32>} : memref<4x128x64xf32, #tpu.memory_space<vmem>>, vector<1x1x16xf32>,
        %get3A_731 = vector.shape_cast %get3A_730 : vector<1x1x16xf32> to vector<16xf32>
        %mul3A_732 = arith.constant 4 : i32
        %mul3A_733 = arith.muli %scan3A_472, %mul3A_732 : i32
        %add3A_734 = arith.constant 2 : i32
        %add3A_735 = arith.addi %mul3A_733, %add3A_734 : i32
        %get3A_736 = arith.constant 0 : i32
        %get3A_737 = arith.index_cast %get3A_736 : i32 to index
        %get3A_738 = arith.index_cast %add3A_735 : i32 to index
        %get3A_739 = arith.constant 48 : index
        %get3A_740 = tpu.vector_load %arg10[%get3A_737, %get3A_738, %get3A_739] {strides = array<i32>} : memref<4x128x64xf32, #tpu.memory_space<vmem>>, vector<1x1x16xf32>,
        %get3A_741 = vector.shape_cast %get3A_740 : vector<1x1x16xf32> to vector<16xf32>
        %mul3A_742 = arith.mulf %get3A_731, %get3A_741 : vector<16xf32>
        %add3A_743 = arith.addf %add3A_567, %mul3A_742 : vector<16xf32>
        %mul3A_744 = arith.constant 4 : i32
        %mul3A_745 = arith.muli %scan3A_472, %mul3A_744 : i32
        %add3A_746 = arith.constant 3 : i32
        %add3A_747 = arith.addi %mul3A_745, %add3A_746 : i32
        %get3A_748 = arith.constant 0 : i32
        %get3A_749 = arith.index_cast %get3A_748 : i32 to index
        %get3A_750 = arith.index_cast %add3A_747 : i32 to index
        %get3A_751 = arith.constant 0 : index
        %get3A_752 = tpu.vector_load %arg9[%get3A_749, %get3A_750, %get3A_751] {strides = array<i32>} : memref<4x128x64xf32, #tpu.memory_space<vmem>>, vector<1x1x16xf32>,
        %get3A_753 = vector.shape_cast %get3A_752 : vector<1x1x16xf32> to vector<16xf32>
        %mul3A_754 = arith.constant 4 : i32
        %mul3A_755 = arith.muli %scan3A_472, %mul3A_754 : i32
        %add3A_756 = arith.constant 3 : i32
        %add3A_757 = arith.addi %mul3A_755, %add3A_756 : i32
        %get3A_758 = arith.constant 0 : i32
        %get3A_759 = arith.index_cast %get3A_758 : i32 to index
        %get3A_760 = arith.index_cast %add3A_757 : i32 to index
        %get3A_761 = arith.constant 0 : index
        %get3A_762 = tpu.vector_load %arg10[%get3A_759, %get3A_760, %get3A_761] {strides = array<i32>} : memref<4x128x64xf32, #tpu.memory_space<vmem>>, vector<1x1x16xf32>,
        %get3A_763 = vector.shape_cast %get3A_762 : vector<1x1x16xf32> to vector<16xf32>
        %mul3A_764 = arith.mulf %get3A_753, %get3A_763 : vector<16xf32>
        %add3A_765 = arith.addf %add3A_589, %mul3A_764 : vector<16xf32>
        %mul3A_766 = arith.constant 4 : i32
        %mul3A_767 = arith.muli %scan3A_472, %mul3A_766 : i32
        %add3A_768 = arith.constant 3 : i32
        %add3A_769 = arith.addi %mul3A_767, %add3A_768 : i32
        %get3A_770 = arith.constant 0 : i32
        %get3A_771 = arith.index_cast %get3A_770 : i32 to index
        %get3A_772 = arith.index_cast %add3A_769 : i32 to index
        %get3A_773 = arith.constant 16 : index
        %get3A_774 = tpu.vector_load %arg9[%get3A_771, %get3A_772, %get3A_773] {strides = array<i32>} : memref<4x128x64xf32, #tpu.memory_space<vmem>>, vector<1x1x16xf32>,
        %get3A_775 = vector.shape_cast %get3A_774 : vector<1x1x16xf32> to vector<16xf32>
        %mul3A_776 = arith.constant 4 : i32
        %mul3A_777 = arith.muli %scan3A_472, %mul3A_776 : i32
        %add3A_778 = arith.constant 3 : i32
        %add3A_779 = arith.addi %mul3A_777, %add3A_778 : i32
        %get3A_780 = arith.constant 0 : i32
        %get3A_781 = arith.index_cast %get3A_780 : i32 to index
        %get3A_782 = arith.index_cast %add3A_779 : i32 to index
        %get3A_783 = arith.constant 16 : index
        %get3A_784 = tpu.vector_load %arg10[%get3A_781, %get3A_782, %get3A_783] {strides = array<i32>} : memref<4x128x64xf32, #tpu.memory_space<vmem>>, vector<1x1x16xf32>,
        %get3A_785 = vector.shape_cast %get3A_784 : vector<1x1x16xf32> to vector<16xf32>
        %mul3A_786 = arith.mulf %get3A_775, %get3A_785 : vector<16xf32>
        %add3A_787 = arith.addf %add3A_611, %mul3A_786 : vector<16xf32>
        %mul3A_788 = arith.constant 4 : i32
        %mul3A_789 = arith.muli %scan3A_472, %mul3A_788 : i32
        %add3A_790 = arith.constant 3 : i32
        %add3A_791 = arith.addi %mul3A_789, %add3A_790 : i32
        %get3A_792 = arith.constant 0 : i32
        %get3A_793 = arith.index_cast %get3A_792 : i32 to index
        %get3A_794 = arith.index_cast %add3A_791 : i32 to index
        %get3A_795 = arith.constant 32 : index
        %get3A_796 = tpu.vector_load %arg9[%get3A_793, %get3A_794, %get3A_795] {strides = array<i32>} : memref<4x128x64xf32, #tpu.memory_space<vmem>>, vector<1x1x16xf32>,
        %get3A_797 = vector.shape_cast %get3A_796 : vector<1x1x16xf32> to vector<16xf32>
        %mul3A_798 = arith.constant 4 : i32
        %mul3A_799 = arith.muli %scan3A_472, %mul3A_798 : i32
        %add3A_800 = arith.constant 3 : i32
        %add3A_801 = arith.addi %mul3A_799, %add3A_800 : i32
        %get3A_802 = arith.constant 0 : i32
        %get3A_803 = arith.index_cast %get3A_802 : i32 to index
        %get3A_804 = arith.index_cast %add3A_801 : i32 to index
        %get3A_805 = arith.constant 32 : index
        %get3A_806 = tpu.vector_load %arg10[%get3A_803, %get3A_804, %get3A_805] {strides = array<i32>} : memref<4x128x64xf32, #tpu.memory_space<vmem>>, vector<1x1x16xf32>,
        %get3A_807 = vector.shape_cast %get3A_806 : vector<1x1x16xf32> to vector<16xf32>
        %mul3A_808 = arith.mulf %get3A_797, %get3A_807 : vector<16xf32>
        %add3A_809 = arith.addf %add3A_633, %mul3A_808 : vector<16xf32>
        %mul3A_810 = arith.constant 4 : i32
        %mul3A_811 = arith.muli %scan3A_472, %mul3A_810 : i32
        %add3A_812 = arith.constant 3 : i32
        %add3A_813 = arith.addi %mul3A_811, %add3A_812 : i32
        %get3A_814 = arith.constant 0 : i32
        %get3A_815 = arith.index_cast %get3A_814 : i32 to index
        %get3A_816 = arith.index_cast %add3A_813 : i32 to index
        %get3A_817 = arith.constant 48 : index
        %get3A_818 = tpu.vector_load %arg9[%get3A_815, %get3A_816, %get3A_817] {strides = array<i32>} : memref<4x128x64xf32, #tpu.memory_space<vmem>>, vector<1x1x16xf32>,
        %get3A_819 = vector.shape_cast %get3A_818 : vector<1x1x16xf32> to vector<16xf32>
        %mul3A_820 = arith.constant 4 : i32
        %mul3A_821 = arith.muli %scan3A_472, %mul3A_820 : i32
        %add3A_822 = arith.constant 3 : i32
        %add3A_823 = arith.addi %mul3A_821, %add3A_822 : i32
        %get3A_824 = arith.constant 0 : i32
        %get3A_825 = arith.index_cast %get3A_824 : i32 to index
        %get3A_826 = arith.index_cast %add3A_823 : i32 to index
        %get3A_827 = arith.constant 48 : index
        %get3A_828 = tpu.vector_load %arg10[%get3A_825, %get3A_826, %get3A_827] {strides = array<i32>} : memref<4x128x64xf32, #tpu.memory_space<vmem>>, vector<1x1x16xf32>,
        %get3A_829 = vector.shape_cast %get3A_828 : vector<1x1x16xf32> to vector<16xf32>
        %mul3A_830 = arith.mulf %get3A_819, %get3A_829 : vector<16xf32>
        %add3A_831 = arith.addf %add3A_655, %mul3A_830 : vector<16xf32>
        scf.yield %add3A_677, %add3A_699, %add3A_721, %add3A_743, %add3A_765, %add3A_787, %add3A_809, %add3A_831 : vector<16xf32>, vector<16xf32>, vector<16xf32>, vector<16xf32>, vector<16xf32>, vector<16xf32>, vector<16xf32>, vector<16xf32>
      }
      %scan3A_267 = arith.constant 32 : i32
      %mul3A_268 = arith.constant 4 : i32
      %mul3A_269 = arith.muli %scan3A_193, %mul3A_268 : i32
      %add3A_270 = arith.constant 1 : i32
      %add3A_271 = arith.addi %mul3A_269, %add3A_270 : i32
      %add3A_272 = arith.constant 4 : i32
      %add3A_273 = arith.addi %add3A_271, %add3A_272 : i32
      %sub3A_274 = arith.constant 1 : i32
      %sub3A_275 = arith.subi %add3A_273, %sub3A_274 : i32
      %min3A_276 = arith.constant 199 : i32
      %min3A_277 = arith.minsi %sub3A_275, %min3A_276 : i32
      %dma_start3A_278 = arith.constant 0 : i32
      %dma_start3A_279 = arith.constant 0 : i32
      %dma_start3A_280 = arith.constant 0 : i32
      %dma_start3A_281 = tpu.memref_slice %arg9[%dma_start3A_278, %dma_start3A_279, %dma_start3A_280] : memref<4x128x64xf32, #tpu.memory_space<vmem>> -> memref<1x128x64xf32, #tpu.memory_space<vmem>>
      %dma_start3A_282 = tpu.memref_squeeze %dma_start3A_281 : memref<1x128x64xf32, #tpu.memory_space<vmem>> -> memref<128x64xf32, #tpu.memory_space<vmem>>
      %dma_start3A_283 = arith.constant 0 : i32
      %dma_start3A_284 = tpu.memref_slice %arg7[%min3A_277, %dma_start3A_283] : memref<200x128xi32, #tpu.memory_space<vmem>> -> memref<1x128xi32, #tpu.memory_space<vmem>>
      %dma_start3A_285 = tpu.memref_squeeze %dma_start3A_284 : memref<1x128xi32, #tpu.memory_space<vmem>> -> memref<128xi32, #tpu.memory_space<vmem>>
      %dma_start3A_286 = arith.constant 0 : i32
      %dma_start3A_287 = arith.constant 0 : i32
      %dma_start3A_288 = tpu.memref_slice %arg4[%dma_start3A_286, %dma_start3A_287] : memref<1000000x64xf32, #tpu.memory_space<hbm>> -> memref<1000000x64xf32, #tpu.memory_space<hbm>>
      tpu.enqueue_indirect_dma source(%dma_start3A_288 : memref<1000000x64xf32, #tpu.memory_space<hbm>>) target(%dma_start3A_282 : memref<128x64xf32, #tpu.memory_space<vmem>>) offsets(%dma_start3A_285 : memref<128xi32, #tpu.memory_space<vmem>>) semaphore(%arg12 : memref<!tpu.dma_semaphore, #tpu.memory_space<semaphore_mem>>)
      %dma_start3A_289 = arith.constant 0 : i32
      %dma_start3A_290 = arith.constant 0 : i32
      %dma_start3A_291 = arith.constant 0 : i32
      %dma_start3A_292 = tpu.memref_slice %arg10[%dma_start3A_289, %dma_start3A_290, %dma_start3A_291] : memref<4x128x64xf32, #tpu.memory_space<vmem>> -> memref<1x128x64xf32, #tpu.memory_space<vmem>>
      %dma_start3A_293 = tpu.memref_squeeze %dma_start3A_292 : memref<1x128x64xf32, #tpu.memory_space<vmem>> -> memref<128x64xf32, #tpu.memory_space<vmem>>
      %dma_start3A_294 = arith.constant 0 : i32
      %dma_start3A_295 = tpu.memref_slice %arg8[%min3A_277, %dma_start3A_294] : memref<200x128xi32, #tpu.memory_space<vmem>> -> memref<1x128xi32, #tpu.memory_space<vmem>>
      %dma_start3A_296 = tpu.memref_squeeze %dma_start3A_295 : memref<1x128xi32, #tpu.memory_space<vmem>> -> memref<128xi32, #tpu.memory_space<vmem>>
      %dma_start3A_297 = arith.constant 0 : i32
      %dma_start3A_298 = arith.constant 0 : i32
      %dma_start3A_299 = tpu.memref_slice %arg5[%dma_start3A_297, %dma_start3A_298] : memref<1000000x64xf32, #tpu.memory_space<hbm>> -> memref<1000000x64xf32, #tpu.memory_space<hbm>>
      tpu.enqueue_indirect_dma source(%dma_start3A_299 : memref<1000000x64xf32, #tpu.memory_space<hbm>>) target(%dma_start3A_293 : memref<128x64xf32, #tpu.memory_space<vmem>>) offsets(%dma_start3A_296 : memref<128xi32, #tpu.memory_space<vmem>>) semaphore(%arg12 : memref<!tpu.dma_semaphore, #tpu.memory_space<semaphore_mem>>)
      %dma_wait3A_300 = arith.constant 1 : i32
      %dma_wait3A_301 = arith.constant 0 : i32
      %dma_wait3A_302 = arith.constant 0 : i32
      %dma_wait3A_303 = tpu.memref_slice %arg9[%dma_wait3A_300, %dma_wait3A_301, %dma_wait3A_302] : memref<4x128x64xf32, #tpu.memory_space<vmem>> -> memref<1x128x64xf32, #tpu.memory_space<vmem>>
      %dma_wait3A_304 = tpu.memref_squeeze %dma_wait3A_303 : memref<1x128x64xf32, #tpu.memory_space<vmem>> -> memref<128x64xf32, #tpu.memory_space<vmem>>
      %dma_wait3A_305 = arith.constant 0 : i32
      %dma_wait3A_306 = arith.constant 0 : i32
      %dma_wait3A_307 = tpu.memref_slice %arg4[%dma_wait3A_305, %dma_wait3A_306] : memref<1000000x64xf32, #tpu.memory_space<hbm>> -> memref<128x64xf32, #tpu.memory_space<hbm>>
      %dma_wait3A_308 = arith.constant 0 : i32
      %dma_wait3A_309 = arith.constant 0 : i32
      %dma_wait3A_310 = tpu.memref_slice %arg9[%dma_wait3A_300, %dma_wait3A_308, %dma_wait3A_309] : memref<4x128x64xf32, #tpu.memory_space<vmem>> -> memref<1x128x64xf32, #tpu.memory_space<vmem>>
      %dma_wait3A_311 = tpu.memref_squeeze %dma_wait3A_310 : memref<1x128x64xf32, #tpu.memory_space<vmem>> -> memref<128x64xf32, #tpu.memory_space<vmem>>
      %dma_wait3A_312 = arith.constant 0 : i32
      %dma_wait3A_313 = arith.constant 0 : i32
      %dma_wait3A_314 = tpu.memref_slice %arg4[%dma_wait3A_312, %dma_wait3A_313] : memref<1000000x64xf32, #tpu.memory_space<hbm>> -> memref<128x64xf32, #tpu.memory_space<hbm>>
      tpu.wait_dma2 semaphore(%arg13 : memref<!tpu.dma_semaphore, #tpu.memory_space<semaphore_mem>>) src(%dma_wait3A_314 : memref<128x64xf32, #tpu.memory_space<hbm>>) dst(%dma_wait3A_311 : memref<128x64xf32, #tpu.memory_space<vmem>>)
      %dma_wait3A_315 = arith.constant 1 : i32
      %dma_wait3A_316 = arith.constant 0 : i32
      %dma_wait3A_317 = arith.constant 0 : i32
      %dma_wait3A_318 = tpu.memref_slice %arg10[%dma_wait3A_315, %dma_wait3A_316, %dma_wait3A_317] : memref<4x128x64xf32, #tpu.memory_space<vmem>> -> memref<1x128x64xf32, #tpu.memory_space<vmem>>
      %dma_wait3A_319 = tpu.memref_squeeze %dma_wait3A_318 : memref<1x128x64xf32, #tpu.memory_space<vmem>> -> memref<128x64xf32, #tpu.memory_space<vmem>>
      %dma_wait3A_320 = arith.constant 0 : i32
      %dma_wait3A_321 = arith.constant 0 : i32
      %dma_wait3A_322 = tpu.memref_slice %arg5[%dma_wait3A_320, %dma_wait3A_321] : memref<1000000x64xf32, #tpu.memory_space<hbm>> -> memref<128x64xf32, #tpu.memory_space<hbm>>
      %dma_wait3A_323 = arith.constant 0 : i32
      %dma_wait3A_324 = arith.constant 0 : i32
      %dma_wait3A_325 = tpu.memref_slice %arg10[%dma_wait3A_315, %dma_wait3A_323, %dma_wait3A_324] : memref<4x128x64xf32, #tpu.memory_space<vmem>> -> memref<1x128x64xf32, #tpu.memory_space<vmem>>
      %dma_wait3A_326 = tpu.memref_squeeze %dma_wait3A_325 : memref<1x128x64xf32, #tpu.memory_space<vmem>> -> memref<128x64xf32, #tpu.memory_space<vmem>>
      %dma_wait3A_327 = arith.constant 0 : i32
      %dma_wait3A_328 = arith.constant 0 : i32
      %dma_wait3A_329 = tpu.memref_slice %arg5[%dma_wait3A_327, %dma_wait3A_328] : memref<1000000x64xf32, #tpu.memory_space<hbm>> -> memref<128x64xf32, #tpu.memory_space<hbm>>
      tpu.wait_dma2 semaphore(%arg13 : memref<!tpu.dma_semaphore, #tpu.memory_space<semaphore_mem>>) src(%dma_wait3A_329 : memref<128x64xf32, #tpu.memory_space<hbm>>) dst(%dma_wait3A_326 : memref<128x64xf32, #tpu.memory_space<vmem>>)
      %scan3A_330 = arith.constant 0 : i32
      %scan3A_331 = arith.constant 32 : i32
      %scan3A_332 = arith.addi %scan3A_330, %scan3A_331 : i32
      %scan3A_333 = arith.constant 1 : i32
      %scan3A_334:8 = scf.for %scan3A_472 = %scan3A_330 to %scan3A_332 step %scan3A_333 iter_args(%scan3A_473 = %scan3A_266#0, %scan3A_474 = %scan3A_266#1, %scan3A_475 = %scan3A_266#2, %scan3A_476 = %scan3A_266#3, %scan3A_477 = %scan3A_266#4, %scan3A_478 = %scan3A_266#5, %scan3A_479 = %scan3A_266#6, %scan3A_480 = %scan3A_266#7) -> (vector<16xf32>, vector<16xf32>, vector<16xf32>, vector<16xf32>, vector<16xf32>, vector<16xf32>, vector<16xf32>, vector<16xf32>)  : i32 {
        %mul3A_481 = arith.constant 4 : i32
        %mul3A_482 = arith.muli %scan3A_472, %mul3A_481 : i32
        %add3A_483 = arith.constant 0 : i32
        %add3A_484 = arith.addi %mul3A_482, %add3A_483 : i32
        %get3A = arith.constant 1 : i32
        %get3A_485 = arith.index_cast %get3A : i32 to index
        %get3A_486 = arith.index_cast %add3A_484 : i32 to index
        %get3A_487 = arith.constant 0 : index
        %get3A_488 = tpu.vector_load %arg9[%get3A_485, %get3A_486, %get3A_487] {strides = array<i32>} : memref<4x128x64xf32, #tpu.memory_space<vmem>>, vector<1x1x16xf32>,
        %get3A_489 = vector.shape_cast %get3A_488 : vector<1x1x16xf32> to vector<16xf32>
        %mul3A_490 = arith.constant 4 : i32
        %mul3A_491 = arith.muli %scan3A_472, %mul3A_490 : i32
        %add3A_492 = arith.constant 0 : i32
        %add3A_493 = arith.addi %mul3A_491, %add3A_492 : i32
        %get3A_494 = arith.constant 1 : i32
        %get3A_495 = arith.index_cast %get3A_494 : i32 to index
        %get3A_496 = arith.index_cast %add3A_493 : i32 to index
        %get3A_497 = arith.constant 0 : index
        %get3A_498 = tpu.vector_load %arg10[%get3A_495, %get3A_496, %get3A_497] {strides = array<i32>} : memref<4x128x64xf32, #tpu.memory_space<vmem>>, vector<1x1x16xf32>,
        %get3A_499 = vector.shape_cast %get3A_498 : vector<1x1x16xf32> to vector<16xf32>
        %mul3A_500 = arith.mulf %get3A_489, %get3A_499 : vector<16xf32>
        %add3A_501 = arith.addf %scan3A_473, %mul3A_500 : vector<16xf32>
        %mul3A_502 = arith.constant 4 : i32
        %mul3A_503 = arith.muli %scan3A_472, %mul3A_502 : i32
        %add3A_504 = arith.constant 0 : i32
        %add3A_505 = arith.addi %mul3A_503, %add3A_504 : i32
        %get3A_506 = arith.constant 1 : i32
        %get3A_507 = arith.index_cast %get3A_506 : i32 to index
        %get3A_508 = arith.index_cast %add3A_505 : i32 to index
        %get3A_509 = arith.constant 16 : index
        %get3A_510 = tpu.vector_load %arg9[%get3A_507, %get3A_508, %get3A_509] {strides = array<i32>} : memref<4x128x64xf32, #tpu.memory_space<vmem>>, vector<1x1x16xf32>,
        %get3A_511 = vector.shape_cast %get3A_510 : vector<1x1x16xf32> to vector<16xf32>
        %mul3A_512 = arith.constant 4 : i32
        %mul3A_513 = arith.muli %scan3A_472, %mul3A_512 : i32
        %add3A_514 = arith.constant 0 : i32
        %add3A_515 = arith.addi %mul3A_513, %add3A_514 : i32
        %get3A_516 = arith.constant 1 : i32
        %get3A_517 = arith.index_cast %get3A_516 : i32 to index
        %get3A_518 = arith.index_cast %add3A_515 : i32 to index
        %get3A_519 = arith.constant 16 : index
        %get3A_520 = tpu.vector_load %arg10[%get3A_517, %get3A_518, %get3A_519] {strides = array<i32>} : memref<4x128x64xf32, #tpu.memory_space<vmem>>, vector<1x1x16xf32>,
        %get3A_521 = vector.shape_cast %get3A_520 : vector<1x1x16xf32> to vector<16xf32>
        %mul3A_522 = arith.mulf %get3A_511, %get3A_521 : vector<16xf32>
        %add3A_523 = arith.addf %scan3A_474, %mul3A_522 : vector<16xf32>
        %mul3A_524 = arith.constant 4 : i32
        %mul3A_525 = arith.muli %scan3A_472, %mul3A_524 : i32
        %add3A_526 = arith.constant 0 : i32
        %add3A_527 = arith.addi %mul3A_525, %add3A_526 : i32
        %get3A_528 = arith.constant 1 : i32
        %get3A_529 = arith.index_cast %get3A_528 : i32 to index
        %get3A_530 = arith.index_cast %add3A_527 : i32 to index
        %get3A_531 = arith.constant 32 : index
        %get3A_532 = tpu.vector_load %arg9[%get3A_529, %get3A_530, %get3A_531] {strides = array<i32>} : memref<4x128x64xf32, #tpu.memory_space<vmem>>, vector<1x1x16xf32>,
        %get3A_533 = vector.shape_cast %get3A_532 : vector<1x1x16xf32> to vector<16xf32>
        %mul3A_534 = arith.constant 4 : i32
        %mul3A_535 = arith.muli %scan3A_472, %mul3A_534 : i32
        %add3A_536 = arith.constant 0 : i32
        %add3A_537 = arith.addi %mul3A_535, %add3A_536 : i32
        %get3A_538 = arith.constant 1 : i32
        %get3A_539 = arith.index_cast %get3A_538 : i32 to index
        %get3A_540 = arith.index_cast %add3A_537 : i32 to index
        %get3A_541 = arith.constant 32 : index
        %get3A_542 = tpu.vector_load %arg10[%get3A_539, %get3A_540, %get3A_541] {strides = array<i32>} : memref<4x128x64xf32, #tpu.memory_space<vmem>>, vector<1x1x16xf32>,
        %get3A_543 = vector.shape_cast %get3A_542 : vector<1x1x16xf32> to vector<16xf32>
        %mul3A_544 = arith.mulf %get3A_533, %get3A_543 : vector<16xf32>
        %add3A_545 = arith.addf %scan3A_475, %mul3A_544 : vector<16xf32>
        %mul3A_546 = arith.constant 4 : i32
        %mul3A_547 = arith.muli %scan3A_472, %mul3A_546 : i32
        %add3A_548 = arith.constant 0 : i32
        %add3A_549 = arith.addi %mul3A_547, %add3A_548 : i32
        %get3A_550 = arith.constant 1 : i32
        %get3A_551 = arith.index_cast %get3A_550 : i32 to index
        %get3A_552 = arith.index_cast %add3A_549 : i32 to index
        %get3A_553 = arith.constant 48 : index
        %get3A_554 = tpu.vector_load %arg9[%get3A_551, %get3A_552, %get3A_553] {strides = array<i32>} : memref<4x128x64xf32, #tpu.memory_space<vmem>>, vector<1x1x16xf32>,
        %get3A_555 = vector.shape_cast %get3A_554 : vector<1x1x16xf32> to vector<16xf32>
        %mul3A_556 = arith.constant 4 : i32
        %mul3A_557 = arith.muli %scan3A_472, %mul3A_556 : i32
        %add3A_558 = arith.constant 0 : i32
        %add3A_559 = arith.addi %mul3A_557, %add3A_558 : i32
        %get3A_560 = arith.constant 1 : i32
        %get3A_561 = arith.index_cast %get3A_560 : i32 to index
        %get3A_562 = arith.index_cast %add3A_559 : i32 to index
        %get3A_563 = arith.constant 48 : index
        %get3A_564 = tpu.vector_load %arg10[%get3A_561, %get3A_562, %get3A_563] {strides = array<i32>} : memref<4x128x64xf32, #tpu.memory_space<vmem>>, vector<1x1x16xf32>,
        %get3A_565 = vector.shape_cast %get3A_564 : vector<1x1x16xf32> to vector<16xf32>
        %mul3A_566 = arith.mulf %get3A_555, %get3A_565 : vector<16xf32>
        %add3A_567 = arith.addf %scan3A_476, %mul3A_566 : vector<16xf32>
        %mul3A_568 = arith.constant 4 : i32
        %mul3A_569 = arith.muli %scan3A_472, %mul3A_568 : i32
        %add3A_570 = arith.constant 1 : i32
        %add3A_571 = arith.addi %mul3A_569, %add3A_570 : i32
        %get3A_572 = arith.constant 1 : i32
        %get3A_573 = arith.index_cast %get3A_572 : i32 to index
        %get3A_574 = arith.index_cast %add3A_571 : i32 to index
        %get3A_575 = arith.constant 0 : index
        %get3A_576 = tpu.vector_load %arg9[%get3A_573, %get3A_574, %get3A_575] {strides = array<i32>} : memref<4x128x64xf32, #tpu.memory_space<vmem>>, vector<1x1x16xf32>,
        %get3A_577 = vector.shape_cast %get3A_576 : vector<1x1x16xf32> to vector<16xf32>
        %mul3A_578 = arith.constant 4 : i32
        %mul3A_579 = arith.muli %scan3A_472, %mul3A_578 : i32
        %add3A_580 = arith.constant 1 : i32
        %add3A_581 = arith.addi %mul3A_579, %add3A_580 : i32
        %get3A_582 = arith.constant 1 : i32
        %get3A_583 = arith.index_cast %get3A_582 : i32 to index
        %get3A_584 = arith.index_cast %add3A_581 : i32 to index
        %get3A_585 = arith.constant 0 : index
        %get3A_586 = tpu.vector_load %arg10[%get3A_583, %get3A_584, %get3A_585] {strides = array<i32>} : memref<4x128x64xf32, #tpu.memory_space<vmem>>, vector<1x1x16xf32>,
        %get3A_587 = vector.shape_cast %get3A_586 : vector<1x1x16xf32> to vector<16xf32>
        %mul3A_588 = arith.mulf %get3A_577, %get3A_587 : vector<16xf32>
        %add3A_589 = arith.addf %scan3A_477, %mul3A_588 : vector<16xf32>
        %mul3A_590 = arith.constant 4 : i32
        %mul3A_591 = arith.muli %scan3A_472, %mul3A_590 : i32
        %add3A_592 = arith.constant 1 : i32
        %add3A_593 = arith.addi %mul3A_591, %add3A_592 : i32
        %get3A_594 = arith.constant 1 : i32
        %get3A_595 = arith.index_cast %get3A_594 : i32 to index
        %get3A_596 = arith.index_cast %add3A_593 : i32 to index
        %get3A_597 = arith.constant 16 : index
        %get3A_598 = tpu.vector_load %arg9[%get3A_595, %get3A_596, %get3A_597] {strides = array<i32>} : memref<4x128x64xf32, #tpu.memory_space<vmem>>, vector<1x1x16xf32>,
        %get3A_599 = vector.shape_cast %get3A_598 : vector<1x1x16xf32> to vector<16xf32>
        %mul3A_600 = arith.constant 4 : i32
        %mul3A_601 = arith.muli %scan3A_472, %mul3A_600 : i32
        %add3A_602 = arith.constant 1 : i32
        %add3A_603 = arith.addi %mul3A_601, %add3A_602 : i32
        %get3A_604 = arith.constant 1 : i32
        %get3A_605 = arith.index_cast %get3A_604 : i32 to index
        %get3A_606 = arith.index_cast %add3A_603 : i32 to index
        %get3A_607 = arith.constant 16 : index
        %get3A_608 = tpu.vector_load %arg10[%get3A_605, %get3A_606, %get3A_607] {strides = array<i32>} : memref<4x128x64xf32, #tpu.memory_space<vmem>>, vector<1x1x16xf32>,
        %get3A_609 = vector.shape_cast %get3A_608 : vector<1x1x16xf32> to vector<16xf32>
        %mul3A_610 = arith.mulf %get3A_599, %get3A_609 : vector<16xf32>
        %add3A_611 = arith.addf %scan3A_478, %mul3A_610 : vector<16xf32>
        %mul3A_612 = arith.constant 4 : i32
        %mul3A_613 = arith.muli %scan3A_472, %mul3A_612 : i32
        %add3A_614 = arith.constant 1 : i32
        %add3A_615 = arith.addi %mul3A_613, %add3A_614 : i32
        %get3A_616 = arith.constant 1 : i32
        %get3A_617 = arith.index_cast %get3A_616 : i32 to index
        %get3A_618 = arith.index_cast %add3A_615 : i32 to index
        %get3A_619 = arith.constant 32 : index
        %get3A_620 = tpu.vector_load %arg9[%get3A_617, %get3A_618, %get3A_619] {strides = array<i32>} : memref<4x128x64xf32, #tpu.memory_space<vmem>>, vector<1x1x16xf32>,
        %get3A_621 = vector.shape_cast %get3A_620 : vector<1x1x16xf32> to vector<16xf32>
        %mul3A_622 = arith.constant 4 : i32
        %mul3A_623 = arith.muli %scan3A_472, %mul3A_622 : i32
        %add3A_624 = arith.constant 1 : i32
        %add3A_625 = arith.addi %mul3A_623, %add3A_624 : i32
        %get3A_626 = arith.constant 1 : i32
        %get3A_627 = arith.index_cast %get3A_626 : i32 to index
        %get3A_628 = arith.index_cast %add3A_625 : i32 to index
        %get3A_629 = arith.constant 32 : index
        %get3A_630 = tpu.vector_load %arg10[%get3A_627, %get3A_628, %get3A_629] {strides = array<i32>} : memref<4x128x64xf32, #tpu.memory_space<vmem>>, vector<1x1x16xf32>,
        %get3A_631 = vector.shape_cast %get3A_630 : vector<1x1x16xf32> to vector<16xf32>
        %mul3A_632 = arith.mulf %get3A_621, %get3A_631 : vector<16xf32>
        %add3A_633 = arith.addf %scan3A_479, %mul3A_632 : vector<16xf32>
        %mul3A_634 = arith.constant 4 : i32
        %mul3A_635 = arith.muli %scan3A_472, %mul3A_634 : i32
        %add3A_636 = arith.constant 1 : i32
        %add3A_637 = arith.addi %mul3A_635, %add3A_636 : i32
        %get3A_638 = arith.constant 1 : i32
        %get3A_639 = arith.index_cast %get3A_638 : i32 to index
        %get3A_640 = arith.index_cast %add3A_637 : i32 to index
        %get3A_641 = arith.constant 48 : index
        %get3A_642 = tpu.vector_load %arg9[%get3A_639, %get3A_640, %get3A_641] {strides = array<i32>} : memref<4x128x64xf32, #tpu.memory_space<vmem>>, vector<1x1x16xf32>,
        %get3A_643 = vector.shape_cast %get3A_642 : vector<1x1x16xf32> to vector<16xf32>
        %mul3A_644 = arith.constant 4 : i32
        %mul3A_645 = arith.muli %scan3A_472, %mul3A_644 : i32
        %add3A_646 = arith.constant 1 : i32
        %add3A_647 = arith.addi %mul3A_645, %add3A_646 : i32
        %get3A_648 = arith.constant 1 : i32
        %get3A_649 = arith.index_cast %get3A_648 : i32 to index
        %get3A_650 = arith.index_cast %add3A_647 : i32 to index
        %get3A_651 = arith.constant 48 : index
        %get3A_652 = tpu.vector_load %arg10[%get3A_649, %get3A_650, %get3A_651] {strides = array<i32>} : memref<4x128x64xf32, #tpu.memory_space<vmem>>, vector<1x1x16xf32>,
        %get3A_653 = vector.shape_cast %get3A_652 : vector<1x1x16xf32> to vector<16xf32>
        %mul3A_654 = arith.mulf %get3A_643, %get3A_653 : vector<16xf32>
        %add3A_655 = arith.addf %scan3A_480, %mul3A_654 : vector<16xf32>
        %mul3A_656 = arith.constant 4 : i32
        %mul3A_657 = arith.muli %scan3A_472, %mul3A_656 : i32
        %add3A_658 = arith.constant 2 : i32
        %add3A_659 = arith.addi %mul3A_657, %add3A_658 : i32
        %get3A_660 = arith.constant 1 : i32
        %get3A_661 = arith.index_cast %get3A_660 : i32 to index
        %get3A_662 = arith.index_cast %add3A_659 : i32 to index
        %get3A_663 = arith.constant 0 : index
        %get3A_664 = tpu.vector_load %arg9[%get3A_661, %get3A_662, %get3A_663] {strides = array<i32>} : memref<4x128x64xf32, #tpu.memory_space<vmem>>, vector<1x1x16xf32>,
        %get3A_665 = vector.shape_cast %get3A_664 : vector<1x1x16xf32> to vector<16xf32>
        %mul3A_666 = arith.constant 4 : i32
        %mul3A_667 = arith.muli %scan3A_472, %mul3A_666 : i32
        %add3A_668 = arith.constant 2 : i32
        %add3A_669 = arith.addi %mul3A_667, %add3A_668 : i32
        %get3A_670 = arith.constant 1 : i32
        %get3A_671 = arith.index_cast %get3A_670 : i32 to index
        %get3A_672 = arith.index_cast %add3A_669 : i32 to index
        %get3A_673 = arith.constant 0 : index
        %get3A_674 = tpu.vector_load %arg10[%get3A_671, %get3A_672, %get3A_673] {strides = array<i32>} : memref<4x128x64xf32, #tpu.memory_space<vmem>>, vector<1x1x16xf32>,
        %get3A_675 = vector.shape_cast %get3A_674 : vector<1x1x16xf32> to vector<16xf32>
        %mul3A_676 = arith.mulf %get3A_665, %get3A_675 : vector<16xf32>
        %add3A_677 = arith.addf %add3A_501, %mul3A_676 : vector<16xf32>
        %mul3A_678 = arith.constant 4 : i32
        %mul3A_679 = arith.muli %scan3A_472, %mul3A_678 : i32
        %add3A_680 = arith.constant 2 : i32
        %add3A_681 = arith.addi %mul3A_679, %add3A_680 : i32
        %get3A_682 = arith.constant 1 : i32
        %get3A_683 = arith.index_cast %get3A_682 : i32 to index
        %get3A_684 = arith.index_cast %add3A_681 : i32 to index
        %get3A_685 = arith.constant 16 : index
        %get3A_686 = tpu.vector_load %arg9[%get3A_683, %get3A_684, %get3A_685] {strides = array<i32>} : memref<4x128x64xf32, #tpu.memory_space<vmem>>, vector<1x1x16xf32>,
        %get3A_687 = vector.shape_cast %get3A_686 : vector<1x1x16xf32> to vector<16xf32>
        %mul3A_688 = arith.constant 4 : i32
        %mul3A_689 = arith.muli %scan3A_472, %mul3A_688 : i32
        %add3A_690 = arith.constant 2 : i32
        %add3A_691 = arith.addi %mul3A_689, %add3A_690 : i32
        %get3A_692 = arith.constant 1 : i32
        %get3A_693 = arith.index_cast %get3A_692 : i32 to index
        %get3A_694 = arith.index_cast %add3A_691 : i32 to index
        %get3A_695 = arith.constant 16 : index
        %get3A_696 = tpu.vector_load %arg10[%get3A_693, %get3A_694, %get3A_695] {strides = array<i32>} : memref<4x128x64xf32, #tpu.memory_space<vmem>>, vector<1x1x16xf32>,
        %get3A_697 = vector.shape_cast %get3A_696 : vector<1x1x16xf32> to vector<16xf32>
        %mul3A_698 = arith.mulf %get3A_687, %get3A_697 : vector<16xf32>
        %add3A_699 = arith.addf %add3A_523, %mul3A_698 : vector<16xf32>
        %mul3A_700 = arith.constant 4 : i32
        %mul3A_701 = arith.muli %scan3A_472, %mul3A_700 : i32
        %add3A_702 = arith.constant 2 : i32
        %add3A_703 = arith.addi %mul3A_701, %add3A_702 : i32
        %get3A_704 = arith.constant 1 : i32
        %get3A_705 = arith.index_cast %get3A_704 : i32 to index
        %get3A_706 = arith.index_cast %add3A_703 : i32 to index
        %get3A_707 = arith.constant 32 : index
        %get3A_708 = tpu.vector_load %arg9[%get3A_705, %get3A_706, %get3A_707] {strides = array<i32>} : memref<4x128x64xf32, #tpu.memory_space<vmem>>, vector<1x1x16xf32>,
        %get3A_709 = vector.shape_cast %get3A_708 : vector<1x1x16xf32> to vector<16xf32>
        %mul3A_710 = arith.constant 4 : i32
        %mul3A_711 = arith.muli %scan3A_472, %mul3A_710 : i32
        %add3A_712 = arith.constant 2 : i32
        %add3A_713 = arith.addi %mul3A_711, %add3A_712 : i32
        %get3A_714 = arith.constant 1 : i32
        %get3A_715 = arith.index_cast %get3A_714 : i32 to index
        %get3A_716 = arith.index_cast %add3A_713 : i32 to index
        %get3A_717 = arith.constant 32 : index
        %get3A_718 = tpu.vector_load %arg10[%get3A_715, %get3A_716, %get3A_717] {strides = array<i32>} : memref<4x128x64xf32, #tpu.memory_space<vmem>>, vector<1x1x16xf32>,
        %get3A_719 = vector.shape_cast %get3A_718 : vector<1x1x16xf32> to vector<16xf32>
        %mul3A_720 = arith.mulf %get3A_709, %get3A_719 : vector<16xf32>
        %add3A_721 = arith.addf %add3A_545, %mul3A_720 : vector<16xf32>
        %mul3A_722 = arith.constant 4 : i32
        %mul3A_723 = arith.muli %scan3A_472, %mul3A_722 : i32
        %add3A_724 = arith.constant 2 : i32
        %add3A_725 = arith.addi %mul3A_723, %add3A_724 : i32
        %get3A_726 = arith.constant 1 : i32
        %get3A_727 = arith.index_cast %get3A_726 : i32 to index
        %get3A_728 = arith.index_cast %add3A_725 : i32 to index
        %get3A_729 = arith.constant 48 : index
        %get3A_730 = tpu.vector_load %arg9[%get3A_727, %get3A_728, %get3A_729] {strides = array<i32>} : memref<4x128x64xf32, #tpu.memory_space<vmem>>, vector<1x1x16xf32>,
        %get3A_731 = vector.shape_cast %get3A_730 : vector<1x1x16xf32> to vector<16xf32>
        %mul3A_732 = arith.constant 4 : i32
        %mul3A_733 = arith.muli %scan3A_472, %mul3A_732 : i32
        %add3A_734 = arith.constant 2 : i32
        %add3A_735 = arith.addi %mul3A_733, %add3A_734 : i32
        %get3A_736 = arith.constant 1 : i32
        %get3A_737 = arith.index_cast %get3A_736 : i32 to index
        %get3A_738 = arith.index_cast %add3A_735 : i32 to index
        %get3A_739 = arith.constant 48 : index
        %get3A_740 = tpu.vector_load %arg10[%get3A_737, %get3A_738, %get3A_739] {strides = array<i32>} : memref<4x128x64xf32, #tpu.memory_space<vmem>>, vector<1x1x16xf32>,
        %get3A_741 = vector.shape_cast %get3A_740 : vector<1x1x16xf32> to vector<16xf32>
        %mul3A_742 = arith.mulf %get3A_731, %get3A_741 : vector<16xf32>
        %add3A_743 = arith.addf %add3A_567, %mul3A_742 : vector<16xf32>
        %mul3A_744 = arith.constant 4 : i32
        %mul3A_745 = arith.muli %scan3A_472, %mul3A_744 : i32
        %add3A_746 = arith.constant 3 : i32
        %add3A_747 = arith.addi %mul3A_745, %add3A_746 : i32
        %get3A_748 = arith.constant 1 : i32
        %get3A_749 = arith.index_cast %get3A_748 : i32 to index
        %get3A_750 = arith.index_cast %add3A_747 : i32 to index
        %get3A_751 = arith.constant 0 : index
        %get3A_752 = tpu.vector_load %arg9[%get3A_749, %get3A_750, %get3A_751] {strides = array<i32>} : memref<4x128x64xf32, #tpu.memory_space<vmem>>, vector<1x1x16xf32>,
        %get3A_753 = vector.shape_cast %get3A_752 : vector<1x1x16xf32> to vector<16xf32>
        %mul3A_754 = arith.constant 4 : i32
        %mul3A_755 = arith.muli %scan3A_472, %mul3A_754 : i32
        %add3A_756 = arith.constant 3 : i32
        %add3A_757 = arith.addi %mul3A_755, %add3A_756 : i32
        %get3A_758 = arith.constant 1 : i32
        %get3A_759 = arith.index_cast %get3A_758 : i32 to index
        %get3A_760 = arith.index_cast %add3A_757 : i32 to index
        %get3A_761 = arith.constant 0 : index
        %get3A_762 = tpu.vector_load %arg10[%get3A_759, %get3A_760, %get3A_761] {strides = array<i32>} : memref<4x128x64xf32, #tpu.memory_space<vmem>>, vector<1x1x16xf32>,
        %get3A_763 = vector.shape_cast %get3A_762 : vector<1x1x16xf32> to vector<16xf32>
        %mul3A_764 = arith.mulf %get3A_753, %get3A_763 : vector<16xf32>
        %add3A_765 = arith.addf %add3A_589, %mul3A_764 : vector<16xf32>
        %mul3A_766 = arith.constant 4 : i32
        %mul3A_767 = arith.muli %scan3A_472, %mul3A_766 : i32
        %add3A_768 = arith.constant 3 : i32
        %add3A_769 = arith.addi %mul3A_767, %add3A_768 : i32
        %get3A_770 = arith.constant 1 : i32
        %get3A_771 = arith.index_cast %get3A_770 : i32 to index
        %get3A_772 = arith.index_cast %add3A_769 : i32 to index
        %get3A_773 = arith.constant 16 : index
        %get3A_774 = tpu.vector_load %arg9[%get3A_771, %get3A_772, %get3A_773] {strides = array<i32>} : memref<4x128x64xf32, #tpu.memory_space<vmem>>, vector<1x1x16xf32>,
        %get3A_775 = vector.shape_cast %get3A_774 : vector<1x1x16xf32> to vector<16xf32>
        %mul3A_776 = arith.constant 4 : i32
        %mul3A_777 = arith.muli %scan3A_472, %mul3A_776 : i32
        %add3A_778 = arith.constant 3 : i32
        %add3A_779 = arith.addi %mul3A_777, %add3A_778 : i32
        %get3A_780 = arith.constant 1 : i32
        %get3A_781 = arith.index_cast %get3A_780 : i32 to index
        %get3A_782 = arith.index_cast %add3A_779 : i32 to index
        %get3A_783 = arith.constant 16 : index
        %get3A_784 = tpu.vector_load %arg10[%get3A_781, %get3A_782, %get3A_783] {strides = array<i32>} : memref<4x128x64xf32, #tpu.memory_space<vmem>>, vector<1x1x16xf32>,
        %get3A_785 = vector.shape_cast %get3A_784 : vector<1x1x16xf32> to vector<16xf32>
        %mul3A_786 = arith.mulf %get3A_775, %get3A_785 : vector<16xf32>
        %add3A_787 = arith.addf %add3A_611, %mul3A_786 : vector<16xf32>
        %mul3A_788 = arith.constant 4 : i32
        %mul3A_789 = arith.muli %scan3A_472, %mul3A_788 : i32
        %add3A_790 = arith.constant 3 : i32
        %add3A_791 = arith.addi %mul3A_789, %add3A_790 : i32
        %get3A_792 = arith.constant 1 : i32
        %get3A_793 = arith.index_cast %get3A_792 : i32 to index
        %get3A_794 = arith.index_cast %add3A_791 : i32 to index
        %get3A_795 = arith.constant 32 : index
        %get3A_796 = tpu.vector_load %arg9[%get3A_793, %get3A_794, %get3A_795] {strides = array<i32>} : memref<4x128x64xf32, #tpu.memory_space<vmem>>, vector<1x1x16xf32>,
        %get3A_797 = vector.shape_cast %get3A_796 : vector<1x1x16xf32> to vector<16xf32>
        %mul3A_798 = arith.constant 4 : i32
        %mul3A_799 = arith.muli %scan3A_472, %mul3A_798 : i32
        %add3A_800 = arith.constant 3 : i32
        %add3A_801 = arith.addi %mul3A_799, %add3A_800 : i32
        %get3A_802 = arith.constant 1 : i32
        %get3A_803 = arith.index_cast %get3A_802 : i32 to index
        %get3A_804 = arith.index_cast %add3A_801 : i32 to index
        %get3A_805 = arith.constant 32 : index
        %get3A_806 = tpu.vector_load %arg10[%get3A_803, %get3A_804, %get3A_805] {strides = array<i32>} : memref<4x128x64xf32, #tpu.memory_space<vmem>>, vector<1x1x16xf32>,
        %get3A_807 = vector.shape_cast %get3A_806 : vector<1x1x16xf32> to vector<16xf32>
        %mul3A_808 = arith.mulf %get3A_797, %get3A_807 : vector<16xf32>
        %add3A_809 = arith.addf %add3A_633, %mul3A_808 : vector<16xf32>
        %mul3A_810 = arith.constant 4 : i32
        %mul3A_811 = arith.muli %scan3A_472, %mul3A_810 : i32
        %add3A_812 = arith.constant 3 : i32
        %add3A_813 = arith.addi %mul3A_811, %add3A_812 : i32
        %get3A_814 = arith.constant 1 : i32
        %get3A_815 = arith.index_cast %get3A_814 : i32 to index
        %get3A_816 = arith.index_cast %add3A_813 : i32 to index
        %get3A_817 = arith.constant 48 : index
        %get3A_818 = tpu.vector_load %arg9[%get3A_815, %get3A_816, %get3A_817] {strides = array<i32>} : memref<4x128x64xf32, #tpu.memory_space<vmem>>, vector<1x1x16xf32>,
        %get3A_819 = vector.shape_cast %get3A_818 : vector<1x1x16xf32> to vector<16xf32>
        %mul3A_820 = arith.constant 4 : i32
        %mul3A_821 = arith.muli %scan3A_472, %mul3A_820 : i32
        %add3A_822 = arith.constant 3 : i32
        %add3A_823 = arith.addi %mul3A_821, %add3A_822 : i32
        %get3A_824 = arith.constant 1 : i32
        %get3A_825 = arith.index_cast %get3A_824 : i32 to index
        %get3A_826 = arith.index_cast %add3A_823 : i32 to index
        %get3A_827 = arith.constant 48 : index
        %get3A_828 = tpu.vector_load %arg10[%get3A_825, %get3A_826, %get3A_827] {strides = array<i32>} : memref<4x128x64xf32, #tpu.memory_space<vmem>>, vector<1x1x16xf32>,
        %get3A_829 = vector.shape_cast %get3A_828 : vector<1x1x16xf32> to vector<16xf32>
        %mul3A_830 = arith.mulf %get3A_819, %get3A_829 : vector<16xf32>
        %add3A_831 = arith.addf %add3A_655, %mul3A_830 : vector<16xf32>
        scf.yield %add3A_677, %add3A_699, %add3A_721, %add3A_743, %add3A_765, %add3A_787, %add3A_809, %add3A_831 : vector<16xf32>, vector<16xf32>, vector<16xf32>, vector<16xf32>, vector<16xf32>, vector<16xf32>, vector<16xf32>, vector<16xf32>
      }
      %scan3A_335 = arith.constant 32 : i32
      %mul3A_336 = arith.constant 4 : i32
      %mul3A_337 = arith.muli %scan3A_193, %mul3A_336 : i32
      %add3A_338 = arith.constant 2 : i32
      %add3A_339 = arith.addi %mul3A_337, %add3A_338 : i32
      %add3A_340 = arith.constant 4 : i32
      %add3A_341 = arith.addi %add3A_339, %add3A_340 : i32
      %sub3A_342 = arith.constant 1 : i32
      %sub3A_343 = arith.subi %add3A_341, %sub3A_342 : i32
      %min3A_344 = arith.constant 199 : i32
      %min3A_345 = arith.minsi %sub3A_343, %min3A_344 : i32
      %dma_start3A_346 = arith.constant 1 : i32
      %dma_start3A_347 = arith.constant 0 : i32
      %dma_start3A_348 = arith.constant 0 : i32
      %dma_start3A_349 = tpu.memref_slice %arg9[%dma_start3A_346, %dma_start3A_347, %dma_start3A_348] : memref<4x128x64xf32, #tpu.memory_space<vmem>> -> memref<1x128x64xf32, #tpu.memory_space<vmem>>
      %dma_start3A_350 = tpu.memref_squeeze %dma_start3A_349 : memref<1x128x64xf32, #tpu.memory_space<vmem>> -> memref<128x64xf32, #tpu.memory_space<vmem>>
      %dma_start3A_351 = arith.constant 0 : i32
      %dma_start3A_352 = tpu.memref_slice %arg7[%min3A_345, %dma_start3A_351] : memref<200x128xi32, #tpu.memory_space<vmem>> -> memref<1x128xi32, #tpu.memory_space<vmem>>
      %dma_start3A_353 = tpu.memref_squeeze %dma_start3A_352 : memref<1x128xi32, #tpu.memory_space<vmem>> -> memref<128xi32, #tpu.memory_space<vmem>>
      %dma_start3A_354 = arith.constant 0 : i32
      %dma_start3A_355 = arith.constant 0 : i32
      %dma_start3A_356 = tpu.memref_slice %arg4[%dma_start3A_354, %dma_start3A_355] : memref<1000000x64xf32, #tpu.memory_space<hbm>> -> memref<1000000x64xf32, #tpu.memory_space<hbm>>
      tpu.enqueue_indirect_dma source(%dma_start3A_356 : memref<1000000x64xf32, #tpu.memory_space<hbm>>) target(%dma_start3A_350 : memref<128x64xf32, #tpu.memory_space<vmem>>) offsets(%dma_start3A_353 : memref<128xi32, #tpu.memory_space<vmem>>) semaphore(%arg13 : memref<!tpu.dma_semaphore, #tpu.memory_space<semaphore_mem>>)
      %dma_start3A_357 = arith.constant 1 : i32
      %dma_start3A_358 = arith.constant 0 : i32
      %dma_start3A_359 = arith.constant 0 : i32
      %dma_start3A_360 = tpu.memref_slice %arg10[%dma_start3A_357, %dma_start3A_358, %dma_start3A_359] : memref<4x128x64xf32, #tpu.memory_space<vmem>> -> memref<1x128x64xf32, #tpu.memory_space<vmem>>
      %dma_start3A_361 = tpu.memref_squeeze %dma_start3A_360 : memref<1x128x64xf32, #tpu.memory_space<vmem>> -> memref<128x64xf32, #tpu.memory_space<vmem>>
      %dma_start3A_362 = arith.constant 0 : i32
      %dma_start3A_363 = tpu.memref_slice %arg8[%min3A_345, %dma_start3A_362] : memref<200x128xi32, #tpu.memory_space<vmem>> -> memref<1x128xi32, #tpu.memory_space<vmem>>
      %dma_start3A_364 = tpu.memref_squeeze %dma_start3A_363 : memref<1x128xi32, #tpu.memory_space<vmem>> -> memref<128xi32, #tpu.memory_space<vmem>>
      %dma_start3A_365 = arith.constant 0 : i32
      %dma_start3A_366 = arith.constant 0 : i32
      %dma_start3A_367 = tpu.memref_slice %arg5[%dma_start3A_365, %dma_start3A_366] : memref<1000000x64xf32, #tpu.memory_space<hbm>> -> memref<1000000x64xf32, #tpu.memory_space<hbm>>
      tpu.enqueue_indirect_dma source(%dma_start3A_367 : memref<1000000x64xf32, #tpu.memory_space<hbm>>) target(%dma_start3A_361 : memref<128x64xf32, #tpu.memory_space<vmem>>) offsets(%dma_start3A_364 : memref<128xi32, #tpu.memory_space<vmem>>) semaphore(%arg13 : memref<!tpu.dma_semaphore, #tpu.memory_space<semaphore_mem>>)
      %dma_wait3A_368 = arith.constant 2 : i32
      %dma_wait3A_369 = arith.constant 0 : i32
      %dma_wait3A_370 = arith.constant 0 : i32
      %dma_wait3A_371 = tpu.memref_slice %arg9[%dma_wait3A_368, %dma_wait3A_369, %dma_wait3A_370] : memref<4x128x64xf32, #tpu.memory_space<vmem>> -> memref<1x128x64xf32, #tpu.memory_space<vmem>>
      %dma_wait3A_372 = tpu.memref_squeeze %dma_wait3A_371 : memref<1x128x64xf32, #tpu.memory_space<vmem>> -> memref<128x64xf32, #tpu.memory_space<vmem>>
      %dma_wait3A_373 = arith.constant 0 : i32
      %dma_wait3A_374 = arith.constant 0 : i32
      %dma_wait3A_375 = tpu.memref_slice %arg4[%dma_wait3A_373, %dma_wait3A_374] : memref<1000000x64xf32, #tpu.memory_space<hbm>> -> memref<128x64xf32, #tpu.memory_space<hbm>>
      %dma_wait3A_376 = arith.constant 0 : i32
      %dma_wait3A_377 = arith.constant 0 : i32
      %dma_wait3A_378 = tpu.memref_slice %arg9[%dma_wait3A_368, %dma_wait3A_376, %dma_wait3A_377] : memref<4x128x64xf32, #tpu.memory_space<vmem>> -> memref<1x128x64xf32, #tpu.memory_space<vmem>>
      %dma_wait3A_379 = tpu.memref_squeeze %dma_wait3A_378 : memref<1x128x64xf32, #tpu.memory_space<vmem>> -> memref<128x64xf32, #tpu.memory_space<vmem>>
      %dma_wait3A_380 = arith.constant 0 : i32
      %dma_wait3A_381 = arith.constant 0 : i32
      %dma_wait3A_382 = tpu.memref_slice %arg4[%dma_wait3A_380, %dma_wait3A_381] : memref<1000000x64xf32, #tpu.memory_space<hbm>> -> memref<128x64xf32, #tpu.memory_space<hbm>>
      tpu.wait_dma2 semaphore(%arg14 : memref<!tpu.dma_semaphore, #tpu.memory_space<semaphore_mem>>) src(%dma_wait3A_382 : memref<128x64xf32, #tpu.memory_space<hbm>>) dst(%dma_wait3A_379 : memref<128x64xf32, #tpu.memory_space<vmem>>)
      %dma_wait3A_383 = arith.constant 2 : i32
      %dma_wait3A_384 = arith.constant 0 : i32
      %dma_wait3A_385 = arith.constant 0 : i32
      %dma_wait3A_386 = tpu.memref_slice %arg10[%dma_wait3A_383, %dma_wait3A_384, %dma_wait3A_385] : memref<4x128x64xf32, #tpu.memory_space<vmem>> -> memref<1x128x64xf32, #tpu.memory_space<vmem>>
      %dma_wait3A_387 = tpu.memref_squeeze %dma_wait3A_386 : memref<1x128x64xf32, #tpu.memory_space<vmem>> -> memref<128x64xf32, #tpu.memory_space<vmem>>
      %dma_wait3A_388 = arith.constant 0 : i32
      %dma_wait3A_389 = arith.constant 0 : i32
      %dma_wait3A_390 = tpu.memref_slice %arg5[%dma_wait3A_388, %dma_wait3A_389] : memref<1000000x64xf32, #tpu.memory_space<hbm>> -> memref<128x64xf32, #tpu.memory_space<hbm>>
      %dma_wait3A_391 = arith.constant 0 : i32
      %dma_wait3A_392 = arith.constant 0 : i32
      %dma_wait3A_393 = tpu.memref_slice %arg10[%dma_wait3A_383, %dma_wait3A_391, %dma_wait3A_392] : memref<4x128x64xf32, #tpu.memory_space<vmem>> -> memref<1x128x64xf32, #tpu.memory_space<vmem>>
      %dma_wait3A_394 = tpu.memref_squeeze %dma_wait3A_393 : memref<1x128x64xf32, #tpu.memory_space<vmem>> -> memref<128x64xf32, #tpu.memory_space<vmem>>
      %dma_wait3A_395 = arith.constant 0 : i32
      %dma_wait3A_396 = arith.constant 0 : i32
      %dma_wait3A_397 = tpu.memref_slice %arg5[%dma_wait3A_395, %dma_wait3A_396] : memref<1000000x64xf32, #tpu.memory_space<hbm>> -> memref<128x64xf32, #tpu.memory_space<hbm>>
      tpu.wait_dma2 semaphore(%arg14 : memref<!tpu.dma_semaphore, #tpu.memory_space<semaphore_mem>>) src(%dma_wait3A_397 : memref<128x64xf32, #tpu.memory_space<hbm>>) dst(%dma_wait3A_394 : memref<128x64xf32, #tpu.memory_space<vmem>>)
      %scan3A_398 = arith.constant 0 : i32
      %scan3A_399 = arith.constant 32 : i32
      %scan3A_400 = arith.addi %scan3A_398, %scan3A_399 : i32
      %scan3A_401 = arith.constant 1 : i32
      %scan3A_402:8 = scf.for %scan3A_472 = %scan3A_398 to %scan3A_400 step %scan3A_401 iter_args(%scan3A_473 = %scan3A_334#0, %scan3A_474 = %scan3A_334#1, %scan3A_475 = %scan3A_334#2, %scan3A_476 = %scan3A_334#3, %scan3A_477 = %scan3A_334#4, %scan3A_478 = %scan3A_334#5, %scan3A_479 = %scan3A_334#6, %scan3A_480 = %scan3A_334#7) -> (vector<16xf32>, vector<16xf32>, vector<16xf32>, vector<16xf32>, vector<16xf32>, vector<16xf32>, vector<16xf32>, vector<16xf32>)  : i32 {
        %mul3A_481 = arith.constant 4 : i32
        %mul3A_482 = arith.muli %scan3A_472, %mul3A_481 : i32
        %add3A_483 = arith.constant 0 : i32
        %add3A_484 = arith.addi %mul3A_482, %add3A_483 : i32
        %get3A = arith.constant 2 : i32
        %get3A_485 = arith.index_cast %get3A : i32 to index
        %get3A_486 = arith.index_cast %add3A_484 : i32 to index
        %get3A_487 = arith.constant 0 : index
        %get3A_488 = tpu.vector_load %arg9[%get3A_485, %get3A_486, %get3A_487] {strides = array<i32>} : memref<4x128x64xf32, #tpu.memory_space<vmem>>, vector<1x1x16xf32>,
        %get3A_489 = vector.shape_cast %get3A_488 : vector<1x1x16xf32> to vector<16xf32>
        %mul3A_490 = arith.constant 4 : i32
        %mul3A_491 = arith.muli %scan3A_472, %mul3A_490 : i32
        %add3A_492 = arith.constant 0 : i32
        %add3A_493 = arith.addi %mul3A_491, %add3A_492 : i32
        %get3A_494 = arith.constant 2 : i32
        %get3A_495 = arith.index_cast %get3A_494 : i32 to index
        %get3A_496 = arith.index_cast %add3A_493 : i32 to index
        %get3A_497 = arith.constant 0 : index
        %get3A_498 = tpu.vector_load %arg10[%get3A_495, %get3A_496, %get3A_497] {strides = array<i32>} : memref<4x128x64xf32, #tpu.memory_space<vmem>>, vector<1x1x16xf32>,
        %get3A_499 = vector.shape_cast %get3A_498 : vector<1x1x16xf32> to vector<16xf32>
        %mul3A_500 = arith.mulf %get3A_489, %get3A_499 : vector<16xf32>
        %add3A_501 = arith.addf %scan3A_473, %mul3A_500 : vector<16xf32>
        %mul3A_502 = arith.constant 4 : i32
        %mul3A_503 = arith.muli %scan3A_472, %mul3A_502 : i32
        %add3A_504 = arith.constant 0 : i32
        %add3A_505 = arith.addi %mul3A_503, %add3A_504 : i32
        %get3A_506 = arith.constant 2 : i32
        %get3A_507 = arith.index_cast %get3A_506 : i32 to index
        %get3A_508 = arith.index_cast %add3A_505 : i32 to index
        %get3A_509 = arith.constant 16 : index
        %get3A_510 = tpu.vector_load %arg9[%get3A_507, %get3A_508, %get3A_509] {strides = array<i32>} : memref<4x128x64xf32, #tpu.memory_space<vmem>>, vector<1x1x16xf32>,
        %get3A_511 = vector.shape_cast %get3A_510 : vector<1x1x16xf32> to vector<16xf32>
        %mul3A_512 = arith.constant 4 : i32
        %mul3A_513 = arith.muli %scan3A_472, %mul3A_512 : i32
        %add3A_514 = arith.constant 0 : i32
        %add3A_515 = arith.addi %mul3A_513, %add3A_514 : i32
        %get3A_516 = arith.constant 2 : i32
        %get3A_517 = arith.index_cast %get3A_516 : i32 to index
        %get3A_518 = arith.index_cast %add3A_515 : i32 to index
        %get3A_519 = arith.constant 16 : index
        %get3A_520 = tpu.vector_load %arg10[%get3A_517, %get3A_518, %get3A_519] {strides = array<i32>} : memref<4x128x64xf32, #tpu.memory_space<vmem>>, vector<1x1x16xf32>,
        %get3A_521 = vector.shape_cast %get3A_520 : vector<1x1x16xf32> to vector<16xf32>
        %mul3A_522 = arith.mulf %get3A_511, %get3A_521 : vector<16xf32>
        %add3A_523 = arith.addf %scan3A_474, %mul3A_522 : vector<16xf32>
        %mul3A_524 = arith.constant 4 : i32
        %mul3A_525 = arith.muli %scan3A_472, %mul3A_524 : i32
        %add3A_526 = arith.constant 0 : i32
        %add3A_527 = arith.addi %mul3A_525, %add3A_526 : i32
        %get3A_528 = arith.constant 2 : i32
        %get3A_529 = arith.index_cast %get3A_528 : i32 to index
        %get3A_530 = arith.index_cast %add3A_527 : i32 to index
        %get3A_531 = arith.constant 32 : index
        %get3A_532 = tpu.vector_load %arg9[%get3A_529, %get3A_530, %get3A_531] {strides = array<i32>} : memref<4x128x64xf32, #tpu.memory_space<vmem>>, vector<1x1x16xf32>,
        %get3A_533 = vector.shape_cast %get3A_532 : vector<1x1x16xf32> to vector<16xf32>
        %mul3A_534 = arith.constant 4 : i32
        %mul3A_535 = arith.muli %scan3A_472, %mul3A_534 : i32
        %add3A_536 = arith.constant 0 : i32
        %add3A_537 = arith.addi %mul3A_535, %add3A_536 : i32
        %get3A_538 = arith.constant 2 : i32
        %get3A_539 = arith.index_cast %get3A_538 : i32 to index
        %get3A_540 = arith.index_cast %add3A_537 : i32 to index
        %get3A_541 = arith.constant 32 : index
        %get3A_542 = tpu.vector_load %arg10[%get3A_539, %get3A_540, %get3A_541] {strides = array<i32>} : memref<4x128x64xf32, #tpu.memory_space<vmem>>, vector<1x1x16xf32>,
        %get3A_543 = vector.shape_cast %get3A_542 : vector<1x1x16xf32> to vector<16xf32>
        %mul3A_544 = arith.mulf %get3A_533, %get3A_543 : vector<16xf32>
        %add3A_545 = arith.addf %scan3A_475, %mul3A_544 : vector<16xf32>
        %mul3A_546 = arith.constant 4 : i32
        %mul3A_547 = arith.muli %scan3A_472, %mul3A_546 : i32
        %add3A_548 = arith.constant 0 : i32
        %add3A_549 = arith.addi %mul3A_547, %add3A_548 : i32
        %get3A_550 = arith.constant 2 : i32
        %get3A_551 = arith.index_cast %get3A_550 : i32 to index
        %get3A_552 = arith.index_cast %add3A_549 : i32 to index
        %get3A_553 = arith.constant 48 : index
        %get3A_554 = tpu.vector_load %arg9[%get3A_551, %get3A_552, %get3A_553] {strides = array<i32>} : memref<4x128x64xf32, #tpu.memory_space<vmem>>, vector<1x1x16xf32>,
        %get3A_555 = vector.shape_cast %get3A_554 : vector<1x1x16xf32> to vector<16xf32>
        %mul3A_556 = arith.constant 4 : i32
        %mul3A_557 = arith.muli %scan3A_472, %mul3A_556 : i32
        %add3A_558 = arith.constant 0 : i32
        %add3A_559 = arith.addi %mul3A_557, %add3A_558 : i32
        %get3A_560 = arith.constant 2 : i32
        %get3A_561 = arith.index_cast %get3A_560 : i32 to index
        %get3A_562 = arith.index_cast %add3A_559 : i32 to index
        %get3A_563 = arith.constant 48 : index
        %get3A_564 = tpu.vector_load %arg10[%get3A_561, %get3A_562, %get3A_563] {strides = array<i32>} : memref<4x128x64xf32, #tpu.memory_space<vmem>>, vector<1x1x16xf32>,
        %get3A_565 = vector.shape_cast %get3A_564 : vector<1x1x16xf32> to vector<16xf32>
        %mul3A_566 = arith.mulf %get3A_555, %get3A_565 : vector<16xf32>
        %add3A_567 = arith.addf %scan3A_476, %mul3A_566 : vector<16xf32>
        %mul3A_568 = arith.constant 4 : i32
        %mul3A_569 = arith.muli %scan3A_472, %mul3A_568 : i32
        %add3A_570 = arith.constant 1 : i32
        %add3A_571 = arith.addi %mul3A_569, %add3A_570 : i32
        %get3A_572 = arith.constant 2 : i32
        %get3A_573 = arith.index_cast %get3A_572 : i32 to index
        %get3A_574 = arith.index_cast %add3A_571 : i32 to index
        %get3A_575 = arith.constant 0 : index
        %get3A_576 = tpu.vector_load %arg9[%get3A_573, %get3A_574, %get3A_575] {strides = array<i32>} : memref<4x128x64xf32, #tpu.memory_space<vmem>>, vector<1x1x16xf32>,
        %get3A_577 = vector.shape_cast %get3A_576 : vector<1x1x16xf32> to vector<16xf32>
        %mul3A_578 = arith.constant 4 : i32
        %mul3A_579 = arith.muli %scan3A_472, %mul3A_578 : i32
        %add3A_580 = arith.constant 1 : i32
        %add3A_581 = arith.addi %mul3A_579, %add3A_580 : i32
        %get3A_582 = arith.constant 2 : i32
        %get3A_583 = arith.index_cast %get3A_582 : i32 to index
        %get3A_584 = arith.index_cast %add3A_581 : i32 to index
        %get3A_585 = arith.constant 0 : index
        %get3A_586 = tpu.vector_load %arg10[%get3A_583, %get3A_584, %get3A_585] {strides = array<i32>} : memref<4x128x64xf32, #tpu.memory_space<vmem>>, vector<1x1x16xf32>,
        %get3A_587 = vector.shape_cast %get3A_586 : vector<1x1x16xf32> to vector<16xf32>
        %mul3A_588 = arith.mulf %get3A_577, %get3A_587 : vector<16xf32>
        %add3A_589 = arith.addf %scan3A_477, %mul3A_588 : vector<16xf32>
        %mul3A_590 = arith.constant 4 : i32
        %mul3A_591 = arith.muli %scan3A_472, %mul3A_590 : i32
        %add3A_592 = arith.constant 1 : i32
        %add3A_593 = arith.addi %mul3A_591, %add3A_592 : i32
        %get3A_594 = arith.constant 2 : i32
        %get3A_595 = arith.index_cast %get3A_594 : i32 to index
        %get3A_596 = arith.index_cast %add3A_593 : i32 to index
        %get3A_597 = arith.constant 16 : index
        %get3A_598 = tpu.vector_load %arg9[%get3A_595, %get3A_596, %get3A_597] {strides = array<i32>} : memref<4x128x64xf32, #tpu.memory_space<vmem>>, vector<1x1x16xf32>,
        %get3A_599 = vector.shape_cast %get3A_598 : vector<1x1x16xf32> to vector<16xf32>
        %mul3A_600 = arith.constant 4 : i32
        %mul3A_601 = arith.muli %scan3A_472, %mul3A_600 : i32
        %add3A_602 = arith.constant 1 : i32
        %add3A_603 = arith.addi %mul3A_601, %add3A_602 : i32
        %get3A_604 = arith.constant 2 : i32
        %get3A_605 = arith.index_cast %get3A_604 : i32 to index
        %get3A_606 = arith.index_cast %add3A_603 : i32 to index
        %get3A_607 = arith.constant 16 : index
        %get3A_608 = tpu.vector_load %arg10[%get3A_605, %get3A_606, %get3A_607] {strides = array<i32>} : memref<4x128x64xf32, #tpu.memory_space<vmem>>, vector<1x1x16xf32>,
        %get3A_609 = vector.shape_cast %get3A_608 : vector<1x1x16xf32> to vector<16xf32>
        %mul3A_610 = arith.mulf %get3A_599, %get3A_609 : vector<16xf32>
        %add3A_611 = arith.addf %scan3A_478, %mul3A_610 : vector<16xf32>
        %mul3A_612 = arith.constant 4 : i32
        %mul3A_613 = arith.muli %scan3A_472, %mul3A_612 : i32
        %add3A_614 = arith.constant 1 : i32
        %add3A_615 = arith.addi %mul3A_613, %add3A_614 : i32
        %get3A_616 = arith.constant 2 : i32
        %get3A_617 = arith.index_cast %get3A_616 : i32 to index
        %get3A_618 = arith.index_cast %add3A_615 : i32 to index
        %get3A_619 = arith.constant 32 : index
        %get3A_620 = tpu.vector_load %arg9[%get3A_617, %get3A_618, %get3A_619] {strides = array<i32>} : memref<4x128x64xf32, #tpu.memory_space<vmem>>, vector<1x1x16xf32>,
        %get3A_621 = vector.shape_cast %get3A_620 : vector<1x1x16xf32> to vector<16xf32>
        %mul3A_622 = arith.constant 4 : i32
        %mul3A_623 = arith.muli %scan3A_472, %mul3A_622 : i32
        %add3A_624 = arith.constant 1 : i32
        %add3A_625 = arith.addi %mul3A_623, %add3A_624 : i32
        %get3A_626 = arith.constant 2 : i32
        %get3A_627 = arith.index_cast %get3A_626 : i32 to index
        %get3A_628 = arith.index_cast %add3A_625 : i32 to index
        %get3A_629 = arith.constant 32 : index
        %get3A_630 = tpu.vector_load %arg10[%get3A_627, %get3A_628, %get3A_629] {strides = array<i32>} : memref<4x128x64xf32, #tpu.memory_space<vmem>>, vector<1x1x16xf32>,
        %get3A_631 = vector.shape_cast %get3A_630 : vector<1x1x16xf32> to vector<16xf32>
        %mul3A_632 = arith.mulf %get3A_621, %get3A_631 : vector<16xf32>
        %add3A_633 = arith.addf %scan3A_479, %mul3A_632 : vector<16xf32>
        %mul3A_634 = arith.constant 4 : i32
        %mul3A_635 = arith.muli %scan3A_472, %mul3A_634 : i32
        %add3A_636 = arith.constant 1 : i32
        %add3A_637 = arith.addi %mul3A_635, %add3A_636 : i32
        %get3A_638 = arith.constant 2 : i32
        %get3A_639 = arith.index_cast %get3A_638 : i32 to index
        %get3A_640 = arith.index_cast %add3A_637 : i32 to index
        %get3A_641 = arith.constant 48 : index
        %get3A_642 = tpu.vector_load %arg9[%get3A_639, %get3A_640, %get3A_641] {strides = array<i32>} : memref<4x128x64xf32, #tpu.memory_space<vmem>>, vector<1x1x16xf32>,
        %get3A_643 = vector.shape_cast %get3A_642 : vector<1x1x16xf32> to vector<16xf32>
        %mul3A_644 = arith.constant 4 : i32
        %mul3A_645 = arith.muli %scan3A_472, %mul3A_644 : i32
        %add3A_646 = arith.constant 1 : i32
        %add3A_647 = arith.addi %mul3A_645, %add3A_646 : i32
        %get3A_648 = arith.constant 2 : i32
        %get3A_649 = arith.index_cast %get3A_648 : i32 to index
        %get3A_650 = arith.index_cast %add3A_647 : i32 to index
        %get3A_651 = arith.constant 48 : index
        %get3A_652 = tpu.vector_load %arg10[%get3A_649, %get3A_650, %get3A_651] {strides = array<i32>} : memref<4x128x64xf32, #tpu.memory_space<vmem>>, vector<1x1x16xf32>,
        %get3A_653 = vector.shape_cast %get3A_652 : vector<1x1x16xf32> to vector<16xf32>
        %mul3A_654 = arith.mulf %get3A_643, %get3A_653 : vector<16xf32>
        %add3A_655 = arith.addf %scan3A_480, %mul3A_654 : vector<16xf32>
        %mul3A_656 = arith.constant 4 : i32
        %mul3A_657 = arith.muli %scan3A_472, %mul3A_656 : i32
        %add3A_658 = arith.constant 2 : i32
        %add3A_659 = arith.addi %mul3A_657, %add3A_658 : i32
        %get3A_660 = arith.constant 2 : i32
        %get3A_661 = arith.index_cast %get3A_660 : i32 to index
        %get3A_662 = arith.index_cast %add3A_659 : i32 to index
        %get3A_663 = arith.constant 0 : index
        %get3A_664 = tpu.vector_load %arg9[%get3A_661, %get3A_662, %get3A_663] {strides = array<i32>} : memref<4x128x64xf32, #tpu.memory_space<vmem>>, vector<1x1x16xf32>,
        %get3A_665 = vector.shape_cast %get3A_664 : vector<1x1x16xf32> to vector<16xf32>
        %mul3A_666 = arith.constant 4 : i32
        %mul3A_667 = arith.muli %scan3A_472, %mul3A_666 : i32
        %add3A_668 = arith.constant 2 : i32
        %add3A_669 = arith.addi %mul3A_667, %add3A_668 : i32
        %get3A_670 = arith.constant 2 : i32
        %get3A_671 = arith.index_cast %get3A_670 : i32 to index
        %get3A_672 = arith.index_cast %add3A_669 : i32 to index
        %get3A_673 = arith.constant 0 : index
        %get3A_674 = tpu.vector_load %arg10[%get3A_671, %get3A_672, %get3A_673] {strides = array<i32>} : memref<4x128x64xf32, #tpu.memory_space<vmem>>, vector<1x1x16xf32>,
        %get3A_675 = vector.shape_cast %get3A_674 : vector<1x1x16xf32> to vector<16xf32>
        %mul3A_676 = arith.mulf %get3A_665, %get3A_675 : vector<16xf32>
        %add3A_677 = arith.addf %add3A_501, %mul3A_676 : vector<16xf32>
        %mul3A_678 = arith.constant 4 : i32
        %mul3A_679 = arith.muli %scan3A_472, %mul3A_678 : i32
        %add3A_680 = arith.constant 2 : i32
        %add3A_681 = arith.addi %mul3A_679, %add3A_680 : i32
        %get3A_682 = arith.constant 2 : i32
        %get3A_683 = arith.index_cast %get3A_682 : i32 to index
        %get3A_684 = arith.index_cast %add3A_681 : i32 to index
        %get3A_685 = arith.constant 16 : index
        %get3A_686 = tpu.vector_load %arg9[%get3A_683, %get3A_684, %get3A_685] {strides = array<i32>} : memref<4x128x64xf32, #tpu.memory_space<vmem>>, vector<1x1x16xf32>,
        %get3A_687 = vector.shape_cast %get3A_686 : vector<1x1x16xf32> to vector<16xf32>
        %mul3A_688 = arith.constant 4 : i32
        %mul3A_689 = arith.muli %scan3A_472, %mul3A_688 : i32
        %add3A_690 = arith.constant 2 : i32
        %add3A_691 = arith.addi %mul3A_689, %add3A_690 : i32
        %get3A_692 = arith.constant 2 : i32
        %get3A_693 = arith.index_cast %get3A_692 : i32 to index
        %get3A_694 = arith.index_cast %add3A_691 : i32 to index
        %get3A_695 = arith.constant 16 : index
        %get3A_696 = tpu.vector_load %arg10[%get3A_693, %get3A_694, %get3A_695] {strides = array<i32>} : memref<4x128x64xf32, #tpu.memory_space<vmem>>, vector<1x1x16xf32>,
        %get3A_697 = vector.shape_cast %get3A_696 : vector<1x1x16xf32> to vector<16xf32>
        %mul3A_698 = arith.mulf %get3A_687, %get3A_697 : vector<16xf32>
        %add3A_699 = arith.addf %add3A_523, %mul3A_698 : vector<16xf32>
        %mul3A_700 = arith.constant 4 : i32
        %mul3A_701 = arith.muli %scan3A_472, %mul3A_700 : i32
        %add3A_702 = arith.constant 2 : i32
        %add3A_703 = arith.addi %mul3A_701, %add3A_702 : i32
        %get3A_704 = arith.constant 2 : i32
        %get3A_705 = arith.index_cast %get3A_704 : i32 to index
        %get3A_706 = arith.index_cast %add3A_703 : i32 to index
        %get3A_707 = arith.constant 32 : index
        %get3A_708 = tpu.vector_load %arg9[%get3A_705, %get3A_706, %get3A_707] {strides = array<i32>} : memref<4x128x64xf32, #tpu.memory_space<vmem>>, vector<1x1x16xf32>,
        %get3A_709 = vector.shape_cast %get3A_708 : vector<1x1x16xf32> to vector<16xf32>
        %mul3A_710 = arith.constant 4 : i32
        %mul3A_711 = arith.muli %scan3A_472, %mul3A_710 : i32
        %add3A_712 = arith.constant 2 : i32
        %add3A_713 = arith.addi %mul3A_711, %add3A_712 : i32
        %get3A_714 = arith.constant 2 : i32
        %get3A_715 = arith.index_cast %get3A_714 : i32 to index
        %get3A_716 = arith.index_cast %add3A_713 : i32 to index
        %get3A_717 = arith.constant 32 : index
        %get3A_718 = tpu.vector_load %arg10[%get3A_715, %get3A_716, %get3A_717] {strides = array<i32>} : memref<4x128x64xf32, #tpu.memory_space<vmem>>, vector<1x1x16xf32>,
        %get3A_719 = vector.shape_cast %get3A_718 : vector<1x1x16xf32> to vector<16xf32>
        %mul3A_720 = arith.mulf %get3A_709, %get3A_719 : vector<16xf32>
        %add3A_721 = arith.addf %add3A_545, %mul3A_720 : vector<16xf32>
        %mul3A_722 = arith.constant 4 : i32
        %mul3A_723 = arith.muli %scan3A_472, %mul3A_722 : i32
        %add3A_724 = arith.constant 2 : i32
        %add3A_725 = arith.addi %mul3A_723, %add3A_724 : i32
        %get3A_726 = arith.constant 2 : i32
        %get3A_727 = arith.index_cast %get3A_726 : i32 to index
        %get3A_728 = arith.index_cast %add3A_725 : i32 to index
        %get3A_729 = arith.constant 48 : index
        %get3A_730 = tpu.vector_load %arg9[%get3A_727, %get3A_728, %get3A_729] {strides = array<i32>} : memref<4x128x64xf32, #tpu.memory_space<vmem>>, vector<1x1x16xf32>,
        %get3A_731 = vector.shape_cast %get3A_730 : vector<1x1x16xf32> to vector<16xf32>
        %mul3A_732 = arith.constant 4 : i32
        %mul3A_733 = arith.muli %scan3A_472, %mul3A_732 : i32
        %add3A_734 = arith.constant 2 : i32
        %add3A_735 = arith.addi %mul3A_733, %add3A_734 : i32
        %get3A_736 = arith.constant 2 : i32
        %get3A_737 = arith.index_cast %get3A_736 : i32 to index
        %get3A_738 = arith.index_cast %add3A_735 : i32 to index
        %get3A_739 = arith.constant 48 : index
        %get3A_740 = tpu.vector_load %arg10[%get3A_737, %get3A_738, %get3A_739] {strides = array<i32>} : memref<4x128x64xf32, #tpu.memory_space<vmem>>, vector<1x1x16xf32>,
        %get3A_741 = vector.shape_cast %get3A_740 : vector<1x1x16xf32> to vector<16xf32>
        %mul3A_742 = arith.mulf %get3A_731, %get3A_741 : vector<16xf32>
        %add3A_743 = arith.addf %add3A_567, %mul3A_742 : vector<16xf32>
        %mul3A_744 = arith.constant 4 : i32
        %mul3A_745 = arith.muli %scan3A_472, %mul3A_744 : i32
        %add3A_746 = arith.constant 3 : i32
        %add3A_747 = arith.addi %mul3A_745, %add3A_746 : i32
        %get3A_748 = arith.constant 2 : i32
        %get3A_749 = arith.index_cast %get3A_748 : i32 to index
        %get3A_750 = arith.index_cast %add3A_747 : i32 to index
        %get3A_751 = arith.constant 0 : index
        %get3A_752 = tpu.vector_load %arg9[%get3A_749, %get3A_750, %get3A_751] {strides = array<i32>} : memref<4x128x64xf32, #tpu.memory_space<vmem>>, vector<1x1x16xf32>,
        %get3A_753 = vector.shape_cast %get3A_752 : vector<1x1x16xf32> to vector<16xf32>
        %mul3A_754 = arith.constant 4 : i32
        %mul3A_755 = arith.muli %scan3A_472, %mul3A_754 : i32
        %add3A_756 = arith.constant 3 : i32
        %add3A_757 = arith.addi %mul3A_755, %add3A_756 : i32
        %get3A_758 = arith.constant 2 : i32
        %get3A_759 = arith.index_cast %get3A_758 : i32 to index
        %get3A_760 = arith.index_cast %add3A_757 : i32 to index
        %get3A_761 = arith.constant 0 : index
        %get3A_762 = tpu.vector_load %arg10[%get3A_759, %get3A_760, %get3A_761] {strides = array<i32>} : memref<4x128x64xf32, #tpu.memory_space<vmem>>, vector<1x1x16xf32>,
        %get3A_763 = vector.shape_cast %get3A_762 : vector<1x1x16xf32> to vector<16xf32>
        %mul3A_764 = arith.mulf %get3A_753, %get3A_763 : vector<16xf32>
        %add3A_765 = arith.addf %add3A_589, %mul3A_764 : vector<16xf32>
        %mul3A_766 = arith.constant 4 : i32
        %mul3A_767 = arith.muli %scan3A_472, %mul3A_766 : i32
        %add3A_768 = arith.constant 3 : i32
        %add3A_769 = arith.addi %mul3A_767, %add3A_768 : i32
        %get3A_770 = arith.constant 2 : i32
        %get3A_771 = arith.index_cast %get3A_770 : i32 to index
        %get3A_772 = arith.index_cast %add3A_769 : i32 to index
        %get3A_773 = arith.constant 16 : index
        %get3A_774 = tpu.vector_load %arg9[%get3A_771, %get3A_772, %get3A_773] {strides = array<i32>} : memref<4x128x64xf32, #tpu.memory_space<vmem>>, vector<1x1x16xf32>,
        %get3A_775 = vector.shape_cast %get3A_774 : vector<1x1x16xf32> to vector<16xf32>
        %mul3A_776 = arith.constant 4 : i32
        %mul3A_777 = arith.muli %scan3A_472, %mul3A_776 : i32
        %add3A_778 = arith.constant 3 : i32
        %add3A_779 = arith.addi %mul3A_777, %add3A_778 : i32
        %get3A_780 = arith.constant 2 : i32
        %get3A_781 = arith.index_cast %get3A_780 : i32 to index
        %get3A_782 = arith.index_cast %add3A_779 : i32 to index
        %get3A_783 = arith.constant 16 : index
        %get3A_784 = tpu.vector_load %arg10[%get3A_781, %get3A_782, %get3A_783] {strides = array<i32>} : memref<4x128x64xf32, #tpu.memory_space<vmem>>, vector<1x1x16xf32>,
        %get3A_785 = vector.shape_cast %get3A_784 : vector<1x1x16xf32> to vector<16xf32>
        %mul3A_786 = arith.mulf %get3A_775, %get3A_785 : vector<16xf32>
        %add3A_787 = arith.addf %add3A_611, %mul3A_786 : vector<16xf32>
        %mul3A_788 = arith.constant 4 : i32
        %mul3A_789 = arith.muli %scan3A_472, %mul3A_788 : i32
        %add3A_790 = arith.constant 3 : i32
        %add3A_791 = arith.addi %mul3A_789, %add3A_790 : i32
        %get3A_792 = arith.constant 2 : i32
        %get3A_793 = arith.index_cast %get3A_792 : i32 to index
        %get3A_794 = arith.index_cast %add3A_791 : i32 to index
        %get3A_795 = arith.constant 32 : index
        %get3A_796 = tpu.vector_load %arg9[%get3A_793, %get3A_794, %get3A_795] {strides = array<i32>} : memref<4x128x64xf32, #tpu.memory_space<vmem>>, vector<1x1x16xf32>,
        %get3A_797 = vector.shape_cast %get3A_796 : vector<1x1x16xf32> to vector<16xf32>
        %mul3A_798 = arith.constant 4 : i32
        %mul3A_799 = arith.muli %scan3A_472, %mul3A_798 : i32
        %add3A_800 = arith.constant 3 : i32
        %add3A_801 = arith.addi %mul3A_799, %add3A_800 : i32
        %get3A_802 = arith.constant 2 : i32
        %get3A_803 = arith.index_cast %get3A_802 : i32 to index
        %get3A_804 = arith.index_cast %add3A_801 : i32 to index
        %get3A_805 = arith.constant 32 : index
        %get3A_806 = tpu.vector_load %arg10[%get3A_803, %get3A_804, %get3A_805] {strides = array<i32>} : memref<4x128x64xf32, #tpu.memory_space<vmem>>, vector<1x1x16xf32>,
        %get3A_807 = vector.shape_cast %get3A_806 : vector<1x1x16xf32> to vector<16xf32>
        %mul3A_808 = arith.mulf %get3A_797, %get3A_807 : vector<16xf32>
        %add3A_809 = arith.addf %add3A_633, %mul3A_808 : vector<16xf32>
        %mul3A_810 = arith.constant 4 : i32
        %mul3A_811 = arith.muli %scan3A_472, %mul3A_810 : i32
        %add3A_812 = arith.constant 3 : i32
        %add3A_813 = arith.addi %mul3A_811, %add3A_812 : i32
        %get3A_814 = arith.constant 2 : i32
        %get3A_815 = arith.index_cast %get3A_814 : i32 to index
        %get3A_816 = arith.index_cast %add3A_813 : i32 to index
        %get3A_817 = arith.constant 48 : index
        %get3A_818 = tpu.vector_load %arg9[%get3A_815, %get3A_816, %get3A_817] {strides = array<i32>} : memref<4x128x64xf32, #tpu.memory_space<vmem>>, vector<1x1x16xf32>,
        %get3A_819 = vector.shape_cast %get3A_818 : vector<1x1x16xf32> to vector<16xf32>
        %mul3A_820 = arith.constant 4 : i32
        %mul3A_821 = arith.muli %scan3A_472, %mul3A_820 : i32
        %add3A_822 = arith.constant 3 : i32
        %add3A_823 = arith.addi %mul3A_821, %add3A_822 : i32
        %get3A_824 = arith.constant 2 : i32
        %get3A_825 = arith.index_cast %get3A_824 : i32 to index
        %get3A_826 = arith.index_cast %add3A_823 : i32 to index
        %get3A_827 = arith.constant 48 : index
        %get3A_828 = tpu.vector_load %arg10[%get3A_825, %get3A_826, %get3A_827] {strides = array<i32>} : memref<4x128x64xf32, #tpu.memory_space<vmem>>, vector<1x1x16xf32>,
        %get3A_829 = vector.shape_cast %get3A_828 : vector<1x1x16xf32> to vector<16xf32>
        %mul3A_830 = arith.mulf %get3A_819, %get3A_829 : vector<16xf32>
        %add3A_831 = arith.addf %add3A_655, %mul3A_830 : vector<16xf32>
        scf.yield %add3A_677, %add3A_699, %add3A_721, %add3A_743, %add3A_765, %add3A_787, %add3A_809, %add3A_831 : vector<16xf32>, vector<16xf32>, vector<16xf32>, vector<16xf32>, vector<16xf32>, vector<16xf32>, vector<16xf32>, vector<16xf32>
      }
      %scan3A_403 = arith.constant 32 : i32
      %mul3A_404 = arith.constant 4 : i32
      %mul3A_405 = arith.muli %scan3A_193, %mul3A_404 : i32
      %add3A_406 = arith.constant 3 : i32
      %add3A_407 = arith.addi %mul3A_405, %add3A_406 : i32
      %add3A_408 = arith.constant 4 : i32
      %add3A_409 = arith.addi %add3A_407, %add3A_408 : i32
      %sub3A_410 = arith.constant 1 : i32
      %sub3A_411 = arith.subi %add3A_409, %sub3A_410 : i32
      %min3A_412 = arith.constant 199 : i32
      %min3A_413 = arith.minsi %sub3A_411, %min3A_412 : i32
      %dma_start3A_414 = arith.constant 2 : i32
      %dma_start3A_415 = arith.constant 0 : i32
      %dma_start3A_416 = arith.constant 0 : i32
      %dma_start3A_417 = tpu.memref_slice %arg9[%dma_start3A_414, %dma_start3A_415, %dma_start3A_416] : memref<4x128x64xf32, #tpu.memory_space<vmem>> -> memref<1x128x64xf32, #tpu.memory_space<vmem>>
      %dma_start3A_418 = tpu.memref_squeeze %dma_start3A_417 : memref<1x128x64xf32, #tpu.memory_space<vmem>> -> memref<128x64xf32, #tpu.memory_space<vmem>>
      %dma_start3A_419 = arith.constant 0 : i32
      %dma_start3A_420 = tpu.memref_slice %arg7[%min3A_413, %dma_start3A_419] : memref<200x128xi32, #tpu.memory_space<vmem>> -> memref<1x128xi32, #tpu.memory_space<vmem>>
      %dma_start3A_421 = tpu.memref_squeeze %dma_start3A_420 : memref<1x128xi32, #tpu.memory_space<vmem>> -> memref<128xi32, #tpu.memory_space<vmem>>
      %dma_start3A_422 = arith.constant 0 : i32
      %dma_start3A_423 = arith.constant 0 : i32
      %dma_start3A_424 = tpu.memref_slice %arg4[%dma_start3A_422, %dma_start3A_423] : memref<1000000x64xf32, #tpu.memory_space<hbm>> -> memref<1000000x64xf32, #tpu.memory_space<hbm>>
      tpu.enqueue_indirect_dma source(%dma_start3A_424 : memref<1000000x64xf32, #tpu.memory_space<hbm>>) target(%dma_start3A_418 : memref<128x64xf32, #tpu.memory_space<vmem>>) offsets(%dma_start3A_421 : memref<128xi32, #tpu.memory_space<vmem>>) semaphore(%arg14 : memref<!tpu.dma_semaphore, #tpu.memory_space<semaphore_mem>>)
      %dma_start3A_425 = arith.constant 2 : i32
      %dma_start3A_426 = arith.constant 0 : i32
      %dma_start3A_427 = arith.constant 0 : i32
      %dma_start3A_428 = tpu.memref_slice %arg10[%dma_start3A_425, %dma_start3A_426, %dma_start3A_427] : memref<4x128x64xf32, #tpu.memory_space<vmem>> -> memref<1x128x64xf32, #tpu.memory_space<vmem>>
      %dma_start3A_429 = tpu.memref_squeeze %dma_start3A_428 : memref<1x128x64xf32, #tpu.memory_space<vmem>> -> memref<128x64xf32, #tpu.memory_space<vmem>>
      %dma_start3A_430 = arith.constant 0 : i32
      %dma_start3A_431 = tpu.memref_slice %arg8[%min3A_413, %dma_start3A_430] : memref<200x128xi32, #tpu.memory_space<vmem>> -> memref<1x128xi32, #tpu.memory_space<vmem>>
      %dma_start3A_432 = tpu.memref_squeeze %dma_start3A_431 : memref<1x128xi32, #tpu.memory_space<vmem>> -> memref<128xi32, #tpu.memory_space<vmem>>
      %dma_start3A_433 = arith.constant 0 : i32
      %dma_start3A_434 = arith.constant 0 : i32
      %dma_start3A_435 = tpu.memref_slice %arg5[%dma_start3A_433, %dma_start3A_434] : memref<1000000x64xf32, #tpu.memory_space<hbm>> -> memref<1000000x64xf32, #tpu.memory_space<hbm>>
      tpu.enqueue_indirect_dma source(%dma_start3A_435 : memref<1000000x64xf32, #tpu.memory_space<hbm>>) target(%dma_start3A_429 : memref<128x64xf32, #tpu.memory_space<vmem>>) offsets(%dma_start3A_432 : memref<128xi32, #tpu.memory_space<vmem>>) semaphore(%arg14 : memref<!tpu.dma_semaphore, #tpu.memory_space<semaphore_mem>>)
      %dma_wait3A_436 = arith.constant 3 : i32
      %dma_wait3A_437 = arith.constant 0 : i32
      %dma_wait3A_438 = arith.constant 0 : i32
      %dma_wait3A_439 = tpu.memref_slice %arg9[%dma_wait3A_436, %dma_wait3A_437, %dma_wait3A_438] : memref<4x128x64xf32, #tpu.memory_space<vmem>> -> memref<1x128x64xf32, #tpu.memory_space<vmem>>
      %dma_wait3A_440 = tpu.memref_squeeze %dma_wait3A_439 : memref<1x128x64xf32, #tpu.memory_space<vmem>> -> memref<128x64xf32, #tpu.memory_space<vmem>>
      %dma_wait3A_441 = arith.constant 0 : i32
      %dma_wait3A_442 = arith.constant 0 : i32
      %dma_wait3A_443 = tpu.memref_slice %arg4[%dma_wait3A_441, %dma_wait3A_442] : memref<1000000x64xf32, #tpu.memory_space<hbm>> -> memref<128x64xf32, #tpu.memory_space<hbm>>
      %dma_wait3A_444 = arith.constant 0 : i32
      %dma_wait3A_445 = arith.constant 0 : i32
      %dma_wait3A_446 = tpu.memref_slice %arg9[%dma_wait3A_436, %dma_wait3A_444, %dma_wait3A_445] : memref<4x128x64xf32, #tpu.memory_space<vmem>> -> memref<1x128x64xf32, #tpu.memory_space<vmem>>
      %dma_wait3A_447 = tpu.memref_squeeze %dma_wait3A_446 : memref<1x128x64xf32, #tpu.memory_space<vmem>> -> memref<128x64xf32, #tpu.memory_space<vmem>>
      %dma_wait3A_448 = arith.constant 0 : i32
      %dma_wait3A_449 = arith.constant 0 : i32
      %dma_wait3A_450 = tpu.memref_slice %arg4[%dma_wait3A_448, %dma_wait3A_449] : memref<1000000x64xf32, #tpu.memory_space<hbm>> -> memref<128x64xf32, #tpu.memory_space<hbm>>
      tpu.wait_dma2 semaphore(%arg15 : memref<!tpu.dma_semaphore, #tpu.memory_space<semaphore_mem>>) src(%dma_wait3A_450 : memref<128x64xf32, #tpu.memory_space<hbm>>) dst(%dma_wait3A_447 : memref<128x64xf32, #tpu.memory_space<vmem>>)
      %dma_wait3A_451 = arith.constant 3 : i32
      %dma_wait3A_452 = arith.constant 0 : i32
      %dma_wait3A_453 = arith.constant 0 : i32
      %dma_wait3A_454 = tpu.memref_slice %arg10[%dma_wait3A_451, %dma_wait3A_452, %dma_wait3A_453] : memref<4x128x64xf32, #tpu.memory_space<vmem>> -> memref<1x128x64xf32, #tpu.memory_space<vmem>>
      %dma_wait3A_455 = tpu.memref_squeeze %dma_wait3A_454 : memref<1x128x64xf32, #tpu.memory_space<vmem>> -> memref<128x64xf32, #tpu.memory_space<vmem>>
      %dma_wait3A_456 = arith.constant 0 : i32
      %dma_wait3A_457 = arith.constant 0 : i32
      %dma_wait3A_458 = tpu.memref_slice %arg5[%dma_wait3A_456, %dma_wait3A_457] : memref<1000000x64xf32, #tpu.memory_space<hbm>> -> memref<128x64xf32, #tpu.memory_space<hbm>>
      %dma_wait3A_459 = arith.constant 0 : i32
      %dma_wait3A_460 = arith.constant 0 : i32
      %dma_wait3A_461 = tpu.memref_slice %arg10[%dma_wait3A_451, %dma_wait3A_459, %dma_wait3A_460] : memref<4x128x64xf32, #tpu.memory_space<vmem>> -> memref<1x128x64xf32, #tpu.memory_space<vmem>>
      %dma_wait3A_462 = tpu.memref_squeeze %dma_wait3A_461 : memref<1x128x64xf32, #tpu.memory_space<vmem>> -> memref<128x64xf32, #tpu.memory_space<vmem>>
      %dma_wait3A_463 = arith.constant 0 : i32
      %dma_wait3A_464 = arith.constant 0 : i32
      %dma_wait3A_465 = tpu.memref_slice %arg5[%dma_wait3A_463, %dma_wait3A_464] : memref<1000000x64xf32, #tpu.memory_space<hbm>> -> memref<128x64xf32, #tpu.memory_space<hbm>>
      tpu.wait_dma2 semaphore(%arg15 : memref<!tpu.dma_semaphore, #tpu.memory_space<semaphore_mem>>) src(%dma_wait3A_465 : memref<128x64xf32, #tpu.memory_space<hbm>>) dst(%dma_wait3A_462 : memref<128x64xf32, #tpu.memory_space<vmem>>)
      %scan3A_466 = arith.constant 0 : i32
      %scan3A_467 = arith.constant 32 : i32
      %scan3A_468 = arith.addi %scan3A_466, %scan3A_467 : i32
      %scan3A_469 = arith.constant 1 : i32
      %scan3A_470:8 = scf.for %scan3A_472 = %scan3A_466 to %scan3A_468 step %scan3A_469 iter_args(%scan3A_473 = %scan3A_402#0, %scan3A_474 = %scan3A_402#1, %scan3A_475 = %scan3A_402#2, %scan3A_476 = %scan3A_402#3, %scan3A_477 = %scan3A_402#4, %scan3A_478 = %scan3A_402#5, %scan3A_479 = %scan3A_402#6, %scan3A_480 = %scan3A_402#7) -> (vector<16xf32>, vector<16xf32>, vector<16xf32>, vector<16xf32>, vector<16xf32>, vector<16xf32>, vector<16xf32>, vector<16xf32>)  : i32 {
        %mul3A_481 = arith.constant 4 : i32
        %mul3A_482 = arith.muli %scan3A_472, %mul3A_481 : i32
        %add3A_483 = arith.constant 0 : i32
        %add3A_484 = arith.addi %mul3A_482, %add3A_483 : i32
        %get3A = arith.constant 3 : i32
        %get3A_485 = arith.index_cast %get3A : i32 to index
        %get3A_486 = arith.index_cast %add3A_484 : i32 to index
        %get3A_487 = arith.constant 0 : index
        %get3A_488 = tpu.vector_load %arg9[%get3A_485, %get3A_486, %get3A_487] {strides = array<i32>} : memref<4x128x64xf32, #tpu.memory_space<vmem>>, vector<1x1x16xf32>,
        %get3A_489 = vector.shape_cast %get3A_488 : vector<1x1x16xf32> to vector<16xf32>
        %mul3A_490 = arith.constant 4 : i32
        %mul3A_491 = arith.muli %scan3A_472, %mul3A_490 : i32
        %add3A_492 = arith.constant 0 : i32
        %add3A_493 = arith.addi %mul3A_491, %add3A_492 : i32
        %get3A_494 = arith.constant 3 : i32
        %get3A_495 = arith.index_cast %get3A_494 : i32 to index
        %get3A_496 = arith.index_cast %add3A_493 : i32 to index
        %get3A_497 = arith.constant 0 : index
        %get3A_498 = tpu.vector_load %arg10[%get3A_495, %get3A_496, %get3A_497] {strides = array<i32>} : memref<4x128x64xf32, #tpu.memory_space<vmem>>, vector<1x1x16xf32>,
        %get3A_499 = vector.shape_cast %get3A_498 : vector<1x1x16xf32> to vector<16xf32>
        %mul3A_500 = arith.mulf %get3A_489, %get3A_499 : vector<16xf32>
        %add3A_501 = arith.addf %scan3A_473, %mul3A_500 : vector<16xf32>
        %mul3A_502 = arith.constant 4 : i32
        %mul3A_503 = arith.muli %scan3A_472, %mul3A_502 : i32
        %add3A_504 = arith.constant 0 : i32
        %add3A_505 = arith.addi %mul3A_503, %add3A_504 : i32
        %get3A_506 = arith.constant 3 : i32
        %get3A_507 = arith.index_cast %get3A_506 : i32 to index
        %get3A_508 = arith.index_cast %add3A_505 : i32 to index
        %get3A_509 = arith.constant 16 : index
        %get3A_510 = tpu.vector_load %arg9[%get3A_507, %get3A_508, %get3A_509] {strides = array<i32>} : memref<4x128x64xf32, #tpu.memory_space<vmem>>, vector<1x1x16xf32>,
        %get3A_511 = vector.shape_cast %get3A_510 : vector<1x1x16xf32> to vector<16xf32>
        %mul3A_512 = arith.constant 4 : i32
        %mul3A_513 = arith.muli %scan3A_472, %mul3A_512 : i32
        %add3A_514 = arith.constant 0 : i32
        %add3A_515 = arith.addi %mul3A_513, %add3A_514 : i32
        %get3A_516 = arith.constant 3 : i32
        %get3A_517 = arith.index_cast %get3A_516 : i32 to index
        %get3A_518 = arith.index_cast %add3A_515 : i32 to index
        %get3A_519 = arith.constant 16 : index
        %get3A_520 = tpu.vector_load %arg10[%get3A_517, %get3A_518, %get3A_519] {strides = array<i32>} : memref<4x128x64xf32, #tpu.memory_space<vmem>>, vector<1x1x16xf32>,
        %get3A_521 = vector.shape_cast %get3A_520 : vector<1x1x16xf32> to vector<16xf32>
        %mul3A_522 = arith.mulf %get3A_511, %get3A_521 : vector<16xf32>
        %add3A_523 = arith.addf %scan3A_474, %mul3A_522 : vector<16xf32>
        %mul3A_524 = arith.constant 4 : i32
        %mul3A_525 = arith.muli %scan3A_472, %mul3A_524 : i32
        %add3A_526 = arith.constant 0 : i32
        %add3A_527 = arith.addi %mul3A_525, %add3A_526 : i32
        %get3A_528 = arith.constant 3 : i32
        %get3A_529 = arith.index_cast %get3A_528 : i32 to index
        %get3A_530 = arith.index_cast %add3A_527 : i32 to index
        %get3A_531 = arith.constant 32 : index
        %get3A_532 = tpu.vector_load %arg9[%get3A_529, %get3A_530, %get3A_531] {strides = array<i32>} : memref<4x128x64xf32, #tpu.memory_space<vmem>>, vector<1x1x16xf32>,
        %get3A_533 = vector.shape_cast %get3A_532 : vector<1x1x16xf32> to vector<16xf32>
        %mul3A_534 = arith.constant 4 : i32
        %mul3A_535 = arith.muli %scan3A_472, %mul3A_534 : i32
        %add3A_536 = arith.constant 0 : i32
        %add3A_537 = arith.addi %mul3A_535, %add3A_536 : i32
        %get3A_538 = arith.constant 3 : i32
        %get3A_539 = arith.index_cast %get3A_538 : i32 to index
        %get3A_540 = arith.index_cast %add3A_537 : i32 to index
        %get3A_541 = arith.constant 32 : index
        %get3A_542 = tpu.vector_load %arg10[%get3A_539, %get3A_540, %get3A_541] {strides = array<i32>} : memref<4x128x64xf32, #tpu.memory_space<vmem>>, vector<1x1x16xf32>,
        %get3A_543 = vector.shape_cast %get3A_542 : vector<1x1x16xf32> to vector<16xf32>
        %mul3A_544 = arith.mulf %get3A_533, %get3A_543 : vector<16xf32>
        %add3A_545 = arith.addf %scan3A_475, %mul3A_544 : vector<16xf32>
        %mul3A_546 = arith.constant 4 : i32
        %mul3A_547 = arith.muli %scan3A_472, %mul3A_546 : i32
        %add3A_548 = arith.constant 0 : i32
        %add3A_549 = arith.addi %mul3A_547, %add3A_548 : i32
        %get3A_550 = arith.constant 3 : i32
        %get3A_551 = arith.index_cast %get3A_550 : i32 to index
        %get3A_552 = arith.index_cast %add3A_549 : i32 to index
        %get3A_553 = arith.constant 48 : index
        %get3A_554 = tpu.vector_load %arg9[%get3A_551, %get3A_552, %get3A_553] {strides = array<i32>} : memref<4x128x64xf32, #tpu.memory_space<vmem>>, vector<1x1x16xf32>,
        %get3A_555 = vector.shape_cast %get3A_554 : vector<1x1x16xf32> to vector<16xf32>
        %mul3A_556 = arith.constant 4 : i32
        %mul3A_557 = arith.muli %scan3A_472, %mul3A_556 : i32
        %add3A_558 = arith.constant 0 : i32
        %add3A_559 = arith.addi %mul3A_557, %add3A_558 : i32
        %get3A_560 = arith.constant 3 : i32
        %get3A_561 = arith.index_cast %get3A_560 : i32 to index
        %get3A_562 = arith.index_cast %add3A_559 : i32 to index
        %get3A_563 = arith.constant 48 : index
        %get3A_564 = tpu.vector_load %arg10[%get3A_561, %get3A_562, %get3A_563] {strides = array<i32>} : memref<4x128x64xf32, #tpu.memory_space<vmem>>, vector<1x1x16xf32>,
        %get3A_565 = vector.shape_cast %get3A_564 : vector<1x1x16xf32> to vector<16xf32>
        %mul3A_566 = arith.mulf %get3A_555, %get3A_565 : vector<16xf32>
        %add3A_567 = arith.addf %scan3A_476, %mul3A_566 : vector<16xf32>
        %mul3A_568 = arith.constant 4 : i32
        %mul3A_569 = arith.muli %scan3A_472, %mul3A_568 : i32
        %add3A_570 = arith.constant 1 : i32
        %add3A_571 = arith.addi %mul3A_569, %add3A_570 : i32
        %get3A_572 = arith.constant 3 : i32
        %get3A_573 = arith.index_cast %get3A_572 : i32 to index
        %get3A_574 = arith.index_cast %add3A_571 : i32 to index
        %get3A_575 = arith.constant 0 : index
        %get3A_576 = tpu.vector_load %arg9[%get3A_573, %get3A_574, %get3A_575] {strides = array<i32>} : memref<4x128x64xf32, #tpu.memory_space<vmem>>, vector<1x1x16xf32>,
        %get3A_577 = vector.shape_cast %get3A_576 : vector<1x1x16xf32> to vector<16xf32>
        %mul3A_578 = arith.constant 4 : i32
        %mul3A_579 = arith.muli %scan3A_472, %mul3A_578 : i32
        %add3A_580 = arith.constant 1 : i32
        %add3A_581 = arith.addi %mul3A_579, %add3A_580 : i32
        %get3A_582 = arith.constant 3 : i32
        %get3A_583 = arith.index_cast %get3A_582 : i32 to index
        %get3A_584 = arith.index_cast %add3A_581 : i32 to index
        %get3A_585 = arith.constant 0 : index
        %get3A_586 = tpu.vector_load %arg10[%get3A_583, %get3A_584, %get3A_585] {strides = array<i32>} : memref<4x128x64xf32, #tpu.memory_space<vmem>>, vector<1x1x16xf32>,
        %get3A_587 = vector.shape_cast %get3A_586 : vector<1x1x16xf32> to vector<16xf32>
        %mul3A_588 = arith.mulf %get3A_577, %get3A_587 : vector<16xf32>
        %add3A_589 = arith.addf %scan3A_477, %mul3A_588 : vector<16xf32>
        %mul3A_590 = arith.constant 4 : i32
        %mul3A_591 = arith.muli %scan3A_472, %mul3A_590 : i32
        %add3A_592 = arith.constant 1 : i32
        %add3A_593 = arith.addi %mul3A_591, %add3A_592 : i32
        %get3A_594 = arith.constant 3 : i32
        %get3A_595 = arith.index_cast %get3A_594 : i32 to index
        %get3A_596 = arith.index_cast %add3A_593 : i32 to index
        %get3A_597 = arith.constant 16 : index
        %get3A_598 = tpu.vector_load %arg9[%get3A_595, %get3A_596, %get3A_597] {strides = array<i32>} : memref<4x128x64xf32, #tpu.memory_space<vmem>>, vector<1x1x16xf32>,
        %get3A_599 = vector.shape_cast %get3A_598 : vector<1x1x16xf32> to vector<16xf32>
        %mul3A_600 = arith.constant 4 : i32
        %mul3A_601 = arith.muli %scan3A_472, %mul3A_600 : i32
        %add3A_602 = arith.constant 1 : i32
        %add3A_603 = arith.addi %mul3A_601, %add3A_602 : i32
        %get3A_604 = arith.constant 3 : i32
        %get3A_605 = arith.index_cast %get3A_604 : i32 to index
        %get3A_606 = arith.index_cast %add3A_603 : i32 to index
        %get3A_607 = arith.constant 16 : index
        %get3A_608 = tpu.vector_load %arg10[%get3A_605, %get3A_606, %get3A_607] {strides = array<i32>} : memref<4x128x64xf32, #tpu.memory_space<vmem>>, vector<1x1x16xf32>,
        %get3A_609 = vector.shape_cast %get3A_608 : vector<1x1x16xf32> to vector<16xf32>
        %mul3A_610 = arith.mulf %get3A_599, %get3A_609 : vector<16xf32>
        %add3A_611 = arith.addf %scan3A_478, %mul3A_610 : vector<16xf32>
        %mul3A_612 = arith.constant 4 : i32
        %mul3A_613 = arith.muli %scan3A_472, %mul3A_612 : i32
        %add3A_614 = arith.constant 1 : i32
        %add3A_615 = arith.addi %mul3A_613, %add3A_614 : i32
        %get3A_616 = arith.constant 3 : i32
        %get3A_617 = arith.index_cast %get3A_616 : i32 to index
        %get3A_618 = arith.index_cast %add3A_615 : i32 to index
        %get3A_619 = arith.constant 32 : index
        %get3A_620 = tpu.vector_load %arg9[%get3A_617, %get3A_618, %get3A_619] {strides = array<i32>} : memref<4x128x64xf32, #tpu.memory_space<vmem>>, vector<1x1x16xf32>,
        %get3A_621 = vector.shape_cast %get3A_620 : vector<1x1x16xf32> to vector<16xf32>
        %mul3A_622 = arith.constant 4 : i32
        %mul3A_623 = arith.muli %scan3A_472, %mul3A_622 : i32
        %add3A_624 = arith.constant 1 : i32
        %add3A_625 = arith.addi %mul3A_623, %add3A_624 : i32
        %get3A_626 = arith.constant 3 : i32
        %get3A_627 = arith.index_cast %get3A_626 : i32 to index
        %get3A_628 = arith.index_cast %add3A_625 : i32 to index
        %get3A_629 = arith.constant 32 : index
        %get3A_630 = tpu.vector_load %arg10[%get3A_627, %get3A_628, %get3A_629] {strides = array<i32>} : memref<4x128x64xf32, #tpu.memory_space<vmem>>, vector<1x1x16xf32>,
        %get3A_631 = vector.shape_cast %get3A_630 : vector<1x1x16xf32> to vector<16xf32>
        %mul3A_632 = arith.mulf %get3A_621, %get3A_631 : vector<16xf32>
        %add3A_633 = arith.addf %scan3A_479, %mul3A_632 : vector<16xf32>
        %mul3A_634 = arith.constant 4 : i32
        %mul3A_635 = arith.muli %scan3A_472, %mul3A_634 : i32
        %add3A_636 = arith.constant 1 : i32
        %add3A_637 = arith.addi %mul3A_635, %add3A_636 : i32
        %get3A_638 = arith.constant 3 : i32
        %get3A_639 = arith.index_cast %get3A_638 : i32 to index
        %get3A_640 = arith.index_cast %add3A_637 : i32 to index
        %get3A_641 = arith.constant 48 : index
        %get3A_642 = tpu.vector_load %arg9[%get3A_639, %get3A_640, %get3A_641] {strides = array<i32>} : memref<4x128x64xf32, #tpu.memory_space<vmem>>, vector<1x1x16xf32>,
        %get3A_643 = vector.shape_cast %get3A_642 : vector<1x1x16xf32> to vector<16xf32>
        %mul3A_644 = arith.constant 4 : i32
        %mul3A_645 = arith.muli %scan3A_472, %mul3A_644 : i32
        %add3A_646 = arith.constant 1 : i32
        %add3A_647 = arith.addi %mul3A_645, %add3A_646 : i32
        %get3A_648 = arith.constant 3 : i32
        %get3A_649 = arith.index_cast %get3A_648 : i32 to index
        %get3A_650 = arith.index_cast %add3A_647 : i32 to index
        %get3A_651 = arith.constant 48 : index
        %get3A_652 = tpu.vector_load %arg10[%get3A_649, %get3A_650, %get3A_651] {strides = array<i32>} : memref<4x128x64xf32, #tpu.memory_space<vmem>>, vector<1x1x16xf32>,
        %get3A_653 = vector.shape_cast %get3A_652 : vector<1x1x16xf32> to vector<16xf32>
        %mul3A_654 = arith.mulf %get3A_643, %get3A_653 : vector<16xf32>
        %add3A_655 = arith.addf %scan3A_480, %mul3A_654 : vector<16xf32>
        %mul3A_656 = arith.constant 4 : i32
        %mul3A_657 = arith.muli %scan3A_472, %mul3A_656 : i32
        %add3A_658 = arith.constant 2 : i32
        %add3A_659 = arith.addi %mul3A_657, %add3A_658 : i32
        %get3A_660 = arith.constant 3 : i32
        %get3A_661 = arith.index_cast %get3A_660 : i32 to index
        %get3A_662 = arith.index_cast %add3A_659 : i32 to index
        %get3A_663 = arith.constant 0 : index
        %get3A_664 = tpu.vector_load %arg9[%get3A_661, %get3A_662, %get3A_663] {strides = array<i32>} : memref<4x128x64xf32, #tpu.memory_space<vmem>>, vector<1x1x16xf32>,
        %get3A_665 = vector.shape_cast %get3A_664 : vector<1x1x16xf32> to vector<16xf32>
        %mul3A_666 = arith.constant 4 : i32
        %mul3A_667 = arith.muli %scan3A_472, %mul3A_666 : i32
        %add3A_668 = arith.constant 2 : i32
        %add3A_669 = arith.addi %mul3A_667, %add3A_668 : i32
        %get3A_670 = arith.constant 3 : i32
        %get3A_671 = arith.index_cast %get3A_670 : i32 to index
        %get3A_672 = arith.index_cast %add3A_669 : i32 to index
        %get3A_673 = arith.constant 0 : index
        %get3A_674 = tpu.vector_load %arg10[%get3A_671, %get3A_672, %get3A_673] {strides = array<i32>} : memref<4x128x64xf32, #tpu.memory_space<vmem>>, vector<1x1x16xf32>,
        %get3A_675 = vector.shape_cast %get3A_674 : vector<1x1x16xf32> to vector<16xf32>
        %mul3A_676 = arith.mulf %get3A_665, %get3A_675 : vector<16xf32>
        %add3A_677 = arith.addf %add3A_501, %mul3A_676 : vector<16xf32>
        %mul3A_678 = arith.constant 4 : i32
        %mul3A_679 = arith.muli %scan3A_472, %mul3A_678 : i32
        %add3A_680 = arith.constant 2 : i32
        %add3A_681 = arith.addi %mul3A_679, %add3A_680 : i32
        %get3A_682 = arith.constant 3 : i32
        %get3A_683 = arith.index_cast %get3A_682 : i32 to index
        %get3A_684 = arith.index_cast %add3A_681 : i32 to index
        %get3A_685 = arith.constant 16 : index
        %get3A_686 = tpu.vector_load %arg9[%get3A_683, %get3A_684, %get3A_685] {strides = array<i32>} : memref<4x128x64xf32, #tpu.memory_space<vmem>>, vector<1x1x16xf32>,
        %get3A_687 = vector.shape_cast %get3A_686 : vector<1x1x16xf32> to vector<16xf32>
        %mul3A_688 = arith.constant 4 : i32
        %mul3A_689 = arith.muli %scan3A_472, %mul3A_688 : i32
        %add3A_690 = arith.constant 2 : i32
        %add3A_691 = arith.addi %mul3A_689, %add3A_690 : i32
        %get3A_692 = arith.constant 3 : i32
        %get3A_693 = arith.index_cast %get3A_692 : i32 to index
        %get3A_694 = arith.index_cast %add3A_691 : i32 to index
        %get3A_695 = arith.constant 16 : index
        %get3A_696 = tpu.vector_load %arg10[%get3A_693, %get3A_694, %get3A_695] {strides = array<i32>} : memref<4x128x64xf32, #tpu.memory_space<vmem>>, vector<1x1x16xf32>,
        %get3A_697 = vector.shape_cast %get3A_696 : vector<1x1x16xf32> to vector<16xf32>
        %mul3A_698 = arith.mulf %get3A_687, %get3A_697 : vector<16xf32>
        %add3A_699 = arith.addf %add3A_523, %mul3A_698 : vector<16xf32>
        %mul3A_700 = arith.constant 4 : i32
        %mul3A_701 = arith.muli %scan3A_472, %mul3A_700 : i32
        %add3A_702 = arith.constant 2 : i32
        %add3A_703 = arith.addi %mul3A_701, %add3A_702 : i32
        %get3A_704 = arith.constant 3 : i32
        %get3A_705 = arith.index_cast %get3A_704 : i32 to index
        %get3A_706 = arith.index_cast %add3A_703 : i32 to index
        %get3A_707 = arith.constant 32 : index
        %get3A_708 = tpu.vector_load %arg9[%get3A_705, %get3A_706, %get3A_707] {strides = array<i32>} : memref<4x128x64xf32, #tpu.memory_space<vmem>>, vector<1x1x16xf32>,
        %get3A_709 = vector.shape_cast %get3A_708 : vector<1x1x16xf32> to vector<16xf32>
        %mul3A_710 = arith.constant 4 : i32
        %mul3A_711 = arith.muli %scan3A_472, %mul3A_710 : i32
        %add3A_712 = arith.constant 2 : i32
        %add3A_713 = arith.addi %mul3A_711, %add3A_712 : i32
        %get3A_714 = arith.constant 3 : i32
        %get3A_715 = arith.index_cast %get3A_714 : i32 to index
        %get3A_716 = arith.index_cast %add3A_713 : i32 to index
        %get3A_717 = arith.constant 32 : index
        %get3A_718 = tpu.vector_load %arg10[%get3A_715, %get3A_716, %get3A_717] {strides = array<i32>} : memref<4x128x64xf32, #tpu.memory_space<vmem>>, vector<1x1x16xf32>,
        %get3A_719 = vector.shape_cast %get3A_718 : vector<1x1x16xf32> to vector<16xf32>
        %mul3A_720 = arith.mulf %get3A_709, %get3A_719 : vector<16xf32>
        %add3A_721 = arith.addf %add3A_545, %mul3A_720 : vector<16xf32>
        %mul3A_722 = arith.constant 4 : i32
        %mul3A_723 = arith.muli %scan3A_472, %mul3A_722 : i32
        %add3A_724 = arith.constant 2 : i32
        %add3A_725 = arith.addi %mul3A_723, %add3A_724 : i32
        %get3A_726 = arith.constant 3 : i32
        %get3A_727 = arith.index_cast %get3A_726 : i32 to index
        %get3A_728 = arith.index_cast %add3A_725 : i32 to index
        %get3A_729 = arith.constant 48 : index
        %get3A_730 = tpu.vector_load %arg9[%get3A_727, %get3A_728, %get3A_729] {strides = array<i32>} : memref<4x128x64xf32, #tpu.memory_space<vmem>>, vector<1x1x16xf32>,
        %get3A_731 = vector.shape_cast %get3A_730 : vector<1x1x16xf32> to vector<16xf32>
        %mul3A_732 = arith.constant 4 : i32
        %mul3A_733 = arith.muli %scan3A_472, %mul3A_732 : i32
        %add3A_734 = arith.constant 2 : i32
        %add3A_735 = arith.addi %mul3A_733, %add3A_734 : i32
        %get3A_736 = arith.constant 3 : i32
        %get3A_737 = arith.index_cast %get3A_736 : i32 to index
        %get3A_738 = arith.index_cast %add3A_735 : i32 to index
        %get3A_739 = arith.constant 48 : index
        %get3A_740 = tpu.vector_load %arg10[%get3A_737, %get3A_738, %get3A_739] {strides = array<i32>} : memref<4x128x64xf32, #tpu.memory_space<vmem>>, vector<1x1x16xf32>,
        %get3A_741 = vector.shape_cast %get3A_740 : vector<1x1x16xf32> to vector<16xf32>
        %mul3A_742 = arith.mulf %get3A_731, %get3A_741 : vector<16xf32>
        %add3A_743 = arith.addf %add3A_567, %mul3A_742 : vector<16xf32>
        %mul3A_744 = arith.constant 4 : i32
        %mul3A_745 = arith.muli %scan3A_472, %mul3A_744 : i32
        %add3A_746 = arith.constant 3 : i32
        %add3A_747 = arith.addi %mul3A_745, %add3A_746 : i32
        %get3A_748 = arith.constant 3 : i32
        %get3A_749 = arith.index_cast %get3A_748 : i32 to index
        %get3A_750 = arith.index_cast %add3A_747 : i32 to index
        %get3A_751 = arith.constant 0 : index
        %get3A_752 = tpu.vector_load %arg9[%get3A_749, %get3A_750, %get3A_751] {strides = array<i32>} : memref<4x128x64xf32, #tpu.memory_space<vmem>>, vector<1x1x16xf32>,
        %get3A_753 = vector.shape_cast %get3A_752 : vector<1x1x16xf32> to vector<16xf32>
        %mul3A_754 = arith.constant 4 : i32
        %mul3A_755 = arith.muli %scan3A_472, %mul3A_754 : i32
        %add3A_756 = arith.constant 3 : i32
        %add3A_757 = arith.addi %mul3A_755, %add3A_756 : i32
        %get3A_758 = arith.constant 3 : i32
        %get3A_759 = arith.index_cast %get3A_758 : i32 to index
        %get3A_760 = arith.index_cast %add3A_757 : i32 to index
        %get3A_761 = arith.constant 0 : index
        %get3A_762 = tpu.vector_load %arg10[%get3A_759, %get3A_760, %get3A_761] {strides = array<i32>} : memref<4x128x64xf32, #tpu.memory_space<vmem>>, vector<1x1x16xf32>,
        %get3A_763 = vector.shape_cast %get3A_762 : vector<1x1x16xf32> to vector<16xf32>
        %mul3A_764 = arith.mulf %get3A_753, %get3A_763 : vector<16xf32>
        %add3A_765 = arith.addf %add3A_589, %mul3A_764 : vector<16xf32>
        %mul3A_766 = arith.constant 4 : i32
        %mul3A_767 = arith.muli %scan3A_472, %mul3A_766 : i32
        %add3A_768 = arith.constant 3 : i32
        %add3A_769 = arith.addi %mul3A_767, %add3A_768 : i32
        %get3A_770 = arith.constant 3 : i32
        %get3A_771 = arith.index_cast %get3A_770 : i32 to index
        %get3A_772 = arith.index_cast %add3A_769 : i32 to index
        %get3A_773 = arith.constant 16 : index
        %get3A_774 = tpu.vector_load %arg9[%get3A_771, %get3A_772, %get3A_773] {strides = array<i32>} : memref<4x128x64xf32, #tpu.memory_space<vmem>>, vector<1x1x16xf32>,
        %get3A_775 = vector.shape_cast %get3A_774 : vector<1x1x16xf32> to vector<16xf32>
        %mul3A_776 = arith.constant 4 : i32
        %mul3A_777 = arith.muli %scan3A_472, %mul3A_776 : i32
        %add3A_778 = arith.constant 3 : i32
        %add3A_779 = arith.addi %mul3A_777, %add3A_778 : i32
        %get3A_780 = arith.constant 3 : i32
        %get3A_781 = arith.index_cast %get3A_780 : i32 to index
        %get3A_782 = arith.index_cast %add3A_779 : i32 to index
        %get3A_783 = arith.constant 16 : index
        %get3A_784 = tpu.vector_load %arg10[%get3A_781, %get3A_782, %get3A_783] {strides = array<i32>} : memref<4x128x64xf32, #tpu.memory_space<vmem>>, vector<1x1x16xf32>,
        %get3A_785 = vector.shape_cast %get3A_784 : vector<1x1x16xf32> to vector<16xf32>
        %mul3A_786 = arith.mulf %get3A_775, %get3A_785 : vector<16xf32>
        %add3A_787 = arith.addf %add3A_611, %mul3A_786 : vector<16xf32>
        %mul3A_788 = arith.constant 4 : i32
        %mul3A_789 = arith.muli %scan3A_472, %mul3A_788 : i32
        %add3A_790 = arith.constant 3 : i32
        %add3A_791 = arith.addi %mul3A_789, %add3A_790 : i32
        %get3A_792 = arith.constant 3 : i32
        %get3A_793 = arith.index_cast %get3A_792 : i32 to index
        %get3A_794 = arith.index_cast %add3A_791 : i32 to index
        %get3A_795 = arith.constant 32 : index
        %get3A_796 = tpu.vector_load %arg9[%get3A_793, %get3A_794, %get3A_795] {strides = array<i32>} : memref<4x128x64xf32, #tpu.memory_space<vmem>>, vector<1x1x16xf32>,
        %get3A_797 = vector.shape_cast %get3A_796 : vector<1x1x16xf32> to vector<16xf32>
        %mul3A_798 = arith.constant 4 : i32
        %mul3A_799 = arith.muli %scan3A_472, %mul3A_798 : i32
        %add3A_800 = arith.constant 3 : i32
        %add3A_801 = arith.addi %mul3A_799, %add3A_800 : i32
        %get3A_802 = arith.constant 3 : i32
        %get3A_803 = arith.index_cast %get3A_802 : i32 to index
        %get3A_804 = arith.index_cast %add3A_801 : i32 to index
        %get3A_805 = arith.constant 32 : index
        %get3A_806 = tpu.vector_load %arg10[%get3A_803, %get3A_804, %get3A_805] {strides = array<i32>} : memref<4x128x64xf32, #tpu.memory_space<vmem>>, vector<1x1x16xf32>,
        %get3A_807 = vector.shape_cast %get3A_806 : vector<1x1x16xf32> to vector<16xf32>
        %mul3A_808 = arith.mulf %get3A_797, %get3A_807 : vector<16xf32>
        %add3A_809 = arith.addf %add3A_633, %mul3A_808 : vector<16xf32>
        %mul3A_810 = arith.constant 4 : i32
        %mul3A_811 = arith.muli %scan3A_472, %mul3A_810 : i32
        %add3A_812 = arith.constant 3 : i32
        %add3A_813 = arith.addi %mul3A_811, %add3A_812 : i32
        %get3A_814 = arith.constant 3 : i32
        %get3A_815 = arith.index_cast %get3A_814 : i32 to index
        %get3A_816 = arith.index_cast %add3A_813 : i32 to index
        %get3A_817 = arith.constant 48 : index
        %get3A_818 = tpu.vector_load %arg9[%get3A_815, %get3A_816, %get3A_817] {strides = array<i32>} : memref<4x128x64xf32, #tpu.memory_space<vmem>>, vector<1x1x16xf32>,
        %get3A_819 = vector.shape_cast %get3A_818 : vector<1x1x16xf32> to vector<16xf32>
        %mul3A_820 = arith.constant 4 : i32
        %mul3A_821 = arith.muli %scan3A_472, %mul3A_820 : i32
        %add3A_822 = arith.constant 3 : i32
        %add3A_823 = arith.addi %mul3A_821, %add3A_822 : i32
        %get3A_824 = arith.constant 3 : i32
        %get3A_825 = arith.index_cast %get3A_824 : i32 to index
        %get3A_826 = arith.index_cast %add3A_823 : i32 to index
        %get3A_827 = arith.constant 48 : index
        %get3A_828 = tpu.vector_load %arg10[%get3A_825, %get3A_826, %get3A_827] {strides = array<i32>} : memref<4x128x64xf32, #tpu.memory_space<vmem>>, vector<1x1x16xf32>,
        %get3A_829 = vector.shape_cast %get3A_828 : vector<1x1x16xf32> to vector<16xf32>
        %mul3A_830 = arith.mulf %get3A_819, %get3A_829 : vector<16xf32>
        %add3A_831 = arith.addf %add3A_655, %mul3A_830 : vector<16xf32>
        scf.yield %add3A_677, %add3A_699, %add3A_721, %add3A_743, %add3A_765, %add3A_787, %add3A_809, %add3A_831 : vector<16xf32>, vector<16xf32>, vector<16xf32>, vector<16xf32>, vector<16xf32>, vector<16xf32>, vector<16xf32>, vector<16xf32>
      }
      %scan3A_471 = arith.constant 32 : i32
      scf.yield %scan3A_470#0, %scan3A_470#1, %scan3A_470#2, %scan3A_470#3, %scan3A_470#4, %scan3A_470#5, %scan3A_470#6, %scan3A_470#7 : vector<16xf32>, vector<16xf32>, vector<16xf32>, vector<16xf32>, vector<16xf32>, vector<16xf32>, vector<16xf32>, vector<16xf32>
    }
    %scan3A_93 = arith.constant 50 : i32
    %dma_wait3A = arith.constant 0 : i32
    %dma_wait3A_94 = arith.constant 0 : i32
    %dma_wait3A_95 = arith.constant 0 : i32
    %dma_wait3A_96 = tpu.memref_slice %arg9[%dma_wait3A, %dma_wait3A_94, %dma_wait3A_95] : memref<4x128x64xf32, #tpu.memory_space<vmem>> -> memref<1x128x64xf32, #tpu.memory_space<vmem>>
    %dma_wait3A_97 = tpu.memref_squeeze %dma_wait3A_96 : memref<1x128x64xf32, #tpu.memory_space<vmem>> -> memref<128x64xf32, #tpu.memory_space<vmem>>
    %dma_wait3A_98 = arith.constant 0 : i32
    %dma_wait3A_99 = arith.constant 0 : i32
    %dma_wait3A_100 = tpu.memref_slice %arg4[%dma_wait3A_98, %dma_wait3A_99] : memref<1000000x64xf32, #tpu.memory_space<hbm>> -> memref<128x64xf32, #tpu.memory_space<hbm>>
    %dma_wait3A_101 = arith.constant 0 : i32
    %dma_wait3A_102 = arith.constant 0 : i32
    %dma_wait3A_103 = tpu.memref_slice %arg9[%dma_wait3A, %dma_wait3A_101, %dma_wait3A_102] : memref<4x128x64xf32, #tpu.memory_space<vmem>> -> memref<1x128x64xf32, #tpu.memory_space<vmem>>
    %dma_wait3A_104 = tpu.memref_squeeze %dma_wait3A_103 : memref<1x128x64xf32, #tpu.memory_space<vmem>> -> memref<128x64xf32, #tpu.memory_space<vmem>>
    %dma_wait3A_105 = arith.constant 0 : i32
    %dma_wait3A_106 = arith.constant 0 : i32
    %dma_wait3A_107 = tpu.memref_slice %arg4[%dma_wait3A_105, %dma_wait3A_106] : memref<1000000x64xf32, #tpu.memory_space<hbm>> -> memref<128x64xf32, #tpu.memory_space<hbm>>
    tpu.wait_dma2 semaphore(%arg12 : memref<!tpu.dma_semaphore, #tpu.memory_space<semaphore_mem>>) src(%dma_wait3A_107 : memref<128x64xf32, #tpu.memory_space<hbm>>) dst(%dma_wait3A_104 : memref<128x64xf32, #tpu.memory_space<vmem>>)
    %dma_wait3A_108 = arith.constant 0 : i32
    %dma_wait3A_109 = arith.constant 0 : i32
    %dma_wait3A_110 = arith.constant 0 : i32
    %dma_wait3A_111 = tpu.memref_slice %arg10[%dma_wait3A_108, %dma_wait3A_109, %dma_wait3A_110] : memref<4x128x64xf32, #tpu.memory_space<vmem>> -> memref<1x128x64xf32, #tpu.memory_space<vmem>>
    %dma_wait3A_112 = tpu.memref_squeeze %dma_wait3A_111 : memref<1x128x64xf32, #tpu.memory_space<vmem>> -> memref<128x64xf32, #tpu.memory_space<vmem>>
    %dma_wait3A_113 = arith.constant 0 : i32
    %dma_wait3A_114 = arith.constant 0 : i32
    %dma_wait3A_115 = tpu.memref_slice %arg5[%dma_wait3A_113, %dma_wait3A_114] : memref<1000000x64xf32, #tpu.memory_space<hbm>> -> memref<128x64xf32, #tpu.memory_space<hbm>>
    %dma_wait3A_116 = arith.constant 0 : i32
    %dma_wait3A_117 = arith.constant 0 : i32
    %dma_wait3A_118 = tpu.memref_slice %arg10[%dma_wait3A_108, %dma_wait3A_116, %dma_wait3A_117] : memref<4x128x64xf32, #tpu.memory_space<vmem>> -> memref<1x128x64xf32, #tpu.memory_space<vmem>>
    %dma_wait3A_119 = tpu.memref_squeeze %dma_wait3A_118 : memref<1x128x64xf32, #tpu.memory_space<vmem>> -> memref<128x64xf32, #tpu.memory_space<vmem>>
    %dma_wait3A_120 = arith.constant 0 : i32
    %dma_wait3A_121 = arith.constant 0 : i32
    %dma_wait3A_122 = tpu.memref_slice %arg5[%dma_wait3A_120, %dma_wait3A_121] : memref<1000000x64xf32, #tpu.memory_space<hbm>> -> memref<128x64xf32, #tpu.memory_space<hbm>>
    tpu.wait_dma2 semaphore(%arg12 : memref<!tpu.dma_semaphore, #tpu.memory_space<semaphore_mem>>) src(%dma_wait3A_122 : memref<128x64xf32, #tpu.memory_space<hbm>>) dst(%dma_wait3A_119 : memref<128x64xf32, #tpu.memory_space<vmem>>)
    %dma_wait3A_123 = arith.constant 1 : i32
    %dma_wait3A_124 = arith.constant 0 : i32
    %dma_wait3A_125 = arith.constant 0 : i32
    %dma_wait3A_126 = tpu.memref_slice %arg9[%dma_wait3A_123, %dma_wait3A_124, %dma_wait3A_125] : memref<4x128x64xf32, #tpu.memory_space<vmem>> -> memref<1x128x64xf32, #tpu.memory_space<vmem>>
    %dma_wait3A_127 = tpu.memref_squeeze %dma_wait3A_126 : memref<1x128x64xf32, #tpu.memory_space<vmem>> -> memref<128x64xf32, #tpu.memory_space<vmem>>
    %dma_wait3A_128 = arith.constant 0 : i32
    %dma_wait3A_129 = arith.constant 0 : i32
    %dma_wait3A_130 = tpu.memref_slice %arg4[%dma_wait3A_128, %dma_wait3A_129] : memref<1000000x64xf32, #tpu.memory_space<hbm>> -> memref<128x64xf32, #tpu.memory_space<hbm>>
    %dma_wait3A_131 = arith.constant 0 : i32
    %dma_wait3A_132 = arith.constant 0 : i32
    %dma_wait3A_133 = tpu.memref_slice %arg9[%dma_wait3A_123, %dma_wait3A_131, %dma_wait3A_132] : memref<4x128x64xf32, #tpu.memory_space<vmem>> -> memref<1x128x64xf32, #tpu.memory_space<vmem>>
    %dma_wait3A_134 = tpu.memref_squeeze %dma_wait3A_133 : memref<1x128x64xf32, #tpu.memory_space<vmem>> -> memref<128x64xf32, #tpu.memory_space<vmem>>
    %dma_wait3A_135 = arith.constant 0 : i32
    %dma_wait3A_136 = arith.constant 0 : i32
    %dma_wait3A_137 = tpu.memref_slice %arg4[%dma_wait3A_135, %dma_wait3A_136] : memref<1000000x64xf32, #tpu.memory_space<hbm>> -> memref<128x64xf32, #tpu.memory_space<hbm>>
    tpu.wait_dma2 semaphore(%arg13 : memref<!tpu.dma_semaphore, #tpu.memory_space<semaphore_mem>>) src(%dma_wait3A_137 : memref<128x64xf32, #tpu.memory_space<hbm>>) dst(%dma_wait3A_134 : memref<128x64xf32, #tpu.memory_space<vmem>>)
    %dma_wait3A_138 = arith.constant 1 : i32
    %dma_wait3A_139 = arith.constant 0 : i32
    %dma_wait3A_140 = arith.constant 0 : i32
    %dma_wait3A_141 = tpu.memref_slice %arg10[%dma_wait3A_138, %dma_wait3A_139, %dma_wait3A_140] : memref<4x128x64xf32, #tpu.memory_space<vmem>> -> memref<1x128x64xf32, #tpu.memory_space<vmem>>
    %dma_wait3A_142 = tpu.memref_squeeze %dma_wait3A_141 : memref<1x128x64xf32, #tpu.memory_space<vmem>> -> memref<128x64xf32, #tpu.memory_space<vmem>>
    %dma_wait3A_143 = arith.constant 0 : i32
    %dma_wait3A_144 = arith.constant 0 : i32
    %dma_wait3A_145 = tpu.memref_slice %arg5[%dma_wait3A_143, %dma_wait3A_144] : memref<1000000x64xf32, #tpu.memory_space<hbm>> -> memref<128x64xf32, #tpu.memory_space<hbm>>
    %dma_wait3A_146 = arith.constant 0 : i32
    %dma_wait3A_147 = arith.constant 0 : i32
    %dma_wait3A_148 = tpu.memref_slice %arg10[%dma_wait3A_138, %dma_wait3A_146, %dma_wait3A_147] : memref<4x128x64xf32, #tpu.memory_space<vmem>> -> memref<1x128x64xf32, #tpu.memory_space<vmem>>
    %dma_wait3A_149 = tpu.memref_squeeze %dma_wait3A_148 : memref<1x128x64xf32, #tpu.memory_space<vmem>> -> memref<128x64xf32, #tpu.memory_space<vmem>>
    %dma_wait3A_150 = arith.constant 0 : i32
    %dma_wait3A_151 = arith.constant 0 : i32
    %dma_wait3A_152 = tpu.memref_slice %arg5[%dma_wait3A_150, %dma_wait3A_151] : memref<1000000x64xf32, #tpu.memory_space<hbm>> -> memref<128x64xf32, #tpu.memory_space<hbm>>
    tpu.wait_dma2 semaphore(%arg13 : memref<!tpu.dma_semaphore, #tpu.memory_space<semaphore_mem>>) src(%dma_wait3A_152 : memref<128x64xf32, #tpu.memory_space<hbm>>) dst(%dma_wait3A_149 : memref<128x64xf32, #tpu.memory_space<vmem>>)
    %dma_wait3A_153 = arith.constant 2 : i32
    %dma_wait3A_154 = arith.constant 0 : i32
    %dma_wait3A_155 = arith.constant 0 : i32
    %dma_wait3A_156 = tpu.memref_slice %arg9[%dma_wait3A_153, %dma_wait3A_154, %dma_wait3A_155] : memref<4x128x64xf32, #tpu.memory_space<vmem>> -> memref<1x128x64xf32, #tpu.memory_space<vmem>>
    %dma_wait3A_157 = tpu.memref_squeeze %dma_wait3A_156 : memref<1x128x64xf32, #tpu.memory_space<vmem>> -> memref<128x64xf32, #tpu.memory_space<vmem>>
    %dma_wait3A_158 = arith.constant 0 : i32
    %dma_wait3A_159 = arith.constant 0 : i32
    %dma_wait3A_160 = tpu.memref_slice %arg4[%dma_wait3A_158, %dma_wait3A_159] : memref<1000000x64xf32, #tpu.memory_space<hbm>> -> memref<128x64xf32, #tpu.memory_space<hbm>>
    %dma_wait3A_161 = arith.constant 0 : i32
    %dma_wait3A_162 = arith.constant 0 : i32
    %dma_wait3A_163 = tpu.memref_slice %arg9[%dma_wait3A_153, %dma_wait3A_161, %dma_wait3A_162] : memref<4x128x64xf32, #tpu.memory_space<vmem>> -> memref<1x128x64xf32, #tpu.memory_space<vmem>>
    %dma_wait3A_164 = tpu.memref_squeeze %dma_wait3A_163 : memref<1x128x64xf32, #tpu.memory_space<vmem>> -> memref<128x64xf32, #tpu.memory_space<vmem>>
    %dma_wait3A_165 = arith.constant 0 : i32
    %dma_wait3A_166 = arith.constant 0 : i32
    %dma_wait3A_167 = tpu.memref_slice %arg4[%dma_wait3A_165, %dma_wait3A_166] : memref<1000000x64xf32, #tpu.memory_space<hbm>> -> memref<128x64xf32, #tpu.memory_space<hbm>>
    tpu.wait_dma2 semaphore(%arg14 : memref<!tpu.dma_semaphore, #tpu.memory_space<semaphore_mem>>) src(%dma_wait3A_167 : memref<128x64xf32, #tpu.memory_space<hbm>>) dst(%dma_wait3A_164 : memref<128x64xf32, #tpu.memory_space<vmem>>)
    %dma_wait3A_168 = arith.constant 2 : i32
    %dma_wait3A_169 = arith.constant 0 : i32
    %dma_wait3A_170 = arith.constant 0 : i32
    %dma_wait3A_171 = tpu.memref_slice %arg10[%dma_wait3A_168, %dma_wait3A_169, %dma_wait3A_170] : memref<4x128x64xf32, #tpu.memory_space<vmem>> -> memref<1x128x64xf32, #tpu.memory_space<vmem>>
    %dma_wait3A_172 = tpu.memref_squeeze %dma_wait3A_171 : memref<1x128x64xf32, #tpu.memory_space<vmem>> -> memref<128x64xf32, #tpu.memory_space<vmem>>
    %dma_wait3A_173 = arith.constant 0 : i32
    %dma_wait3A_174 = arith.constant 0 : i32
    %dma_wait3A_175 = tpu.memref_slice %arg5[%dma_wait3A_173, %dma_wait3A_174] : memref<1000000x64xf32, #tpu.memory_space<hbm>> -> memref<128x64xf32, #tpu.memory_space<hbm>>
    %dma_wait3A_176 = arith.constant 0 : i32
    %dma_wait3A_177 = arith.constant 0 : i32
    %dma_wait3A_178 = tpu.memref_slice %arg10[%dma_wait3A_168, %dma_wait3A_176, %dma_wait3A_177] : memref<4x128x64xf32, #tpu.memory_space<vmem>> -> memref<1x128x64xf32, #tpu.memory_space<vmem>>
    %dma_wait3A_179 = tpu.memref_squeeze %dma_wait3A_178 : memref<1x128x64xf32, #tpu.memory_space<vmem>> -> memref<128x64xf32, #tpu.memory_space<vmem>>
    %dma_wait3A_180 = arith.constant 0 : i32
    %dma_wait3A_181 = arith.constant 0 : i32
    %dma_wait3A_182 = tpu.memref_slice %arg5[%dma_wait3A_180, %dma_wait3A_181] : memref<1000000x64xf32, #tpu.memory_space<hbm>> -> memref<128x64xf32, #tpu.memory_space<hbm>>
    tpu.wait_dma2 semaphore(%arg14 : memref<!tpu.dma_semaphore, #tpu.memory_space<semaphore_mem>>) src(%dma_wait3A_182 : memref<128x64xf32, #tpu.memory_space<hbm>>) dst(%dma_wait3A_179 : memref<128x64xf32, #tpu.memory_space<vmem>>)
    %add3A_183 = arith.addf %scan3A_92#0, %scan3A_92#1 : vector<16xf32>
    %add3A_184 = arith.addf %add3A_183, %scan3A_92#2 : vector<16xf32>
    %add3A_185 = arith.addf %add3A_184, %scan3A_92#3 : vector<16xf32>
    %add3A_186 = arith.addf %add3A_185, %scan3A_92#4 : vector<16xf32>
    %add3A_187 = arith.addf %add3A_186, %scan3A_92#5 : vector<16xf32>
    %add3A_188 = arith.addf %add3A_187, %scan3A_92#6 : vector<16xf32>
    %add3A_189 = arith.addf %add3A_188, %scan3A_92#7 : vector<16xf32>
    %swap3A = arith.constant 0 : index
    %swap3A_190 = tpu.vector_load %arg11[%swap3A] {strides = array<i32>} : memref<16xf32, #tpu.memory_space<vmem>>, vector<16xf32>,
    %swap3A_191 = vector.shape_cast %swap3A_190 : vector<16xf32> to vector<16xf32>
    %swap3A_192 = vector.shape_cast %add3A_189 : vector<16xf32> to vector<16xf32>
    tpu.vector_store %arg11[%swap3A], %swap3A_192 {strides = array<i32>} : memref<16xf32, #tpu.memory_space<vmem>>, vector<16xf32>,
    "tpu.region"() ({
      %run_scoped3A = tpu.sem_alloc : memref<!tpu.dma_semaphore, #tpu.memory_space<semaphore_mem>>
      %dma_start3A_193 = arith.constant 0 : i32
      %dma_start3A_194 = tpu.memref_slice %arg6[%add3A, %dma_start3A_193] : memref<32x16xf32, #tpu.memory_space<hbm>> -> memref<1x16xf32, #tpu.memory_space<hbm>>
      %dma_start3A_195 = tpu.memref_squeeze %dma_start3A_194 : memref<1x16xf32, #tpu.memory_space<hbm>> -> memref<16xf32, #tpu.memory_space<hbm>>
      %dma_start3A_196 = arith.constant 0 : i32
      %dma_start3A_197 = tpu.memref_slice %arg6[%add3A, %dma_start3A_196] : memref<32x16xf32, #tpu.memory_space<hbm>> -> memref<1x16xf32, #tpu.memory_space<hbm>>
      %dma_start3A_198 = tpu.memref_squeeze %dma_start3A_197 : memref<1x16xf32, #tpu.memory_space<hbm>> -> memref<16xf32, #tpu.memory_space<hbm>>
      tpu.enqueue_dma source(%arg11 : memref<16xf32, #tpu.memory_space<vmem>>) target(%dma_start3A_198 : memref<16xf32, #tpu.memory_space<hbm>>) target_semaphore(%run_scoped3A : memref<!tpu.dma_semaphore, #tpu.memory_space<semaphore_mem>>)
      %dma_wait3A_199 = arith.constant 0 : i32
      %dma_wait3A_200 = tpu.memref_slice %arg6[%add3A, %dma_wait3A_199] : memref<32x16xf32, #tpu.memory_space<hbm>> -> memref<1x16xf32, #tpu.memory_space<hbm>>
      %dma_wait3A_201 = tpu.memref_squeeze %dma_wait3A_200 : memref<1x16xf32, #tpu.memory_space<hbm>> -> memref<16xf32, #tpu.memory_space<hbm>>
      %dma_wait3A_202 = arith.constant 0 : i32
      %dma_wait3A_203 = tpu.memref_slice %arg6[%add3A, %dma_wait3A_202] : memref<32x16xf32, #tpu.memory_space<hbm>> -> memref<1x16xf32, #tpu.memory_space<hbm>>
      %dma_wait3A_204 = tpu.memref_squeeze %dma_wait3A_203 : memref<1x16xf32, #tpu.memory_space<hbm>> -> memref<16xf32, #tpu.memory_space<hbm>>
      tpu.wait_dma2 semaphore(%run_scoped3A : memref<!tpu.dma_semaphore, #tpu.memory_space<semaphore_mem>>) src(%arg11 : memref<16xf32, #tpu.memory_space<vmem>>) dst(%dma_wait3A_204 : memref<16xf32, #tpu.memory_space<hbm>>)
      tpu.yield
    }) : () -> ()
    return
  }
}

#map = affine_map<(d0, d1) -> (0, 0)>
#map1 = affine_map<(d0, d1) -> (0)>
module attributes {stable_mosaic.version = 14 : i64} {
  func.func @bias_kernel(%arg0: i32, %arg1: i32, %arg2: memref<6400x128xi32, #tpu.memory_space<hbm>>, %arg3: memref<6400x128xi32, #tpu.memory_space<hbm>>, %arg4: memref<1000000xf32, #tpu.memory_space<hbm>>, %arg5: memref<1000000xf32, #tpu.memory_space<hbm>>, %arg6: memref<32x16xf32, #tpu.memory_space<hbm>>, %arg7: memref<200x128xi32, #tpu.memory_space<vmem>>, %arg8: memref<200x128xi32, #tpu.memory_space<vmem>>, %arg9: memref<4x128xf32, #tpu.memory_space<vmem>>, %arg10: memref<4x128xf32, #tpu.memory_space<vmem>>, %arg11: memref<16xf32, #tpu.memory_space<vmem>>, %arg12: memref<!tpu.dma_semaphore, #tpu.memory_space<semaphore_mem>>, %arg13: memref<!tpu.dma_semaphore, #tpu.memory_space<semaphore_mem>>, %arg14: memref<!tpu.dma_semaphore, #tpu.memory_space<semaphore_mem>>, %arg15: memref<!tpu.dma_semaphore, #tpu.memory_space<semaphore_mem>>) attributes {dimension_semantics = [#tpu.dimension_semantics<core_parallel>, #tpu.dimension_semantics<subcore_parallel>], iteration_bounds = array<i64: 2, 16>, scalar_prefetch = 0 : i64, scratch_operands = 9 : i64, tpu.core_type = #tpu.core_type<sc_vector_subcore>, window_params = [{transform_indices = #map}, {transform_indices = #map}, {transform_indices = #map1}, {transform_indices = #map1}, {transform_indices = #map}]} {
    %mul3A = arith.constant 2 : i32
    %mul3A_0 = arith.muli %arg1, %mul3A : i32
    %add3A = arith.addi %mul3A_0, %arg0 : i32
    %mul3A_1 = arith.constant 200 : i32
    %mul3A_2 = arith.muli %add3A, %mul3A_1 : i32
    "tpu.region"() ({
      %run_scoped3A = tpu.sem_alloc : memref<!tpu.dma_semaphore, #tpu.memory_space<semaphore_mem>>
      %dma_start3A_157 = arith.constant 0 : i32
      %dma_start3A_158 = tpu.memref_slice %arg2[%mul3A_2, %dma_start3A_157] : memref<6400x128xi32, #tpu.memory_space<hbm>> -> memref<200x128xi32, #tpu.memory_space<hbm>>
      %dma_start3A_159 = arith.constant 0 : i32
      %dma_start3A_160 = tpu.memref_slice %arg2[%mul3A_2, %dma_start3A_159] : memref<6400x128xi32, #tpu.memory_space<hbm>> -> memref<200x128xi32, #tpu.memory_space<hbm>>
      tpu.enqueue_dma source(%dma_start3A_160 : memref<200x128xi32, #tpu.memory_space<hbm>>) target(%arg7 : memref<200x128xi32, #tpu.memory_space<vmem>>) target_semaphore(%run_scoped3A : memref<!tpu.dma_semaphore, #tpu.memory_space<semaphore_mem>>)
      %dma_wait3A_161 = arith.constant 0 : i32
      %dma_wait3A_162 = tpu.memref_slice %arg2[%mul3A_2, %dma_wait3A_161] : memref<6400x128xi32, #tpu.memory_space<hbm>> -> memref<200x128xi32, #tpu.memory_space<hbm>>
      %dma_wait3A_163 = arith.constant 0 : i32
      %dma_wait3A_164 = tpu.memref_slice %arg2[%mul3A_2, %dma_wait3A_163] : memref<6400x128xi32, #tpu.memory_space<hbm>> -> memref<200x128xi32, #tpu.memory_space<hbm>>
      tpu.wait_dma2 semaphore(%run_scoped3A : memref<!tpu.dma_semaphore, #tpu.memory_space<semaphore_mem>>) src(%dma_wait3A_164 : memref<200x128xi32, #tpu.memory_space<hbm>>) dst(%arg7 : memref<200x128xi32, #tpu.memory_space<vmem>>)
      tpu.yield
    }) : () -> ()
    "tpu.region"() ({
      %run_scoped3A = tpu.sem_alloc : memref<!tpu.dma_semaphore, #tpu.memory_space<semaphore_mem>>
      %dma_start3A_157 = arith.constant 0 : i32
      %dma_start3A_158 = tpu.memref_slice %arg3[%mul3A_2, %dma_start3A_157] : memref<6400x128xi32, #tpu.memory_space<hbm>> -> memref<200x128xi32, #tpu.memory_space<hbm>>
      %dma_start3A_159 = arith.constant 0 : i32
      %dma_start3A_160 = tpu.memref_slice %arg3[%mul3A_2, %dma_start3A_159] : memref<6400x128xi32, #tpu.memory_space<hbm>> -> memref<200x128xi32, #tpu.memory_space<hbm>>
      tpu.enqueue_dma source(%dma_start3A_160 : memref<200x128xi32, #tpu.memory_space<hbm>>) target(%arg8 : memref<200x128xi32, #tpu.memory_space<vmem>>) target_semaphore(%run_scoped3A : memref<!tpu.dma_semaphore, #tpu.memory_space<semaphore_mem>>)
      %dma_wait3A_161 = arith.constant 0 : i32
      %dma_wait3A_162 = tpu.memref_slice %arg3[%mul3A_2, %dma_wait3A_161] : memref<6400x128xi32, #tpu.memory_space<hbm>> -> memref<200x128xi32, #tpu.memory_space<hbm>>
      %dma_wait3A_163 = arith.constant 0 : i32
      %dma_wait3A_164 = tpu.memref_slice %arg3[%mul3A_2, %dma_wait3A_163] : memref<6400x128xi32, #tpu.memory_space<hbm>> -> memref<200x128xi32, #tpu.memory_space<hbm>>
      tpu.wait_dma2 semaphore(%run_scoped3A : memref<!tpu.dma_semaphore, #tpu.memory_space<semaphore_mem>>) src(%dma_wait3A_164 : memref<200x128xi32, #tpu.memory_space<hbm>>) dst(%arg8 : memref<200x128xi32, #tpu.memory_space<vmem>>)
      tpu.yield
    }) : () -> ()
    %dma_start3A = arith.constant 0 : i32
    %dma_start3A_3 = arith.constant 0 : i32
    %dma_start3A_4 = arith.constant 0 : i32
    %dma_start3A_5 = tpu.memref_slice %arg9[%dma_start3A_3, %dma_start3A_4] : memref<4x128xf32, #tpu.memory_space<vmem>> -> memref<1x128xf32, #tpu.memory_space<vmem>>
    %dma_start3A_6 = tpu.memref_squeeze %dma_start3A_5 : memref<1x128xf32, #tpu.memory_space<vmem>> -> memref<128xf32, #tpu.memory_space<vmem>>
    %dma_start3A_7 = arith.constant 0 : i32
    %dma_start3A_8 = tpu.memref_slice %arg7[%dma_start3A, %dma_start3A_7] : memref<200x128xi32, #tpu.memory_space<vmem>> -> memref<1x128xi32, #tpu.memory_space<vmem>>
    %dma_start3A_9 = tpu.memref_squeeze %dma_start3A_8 : memref<1x128xi32, #tpu.memory_space<vmem>> -> memref<128xi32, #tpu.memory_space<vmem>>
    %dma_start3A_10 = arith.constant 0 : i32
    %dma_start3A_11 = tpu.memref_slice %arg4[%dma_start3A_10] : memref<1000000xf32, #tpu.memory_space<hbm>> -> memref<1000000xf32, #tpu.memory_space<hbm>>
    tpu.enqueue_indirect_dma source(%dma_start3A_11 : memref<1000000xf32, #tpu.memory_space<hbm>>) target(%dma_start3A_6 : memref<128xf32, #tpu.memory_space<vmem>>) offsets(%dma_start3A_9 : memref<128xi32, #tpu.memory_space<vmem>>) semaphore(%arg12 : memref<!tpu.dma_semaphore, #tpu.memory_space<semaphore_mem>>)
    %dma_start3A_12 = arith.constant 0 : i32
    %dma_start3A_13 = arith.constant 0 : i32
    %dma_start3A_14 = arith.constant 0 : i32
    %dma_start3A_15 = tpu.memref_slice %arg10[%dma_start3A_13, %dma_start3A_14] : memref<4x128xf32, #tpu.memory_space<vmem>> -> memref<1x128xf32, #tpu.memory_space<vmem>>
    %dma_start3A_16 = tpu.memref_squeeze %dma_start3A_15 : memref<1x128xf32, #tpu.memory_space<vmem>> -> memref<128xf32, #tpu.memory_space<vmem>>
    %dma_start3A_17 = arith.constant 0 : i32
    %dma_start3A_18 = tpu.memref_slice %arg8[%dma_start3A_12, %dma_start3A_17] : memref<200x128xi32, #tpu.memory_space<vmem>> -> memref<1x128xi32, #tpu.memory_space<vmem>>
    %dma_start3A_19 = tpu.memref_squeeze %dma_start3A_18 : memref<1x128xi32, #tpu.memory_space<vmem>> -> memref<128xi32, #tpu.memory_space<vmem>>
    %dma_start3A_20 = arith.constant 0 : i32
    %dma_start3A_21 = tpu.memref_slice %arg5[%dma_start3A_20] : memref<1000000xf32, #tpu.memory_space<hbm>> -> memref<1000000xf32, #tpu.memory_space<hbm>>
    tpu.enqueue_indirect_dma source(%dma_start3A_21 : memref<1000000xf32, #tpu.memory_space<hbm>>) target(%dma_start3A_16 : memref<128xf32, #tpu.memory_space<vmem>>) offsets(%dma_start3A_19 : memref<128xi32, #tpu.memory_space<vmem>>) semaphore(%arg12 : memref<!tpu.dma_semaphore, #tpu.memory_space<semaphore_mem>>)
    %dma_start3A_22 = arith.constant 1 : i32
    %dma_start3A_23 = arith.constant 1 : i32
    %dma_start3A_24 = arith.constant 0 : i32
    %dma_start3A_25 = tpu.memref_slice %arg9[%dma_start3A_23, %dma_start3A_24] : memref<4x128xf32, #tpu.memory_space<vmem>> -> memref<1x128xf32, #tpu.memory_space<vmem>>
    %dma_start3A_26 = tpu.memref_squeeze %dma_start3A_25 : memref<1x128xf32, #tpu.memory_space<vmem>> -> memref<128xf32, #tpu.memory_space<vmem>>
    %dma_start3A_27 = arith.constant 0 : i32
    %dma_start3A_28 = tpu.memref_slice %arg7[%dma_start3A_22, %dma_start3A_27] : memref<200x128xi32, #tpu.memory_space<vmem>> -> memref<1x128xi32, #tpu.memory_space<vmem>>
    %dma_start3A_29 = tpu.memref_squeeze %dma_start3A_28 : memref<1x128xi32, #tpu.memory_space<vmem>> -> memref<128xi32, #tpu.memory_space<vmem>>
    %dma_start3A_30 = arith.constant 0 : i32
    %dma_start3A_31 = tpu.memref_slice %arg4[%dma_start3A_30] : memref<1000000xf32, #tpu.memory_space<hbm>> -> memref<1000000xf32, #tpu.memory_space<hbm>>
    tpu.enqueue_indirect_dma source(%dma_start3A_31 : memref<1000000xf32, #tpu.memory_space<hbm>>) target(%dma_start3A_26 : memref<128xf32, #tpu.memory_space<vmem>>) offsets(%dma_start3A_29 : memref<128xi32, #tpu.memory_space<vmem>>) semaphore(%arg13 : memref<!tpu.dma_semaphore, #tpu.memory_space<semaphore_mem>>)
    %dma_start3A_32 = arith.constant 1 : i32
    %dma_start3A_33 = arith.constant 1 : i32
    %dma_start3A_34 = arith.constant 0 : i32
    %dma_start3A_35 = tpu.memref_slice %arg10[%dma_start3A_33, %dma_start3A_34] : memref<4x128xf32, #tpu.memory_space<vmem>> -> memref<1x128xf32, #tpu.memory_space<vmem>>
    %dma_start3A_36 = tpu.memref_squeeze %dma_start3A_35 : memref<1x128xf32, #tpu.memory_space<vmem>> -> memref<128xf32, #tpu.memory_space<vmem>>
    %dma_start3A_37 = arith.constant 0 : i32
    %dma_start3A_38 = tpu.memref_slice %arg8[%dma_start3A_32, %dma_start3A_37] : memref<200x128xi32, #tpu.memory_space<vmem>> -> memref<1x128xi32, #tpu.memory_space<vmem>>
    %dma_start3A_39 = tpu.memref_squeeze %dma_start3A_38 : memref<1x128xi32, #tpu.memory_space<vmem>> -> memref<128xi32, #tpu.memory_space<vmem>>
    %dma_start3A_40 = arith.constant 0 : i32
    %dma_start3A_41 = tpu.memref_slice %arg5[%dma_start3A_40] : memref<1000000xf32, #tpu.memory_space<hbm>> -> memref<1000000xf32, #tpu.memory_space<hbm>>
    tpu.enqueue_indirect_dma source(%dma_start3A_41 : memref<1000000xf32, #tpu.memory_space<hbm>>) target(%dma_start3A_36 : memref<128xf32, #tpu.memory_space<vmem>>) offsets(%dma_start3A_39 : memref<128xi32, #tpu.memory_space<vmem>>) semaphore(%arg13 : memref<!tpu.dma_semaphore, #tpu.memory_space<semaphore_mem>>)
    %dma_start3A_42 = arith.constant 2 : i32
    %dma_start3A_43 = arith.constant 2 : i32
    %dma_start3A_44 = arith.constant 0 : i32
    %dma_start3A_45 = tpu.memref_slice %arg9[%dma_start3A_43, %dma_start3A_44] : memref<4x128xf32, #tpu.memory_space<vmem>> -> memref<1x128xf32, #tpu.memory_space<vmem>>
    %dma_start3A_46 = tpu.memref_squeeze %dma_start3A_45 : memref<1x128xf32, #tpu.memory_space<vmem>> -> memref<128xf32, #tpu.memory_space<vmem>>
    %dma_start3A_47 = arith.constant 0 : i32
    %dma_start3A_48 = tpu.memref_slice %arg7[%dma_start3A_42, %dma_start3A_47] : memref<200x128xi32, #tpu.memory_space<vmem>> -> memref<1x128xi32, #tpu.memory_space<vmem>>
    %dma_start3A_49 = tpu.memref_squeeze %dma_start3A_48 : memref<1x128xi32, #tpu.memory_space<vmem>> -> memref<128xi32, #tpu.memory_space<vmem>>
    %dma_start3A_50 = arith.constant 0 : i32
    %dma_start3A_51 = tpu.memref_slice %arg4[%dma_start3A_50] : memref<1000000xf32, #tpu.memory_space<hbm>> -> memref<1000000xf32, #tpu.memory_space<hbm>>
    tpu.enqueue_indirect_dma source(%dma_start3A_51 : memref<1000000xf32, #tpu.memory_space<hbm>>) target(%dma_start3A_46 : memref<128xf32, #tpu.memory_space<vmem>>) offsets(%dma_start3A_49 : memref<128xi32, #tpu.memory_space<vmem>>) semaphore(%arg14 : memref<!tpu.dma_semaphore, #tpu.memory_space<semaphore_mem>>)
    %dma_start3A_52 = arith.constant 2 : i32
    %dma_start3A_53 = arith.constant 2 : i32
    %dma_start3A_54 = arith.constant 0 : i32
    %dma_start3A_55 = tpu.memref_slice %arg10[%dma_start3A_53, %dma_start3A_54] : memref<4x128xf32, #tpu.memory_space<vmem>> -> memref<1x128xf32, #tpu.memory_space<vmem>>
    %dma_start3A_56 = tpu.memref_squeeze %dma_start3A_55 : memref<1x128xf32, #tpu.memory_space<vmem>> -> memref<128xf32, #tpu.memory_space<vmem>>
    %dma_start3A_57 = arith.constant 0 : i32
    %dma_start3A_58 = tpu.memref_slice %arg8[%dma_start3A_52, %dma_start3A_57] : memref<200x128xi32, #tpu.memory_space<vmem>> -> memref<1x128xi32, #tpu.memory_space<vmem>>
    %dma_start3A_59 = tpu.memref_squeeze %dma_start3A_58 : memref<1x128xi32, #tpu.memory_space<vmem>> -> memref<128xi32, #tpu.memory_space<vmem>>
    %dma_start3A_60 = arith.constant 0 : i32
    %dma_start3A_61 = tpu.memref_slice %arg5[%dma_start3A_60] : memref<1000000xf32, #tpu.memory_space<hbm>> -> memref<1000000xf32, #tpu.memory_space<hbm>>
    tpu.enqueue_indirect_dma source(%dma_start3A_61 : memref<1000000xf32, #tpu.memory_space<hbm>>) target(%dma_start3A_56 : memref<128xf32, #tpu.memory_space<vmem>>) offsets(%dma_start3A_59 : memref<128xi32, #tpu.memory_space<vmem>>) semaphore(%arg14 : memref<!tpu.dma_semaphore, #tpu.memory_space<semaphore_mem>>)
    %broadcast_in_dim3A = arith.constant 0.000000e+00 : f32
    %broadcast_in_dim3A_62 = vector.broadcast %broadcast_in_dim3A : f32 to vector<16xf32>
    %broadcast_in_dim3A_63 = arith.constant 0.000000e+00 : f32
    %broadcast_in_dim3A_64 = vector.broadcast %broadcast_in_dim3A_63 : f32 to vector<16xf32>
    %broadcast_in_dim3A_65 = arith.constant 0.000000e+00 : f32
    %broadcast_in_dim3A_66 = vector.broadcast %broadcast_in_dim3A_65 : f32 to vector<16xf32>
    %broadcast_in_dim3A_67 = arith.constant 0.000000e+00 : f32
    %broadcast_in_dim3A_68 = vector.broadcast %broadcast_in_dim3A_67 : f32 to vector<16xf32>
    %broadcast_in_dim3A_69 = arith.constant 0.000000e+00 : f32
    %broadcast_in_dim3A_70 = vector.broadcast %broadcast_in_dim3A_69 : f32 to vector<16xf32>
    %broadcast_in_dim3A_71 = arith.constant 0.000000e+00 : f32
    %broadcast_in_dim3A_72 = vector.broadcast %broadcast_in_dim3A_71 : f32 to vector<16xf32>
    %broadcast_in_dim3A_73 = arith.constant 0.000000e+00 : f32
    %broadcast_in_dim3A_74 = vector.broadcast %broadcast_in_dim3A_73 : f32 to vector<16xf32>
    %broadcast_in_dim3A_75 = arith.constant 0.000000e+00 : f32
    %broadcast_in_dim3A_76 = vector.broadcast %broadcast_in_dim3A_75 : f32 to vector<16xf32>
    %scan3A = arith.constant 0 : i32
    %scan3A_77 = arith.constant 50 : i32
    %scan3A_78 = arith.addi %scan3A, %scan3A_77 : i32
    %scan3A_79 = arith.constant 1 : i32
    %scan3A_80:8 = scf.for %scan3A_157 = %scan3A to %scan3A_78 step %scan3A_79 iter_args(%scan3A_158 = %broadcast_in_dim3A_62, %scan3A_159 = %broadcast_in_dim3A_64, %scan3A_160 = %broadcast_in_dim3A_66, %scan3A_161 = %broadcast_in_dim3A_68, %scan3A_162 = %broadcast_in_dim3A_70, %scan3A_163 = %broadcast_in_dim3A_72, %scan3A_164 = %broadcast_in_dim3A_74, %scan3A_165 = %broadcast_in_dim3A_76) -> (vector<16xf32>, vector<16xf32>, vector<16xf32>, vector<16xf32>, vector<16xf32>, vector<16xf32>, vector<16xf32>, vector<16xf32>)  : i32 {
      %mul3A_166 = arith.constant 4 : i32
      %mul3A_167 = arith.muli %scan3A_157, %mul3A_166 : i32
      %add3A_168 = arith.constant 0 : i32
      %add3A_169 = arith.addi %mul3A_167, %add3A_168 : i32
      %add3A_170 = arith.constant 4 : i32
      %add3A_171 = arith.addi %add3A_169, %add3A_170 : i32
      %sub3A = arith.constant 1 : i32
      %sub3A_172 = arith.subi %add3A_171, %sub3A : i32
      %min3A = arith.constant 199 : i32
      %min3A_173 = arith.minsi %sub3A_172, %min3A : i32
      %dma_start3A_174 = arith.constant 3 : i32
      %dma_start3A_175 = arith.constant 0 : i32
      %dma_start3A_176 = tpu.memref_slice %arg9[%dma_start3A_174, %dma_start3A_175] : memref<4x128xf32, #tpu.memory_space<vmem>> -> memref<1x128xf32, #tpu.memory_space<vmem>>
      %dma_start3A_177 = tpu.memref_squeeze %dma_start3A_176 : memref<1x128xf32, #tpu.memory_space<vmem>> -> memref<128xf32, #tpu.memory_space<vmem>>
      %dma_start3A_178 = arith.constant 0 : i32
      %dma_start3A_179 = tpu.memref_slice %arg7[%min3A_173, %dma_start3A_178] : memref<200x128xi32, #tpu.memory_space<vmem>> -> memref<1x128xi32, #tpu.memory_space<vmem>>
      %dma_start3A_180 = tpu.memref_squeeze %dma_start3A_179 : memref<1x128xi32, #tpu.memory_space<vmem>> -> memref<128xi32, #tpu.memory_space<vmem>>
      %dma_start3A_181 = arith.constant 0 : i32
      %dma_start3A_182 = tpu.memref_slice %arg4[%dma_start3A_181] : memref<1000000xf32, #tpu.memory_space<hbm>> -> memref<1000000xf32, #tpu.memory_space<hbm>>
      tpu.enqueue_indirect_dma source(%dma_start3A_182 : memref<1000000xf32, #tpu.memory_space<hbm>>) target(%dma_start3A_177 : memref<128xf32, #tpu.memory_space<vmem>>) offsets(%dma_start3A_180 : memref<128xi32, #tpu.memory_space<vmem>>) semaphore(%arg15 : memref<!tpu.dma_semaphore, #tpu.memory_space<semaphore_mem>>)
      %dma_start3A_183 = arith.constant 3 : i32
      %dma_start3A_184 = arith.constant 0 : i32
      %dma_start3A_185 = tpu.memref_slice %arg10[%dma_start3A_183, %dma_start3A_184] : memref<4x128xf32, #tpu.memory_space<vmem>> -> memref<1x128xf32, #tpu.memory_space<vmem>>
      %dma_start3A_186 = tpu.memref_squeeze %dma_start3A_185 : memref<1x128xf32, #tpu.memory_space<vmem>> -> memref<128xf32, #tpu.memory_space<vmem>>
      %dma_start3A_187 = arith.constant 0 : i32
      %dma_start3A_188 = tpu.memref_slice %arg8[%min3A_173, %dma_start3A_187] : memref<200x128xi32, #tpu.memory_space<vmem>> -> memref<1x128xi32, #tpu.memory_space<vmem>>
      %dma_start3A_189 = tpu.memref_squeeze %dma_start3A_188 : memref<1x128xi32, #tpu.memory_space<vmem>> -> memref<128xi32, #tpu.memory_space<vmem>>
      %dma_start3A_190 = arith.constant 0 : i32
      %dma_start3A_191 = tpu.memref_slice %arg5[%dma_start3A_190] : memref<1000000xf32, #tpu.memory_space<hbm>> -> memref<1000000xf32, #tpu.memory_space<hbm>>
      tpu.enqueue_indirect_dma source(%dma_start3A_191 : memref<1000000xf32, #tpu.memory_space<hbm>>) target(%dma_start3A_186 : memref<128xf32, #tpu.memory_space<vmem>>) offsets(%dma_start3A_189 : memref<128xi32, #tpu.memory_space<vmem>>) semaphore(%arg15 : memref<!tpu.dma_semaphore, #tpu.memory_space<semaphore_mem>>)
      %dma_wait3A_192 = arith.constant 0 : i32
      %dma_wait3A_193 = arith.constant 0 : i32
      %dma_wait3A_194 = tpu.memref_slice %arg9[%dma_wait3A_192, %dma_wait3A_193] : memref<4x128xf32, #tpu.memory_space<vmem>> -> memref<1x128xf32, #tpu.memory_space<vmem>>
      %dma_wait3A_195 = tpu.memref_squeeze %dma_wait3A_194 : memref<1x128xf32, #tpu.memory_space<vmem>> -> memref<128xf32, #tpu.memory_space<vmem>>
      %dma_wait3A_196 = arith.constant 0 : i32
      %dma_wait3A_197 = tpu.memref_slice %arg4[%dma_wait3A_196] : memref<1000000xf32, #tpu.memory_space<hbm>> -> memref<128xf32, #tpu.memory_space<hbm>>
      %dma_wait3A_198 = arith.constant 0 : i32
      %dma_wait3A_199 = tpu.memref_slice %arg9[%dma_wait3A_192, %dma_wait3A_198] : memref<4x128xf32, #tpu.memory_space<vmem>> -> memref<1x128xf32, #tpu.memory_space<vmem>>
      %dma_wait3A_200 = tpu.memref_squeeze %dma_wait3A_199 : memref<1x128xf32, #tpu.memory_space<vmem>> -> memref<128xf32, #tpu.memory_space<vmem>>
      %dma_wait3A_201 = arith.constant 0 : i32
      %dma_wait3A_202 = tpu.memref_slice %arg4[%dma_wait3A_201] : memref<1000000xf32, #tpu.memory_space<hbm>> -> memref<128xf32, #tpu.memory_space<hbm>>
      tpu.wait_dma2 semaphore(%arg12 : memref<!tpu.dma_semaphore, #tpu.memory_space<semaphore_mem>>) src(%dma_wait3A_202 : memref<128xf32, #tpu.memory_space<hbm>>) dst(%dma_wait3A_200 : memref<128xf32, #tpu.memory_space<vmem>>)
      %dma_wait3A_203 = arith.constant 0 : i32
      %dma_wait3A_204 = arith.constant 0 : i32
      %dma_wait3A_205 = tpu.memref_slice %arg10[%dma_wait3A_203, %dma_wait3A_204] : memref<4x128xf32, #tpu.memory_space<vmem>> -> memref<1x128xf32, #tpu.memory_space<vmem>>
      %dma_wait3A_206 = tpu.memref_squeeze %dma_wait3A_205 : memref<1x128xf32, #tpu.memory_space<vmem>> -> memref<128xf32, #tpu.memory_space<vmem>>
      %dma_wait3A_207 = arith.constant 0 : i32
      %dma_wait3A_208 = tpu.memref_slice %arg5[%dma_wait3A_207] : memref<1000000xf32, #tpu.memory_space<hbm>> -> memref<128xf32, #tpu.memory_space<hbm>>
      %dma_wait3A_209 = arith.constant 0 : i32
      %dma_wait3A_210 = tpu.memref_slice %arg10[%dma_wait3A_203, %dma_wait3A_209] : memref<4x128xf32, #tpu.memory_space<vmem>> -> memref<1x128xf32, #tpu.memory_space<vmem>>
      %dma_wait3A_211 = tpu.memref_squeeze %dma_wait3A_210 : memref<1x128xf32, #tpu.memory_space<vmem>> -> memref<128xf32, #tpu.memory_space<vmem>>
      %dma_wait3A_212 = arith.constant 0 : i32
      %dma_wait3A_213 = tpu.memref_slice %arg5[%dma_wait3A_212] : memref<1000000xf32, #tpu.memory_space<hbm>> -> memref<128xf32, #tpu.memory_space<hbm>>
      tpu.wait_dma2 semaphore(%arg12 : memref<!tpu.dma_semaphore, #tpu.memory_space<semaphore_mem>>) src(%dma_wait3A_213 : memref<128xf32, #tpu.memory_space<hbm>>) dst(%dma_wait3A_211 : memref<128xf32, #tpu.memory_space<vmem>>)
      %get3A = arith.constant 0 : i32
      %get3A_214 = arith.index_cast %get3A : i32 to index
      %get3A_215 = arith.constant 0 : index
      %get3A_216 = tpu.vector_load %arg9[%get3A_214, %get3A_215] {strides = array<i32>} : memref<4x128xf32, #tpu.memory_space<vmem>>, vector<1x16xf32>,
      %get3A_217 = vector.shape_cast %get3A_216 : vector<1x16xf32> to vector<16xf32>
      %add3A_218 = arith.addf %scan3A_158, %get3A_217 : vector<16xf32>
      %get3A_219 = arith.constant 0 : i32
      %get3A_220 = arith.index_cast %get3A_219 : i32 to index
      %get3A_221 = arith.constant 0 : index
      %get3A_222 = tpu.vector_load %arg10[%get3A_220, %get3A_221] {strides = array<i32>} : memref<4x128xf32, #tpu.memory_space<vmem>>, vector<1x16xf32>,
      %get3A_223 = vector.shape_cast %get3A_222 : vector<1x16xf32> to vector<16xf32>
      %add3A_224 = arith.addf %add3A_218, %get3A_223 : vector<16xf32>
      %get3A_225 = arith.constant 0 : i32
      %get3A_226 = arith.index_cast %get3A_225 : i32 to index
      %get3A_227 = arith.constant 16 : index
      %get3A_228 = tpu.vector_load %arg9[%get3A_226, %get3A_227] {strides = array<i32>} : memref<4x128xf32, #tpu.memory_space<vmem>>, vector<1x16xf32>,
      %get3A_229 = vector.shape_cast %get3A_228 : vector<1x16xf32> to vector<16xf32>
      %add3A_230 = arith.addf %scan3A_159, %get3A_229 : vector<16xf32>
      %get3A_231 = arith.constant 0 : i32
      %get3A_232 = arith.index_cast %get3A_231 : i32 to index
      %get3A_233 = arith.constant 16 : index
      %get3A_234 = tpu.vector_load %arg10[%get3A_232, %get3A_233] {strides = array<i32>} : memref<4x128xf32, #tpu.memory_space<vmem>>, vector<1x16xf32>,
      %get3A_235 = vector.shape_cast %get3A_234 : vector<1x16xf32> to vector<16xf32>
      %add3A_236 = arith.addf %add3A_230, %get3A_235 : vector<16xf32>
      %get3A_237 = arith.constant 0 : i32
      %get3A_238 = arith.index_cast %get3A_237 : i32 to index
      %get3A_239 = arith.constant 32 : index
      %get3A_240 = tpu.vector_load %arg9[%get3A_238, %get3A_239] {strides = array<i32>} : memref<4x128xf32, #tpu.memory_space<vmem>>, vector<1x16xf32>,
      %get3A_241 = vector.shape_cast %get3A_240 : vector<1x16xf32> to vector<16xf32>
      %add3A_242 = arith.addf %scan3A_160, %get3A_241 : vector<16xf32>
      %get3A_243 = arith.constant 0 : i32
      %get3A_244 = arith.index_cast %get3A_243 : i32 to index
      %get3A_245 = arith.constant 32 : index
      %get3A_246 = tpu.vector_load %arg10[%get3A_244, %get3A_245] {strides = array<i32>} : memref<4x128xf32, #tpu.memory_space<vmem>>, vector<1x16xf32>,
      %get3A_247 = vector.shape_cast %get3A_246 : vector<1x16xf32> to vector<16xf32>
      %add3A_248 = arith.addf %add3A_242, %get3A_247 : vector<16xf32>
      %get3A_249 = arith.constant 0 : i32
      %get3A_250 = arith.index_cast %get3A_249 : i32 to index
      %get3A_251 = arith.constant 48 : index
      %get3A_252 = tpu.vector_load %arg9[%get3A_250, %get3A_251] {strides = array<i32>} : memref<4x128xf32, #tpu.memory_space<vmem>>, vector<1x16xf32>,
      %get3A_253 = vector.shape_cast %get3A_252 : vector<1x16xf32> to vector<16xf32>
      %add3A_254 = arith.addf %scan3A_161, %get3A_253 : vector<16xf32>
      %get3A_255 = arith.constant 0 : i32
      %get3A_256 = arith.index_cast %get3A_255 : i32 to index
      %get3A_257 = arith.constant 48 : index
      %get3A_258 = tpu.vector_load %arg10[%get3A_256, %get3A_257] {strides = array<i32>} : memref<4x128xf32, #tpu.memory_space<vmem>>, vector<1x16xf32>,
      %get3A_259 = vector.shape_cast %get3A_258 : vector<1x16xf32> to vector<16xf32>
      %add3A_260 = arith.addf %add3A_254, %get3A_259 : vector<16xf32>
      %get3A_261 = arith.constant 0 : i32
      %get3A_262 = arith.index_cast %get3A_261 : i32 to index
      %get3A_263 = arith.constant 64 : index
      %get3A_264 = tpu.vector_load %arg9[%get3A_262, %get3A_263] {strides = array<i32>} : memref<4x128xf32, #tpu.memory_space<vmem>>, vector<1x16xf32>,
      %get3A_265 = vector.shape_cast %get3A_264 : vector<1x16xf32> to vector<16xf32>
      %add3A_266 = arith.addf %scan3A_162, %get3A_265 : vector<16xf32>
      %get3A_267 = arith.constant 0 : i32
      %get3A_268 = arith.index_cast %get3A_267 : i32 to index
      %get3A_269 = arith.constant 64 : index
      %get3A_270 = tpu.vector_load %arg10[%get3A_268, %get3A_269] {strides = array<i32>} : memref<4x128xf32, #tpu.memory_space<vmem>>, vector<1x16xf32>,
      %get3A_271 = vector.shape_cast %get3A_270 : vector<1x16xf32> to vector<16xf32>
      %add3A_272 = arith.addf %add3A_266, %get3A_271 : vector<16xf32>
      %get3A_273 = arith.constant 0 : i32
      %get3A_274 = arith.index_cast %get3A_273 : i32 to index
      %get3A_275 = arith.constant 80 : index
      %get3A_276 = tpu.vector_load %arg9[%get3A_274, %get3A_275] {strides = array<i32>} : memref<4x128xf32, #tpu.memory_space<vmem>>, vector<1x16xf32>,
      %get3A_277 = vector.shape_cast %get3A_276 : vector<1x16xf32> to vector<16xf32>
      %add3A_278 = arith.addf %scan3A_163, %get3A_277 : vector<16xf32>
      %get3A_279 = arith.constant 0 : i32
      %get3A_280 = arith.index_cast %get3A_279 : i32 to index
      %get3A_281 = arith.constant 80 : index
      %get3A_282 = tpu.vector_load %arg10[%get3A_280, %get3A_281] {strides = array<i32>} : memref<4x128xf32, #tpu.memory_space<vmem>>, vector<1x16xf32>,
      %get3A_283 = vector.shape_cast %get3A_282 : vector<1x16xf32> to vector<16xf32>
      %add3A_284 = arith.addf %add3A_278, %get3A_283 : vector<16xf32>
      %get3A_285 = arith.constant 0 : i32
      %get3A_286 = arith.index_cast %get3A_285 : i32 to index
      %get3A_287 = arith.constant 96 : index
      %get3A_288 = tpu.vector_load %arg9[%get3A_286, %get3A_287] {strides = array<i32>} : memref<4x128xf32, #tpu.memory_space<vmem>>, vector<1x16xf32>,
      %get3A_289 = vector.shape_cast %get3A_288 : vector<1x16xf32> to vector<16xf32>
      %add3A_290 = arith.addf %scan3A_164, %get3A_289 : vector<16xf32>
      %get3A_291 = arith.constant 0 : i32
      %get3A_292 = arith.index_cast %get3A_291 : i32 to index
      %get3A_293 = arith.constant 96 : index
      %get3A_294 = tpu.vector_load %arg10[%get3A_292, %get3A_293] {strides = array<i32>} : memref<4x128xf32, #tpu.memory_space<vmem>>, vector<1x16xf32>,
      %get3A_295 = vector.shape_cast %get3A_294 : vector<1x16xf32> to vector<16xf32>
      %add3A_296 = arith.addf %add3A_290, %get3A_295 : vector<16xf32>
      %get3A_297 = arith.constant 0 : i32
      %get3A_298 = arith.index_cast %get3A_297 : i32 to index
      %get3A_299 = arith.constant 112 : index
      %get3A_300 = tpu.vector_load %arg9[%get3A_298, %get3A_299] {strides = array<i32>} : memref<4x128xf32, #tpu.memory_space<vmem>>, vector<1x16xf32>,
      %get3A_301 = vector.shape_cast %get3A_300 : vector<1x16xf32> to vector<16xf32>
      %add3A_302 = arith.addf %scan3A_165, %get3A_301 : vector<16xf32>
      %get3A_303 = arith.constant 0 : i32
      %get3A_304 = arith.index_cast %get3A_303 : i32 to index
      %get3A_305 = arith.constant 112 : index
      %get3A_306 = tpu.vector_load %arg10[%get3A_304, %get3A_305] {strides = array<i32>} : memref<4x128xf32, #tpu.memory_space<vmem>>, vector<1x16xf32>,
      %get3A_307 = vector.shape_cast %get3A_306 : vector<1x16xf32> to vector<16xf32>
      %add3A_308 = arith.addf %add3A_302, %get3A_307 : vector<16xf32>
      %mul3A_309 = arith.constant 4 : i32
      %mul3A_310 = arith.muli %scan3A_157, %mul3A_309 : i32
      %add3A_311 = arith.constant 1 : i32
      %add3A_312 = arith.addi %mul3A_310, %add3A_311 : i32
      %add3A_313 = arith.constant 4 : i32
      %add3A_314 = arith.addi %add3A_312, %add3A_313 : i32
      %sub3A_315 = arith.constant 1 : i32
      %sub3A_316 = arith.subi %add3A_314, %sub3A_315 : i32
      %min3A_317 = arith.constant 199 : i32
      %min3A_318 = arith.minsi %sub3A_316, %min3A_317 : i32
      %dma_start3A_319 = arith.constant 0 : i32
      %dma_start3A_320 = arith.constant 0 : i32
      %dma_start3A_321 = tpu.memref_slice %arg9[%dma_start3A_319, %dma_start3A_320] : memref<4x128xf32, #tpu.memory_space<vmem>> -> memref<1x128xf32, #tpu.memory_space<vmem>>
      %dma_start3A_322 = tpu.memref_squeeze %dma_start3A_321 : memref<1x128xf32, #tpu.memory_space<vmem>> -> memref<128xf32, #tpu.memory_space<vmem>>
      %dma_start3A_323 = arith.constant 0 : i32
      %dma_start3A_324 = tpu.memref_slice %arg7[%min3A_318, %dma_start3A_323] : memref<200x128xi32, #tpu.memory_space<vmem>> -> memref<1x128xi32, #tpu.memory_space<vmem>>
      %dma_start3A_325 = tpu.memref_squeeze %dma_start3A_324 : memref<1x128xi32, #tpu.memory_space<vmem>> -> memref<128xi32, #tpu.memory_space<vmem>>
      %dma_start3A_326 = arith.constant 0 : i32
      %dma_start3A_327 = tpu.memref_slice %arg4[%dma_start3A_326] : memref<1000000xf32, #tpu.memory_space<hbm>> -> memref<1000000xf32, #tpu.memory_space<hbm>>
      tpu.enqueue_indirect_dma source(%dma_start3A_327 : memref<1000000xf32, #tpu.memory_space<hbm>>) target(%dma_start3A_322 : memref<128xf32, #tpu.memory_space<vmem>>) offsets(%dma_start3A_325 : memref<128xi32, #tpu.memory_space<vmem>>) semaphore(%arg12 : memref<!tpu.dma_semaphore, #tpu.memory_space<semaphore_mem>>)
      %dma_start3A_328 = arith.constant 0 : i32
      %dma_start3A_329 = arith.constant 0 : i32
      %dma_start3A_330 = tpu.memref_slice %arg10[%dma_start3A_328, %dma_start3A_329] : memref<4x128xf32, #tpu.memory_space<vmem>> -> memref<1x128xf32, #tpu.memory_space<vmem>>
      %dma_start3A_331 = tpu.memref_squeeze %dma_start3A_330 : memref<1x128xf32, #tpu.memory_space<vmem>> -> memref<128xf32, #tpu.memory_space<vmem>>
      %dma_start3A_332 = arith.constant 0 : i32
      %dma_start3A_333 = tpu.memref_slice %arg8[%min3A_318, %dma_start3A_332] : memref<200x128xi32, #tpu.memory_space<vmem>> -> memref<1x128xi32, #tpu.memory_space<vmem>>
      %dma_start3A_334 = tpu.memref_squeeze %dma_start3A_333 : memref<1x128xi32, #tpu.memory_space<vmem>> -> memref<128xi32, #tpu.memory_space<vmem>>
      %dma_start3A_335 = arith.constant 0 : i32
      %dma_start3A_336 = tpu.memref_slice %arg5[%dma_start3A_335] : memref<1000000xf32, #tpu.memory_space<hbm>> -> memref<1000000xf32, #tpu.memory_space<hbm>>
      tpu.enqueue_indirect_dma source(%dma_start3A_336 : memref<1000000xf32, #tpu.memory_space<hbm>>) target(%dma_start3A_331 : memref<128xf32, #tpu.memory_space<vmem>>) offsets(%dma_start3A_334 : memref<128xi32, #tpu.memory_space<vmem>>) semaphore(%arg12 : memref<!tpu.dma_semaphore, #tpu.memory_space<semaphore_mem>>)
      %dma_wait3A_337 = arith.constant 1 : i32
      %dma_wait3A_338 = arith.constant 0 : i32
      %dma_wait3A_339 = tpu.memref_slice %arg9[%dma_wait3A_337, %dma_wait3A_338] : memref<4x128xf32, #tpu.memory_space<vmem>> -> memref<1x128xf32, #tpu.memory_space<vmem>>
      %dma_wait3A_340 = tpu.memref_squeeze %dma_wait3A_339 : memref<1x128xf32, #tpu.memory_space<vmem>> -> memref<128xf32, #tpu.memory_space<vmem>>
      %dma_wait3A_341 = arith.constant 0 : i32
      %dma_wait3A_342 = tpu.memref_slice %arg4[%dma_wait3A_341] : memref<1000000xf32, #tpu.memory_space<hbm>> -> memref<128xf32, #tpu.memory_space<hbm>>
      %dma_wait3A_343 = arith.constant 0 : i32
      %dma_wait3A_344 = tpu.memref_slice %arg9[%dma_wait3A_337, %dma_wait3A_343] : memref<4x128xf32, #tpu.memory_space<vmem>> -> memref<1x128xf32, #tpu.memory_space<vmem>>
      %dma_wait3A_345 = tpu.memref_squeeze %dma_wait3A_344 : memref<1x128xf32, #tpu.memory_space<vmem>> -> memref<128xf32, #tpu.memory_space<vmem>>
      %dma_wait3A_346 = arith.constant 0 : i32
      %dma_wait3A_347 = tpu.memref_slice %arg4[%dma_wait3A_346] : memref<1000000xf32, #tpu.memory_space<hbm>> -> memref<128xf32, #tpu.memory_space<hbm>>
      tpu.wait_dma2 semaphore(%arg13 : memref<!tpu.dma_semaphore, #tpu.memory_space<semaphore_mem>>) src(%dma_wait3A_347 : memref<128xf32, #tpu.memory_space<hbm>>) dst(%dma_wait3A_345 : memref<128xf32, #tpu.memory_space<vmem>>)
      %dma_wait3A_348 = arith.constant 1 : i32
      %dma_wait3A_349 = arith.constant 0 : i32
      %dma_wait3A_350 = tpu.memref_slice %arg10[%dma_wait3A_348, %dma_wait3A_349] : memref<4x128xf32, #tpu.memory_space<vmem>> -> memref<1x128xf32, #tpu.memory_space<vmem>>
      %dma_wait3A_351 = tpu.memref_squeeze %dma_wait3A_350 : memref<1x128xf32, #tpu.memory_space<vmem>> -> memref<128xf32, #tpu.memory_space<vmem>>
      %dma_wait3A_352 = arith.constant 0 : i32
      %dma_wait3A_353 = tpu.memref_slice %arg5[%dma_wait3A_352] : memref<1000000xf32, #tpu.memory_space<hbm>> -> memref<128xf32, #tpu.memory_space<hbm>>
      %dma_wait3A_354 = arith.constant 0 : i32
      %dma_wait3A_355 = tpu.memref_slice %arg10[%dma_wait3A_348, %dma_wait3A_354] : memref<4x128xf32, #tpu.memory_space<vmem>> -> memref<1x128xf32, #tpu.memory_space<vmem>>
      %dma_wait3A_356 = tpu.memref_squeeze %dma_wait3A_355 : memref<1x128xf32, #tpu.memory_space<vmem>> -> memref<128xf32, #tpu.memory_space<vmem>>
      %dma_wait3A_357 = arith.constant 0 : i32
      %dma_wait3A_358 = tpu.memref_slice %arg5[%dma_wait3A_357] : memref<1000000xf32, #tpu.memory_space<hbm>> -> memref<128xf32, #tpu.memory_space<hbm>>
      tpu.wait_dma2 semaphore(%arg13 : memref<!tpu.dma_semaphore, #tpu.memory_space<semaphore_mem>>) src(%dma_wait3A_358 : memref<128xf32, #tpu.memory_space<hbm>>) dst(%dma_wait3A_356 : memref<128xf32, #tpu.memory_space<vmem>>)
      %get3A_359 = arith.constant 1 : i32
      %get3A_360 = arith.index_cast %get3A_359 : i32 to index
      %get3A_361 = arith.constant 0 : index
      %get3A_362 = tpu.vector_load %arg9[%get3A_360, %get3A_361] {strides = array<i32>} : memref<4x128xf32, #tpu.memory_space<vmem>>, vector<1x16xf32>,
      %get3A_363 = vector.shape_cast %get3A_362 : vector<1x16xf32> to vector<16xf32>
      %add3A_364 = arith.addf %add3A_224, %get3A_363 : vector<16xf32>
      %get3A_365 = arith.constant 1 : i32
      %get3A_366 = arith.index_cast %get3A_365 : i32 to index
      %get3A_367 = arith.constant 0 : index
      %get3A_368 = tpu.vector_load %arg10[%get3A_366, %get3A_367] {strides = array<i32>} : memref<4x128xf32, #tpu.memory_space<vmem>>, vector<1x16xf32>,
      %get3A_369 = vector.shape_cast %get3A_368 : vector<1x16xf32> to vector<16xf32>
      %add3A_370 = arith.addf %add3A_364, %get3A_369 : vector<16xf32>
      %get3A_371 = arith.constant 1 : i32
      %get3A_372 = arith.index_cast %get3A_371 : i32 to index
      %get3A_373 = arith.constant 16 : index
      %get3A_374 = tpu.vector_load %arg9[%get3A_372, %get3A_373] {strides = array<i32>} : memref<4x128xf32, #tpu.memory_space<vmem>>, vector<1x16xf32>,
      %get3A_375 = vector.shape_cast %get3A_374 : vector<1x16xf32> to vector<16xf32>
      %add3A_376 = arith.addf %add3A_236, %get3A_375 : vector<16xf32>
      %get3A_377 = arith.constant 1 : i32
      %get3A_378 = arith.index_cast %get3A_377 : i32 to index
      %get3A_379 = arith.constant 16 : index
      %get3A_380 = tpu.vector_load %arg10[%get3A_378, %get3A_379] {strides = array<i32>} : memref<4x128xf32, #tpu.memory_space<vmem>>, vector<1x16xf32>,
      %get3A_381 = vector.shape_cast %get3A_380 : vector<1x16xf32> to vector<16xf32>
      %add3A_382 = arith.addf %add3A_376, %get3A_381 : vector<16xf32>
      %get3A_383 = arith.constant 1 : i32
      %get3A_384 = arith.index_cast %get3A_383 : i32 to index
      %get3A_385 = arith.constant 32 : index
      %get3A_386 = tpu.vector_load %arg9[%get3A_384, %get3A_385] {strides = array<i32>} : memref<4x128xf32, #tpu.memory_space<vmem>>, vector<1x16xf32>,
      %get3A_387 = vector.shape_cast %get3A_386 : vector<1x16xf32> to vector<16xf32>
      %add3A_388 = arith.addf %add3A_248, %get3A_387 : vector<16xf32>
      %get3A_389 = arith.constant 1 : i32
      %get3A_390 = arith.index_cast %get3A_389 : i32 to index
      %get3A_391 = arith.constant 32 : index
      %get3A_392 = tpu.vector_load %arg10[%get3A_390, %get3A_391] {strides = array<i32>} : memref<4x128xf32, #tpu.memory_space<vmem>>, vector<1x16xf32>,
      %get3A_393 = vector.shape_cast %get3A_392 : vector<1x16xf32> to vector<16xf32>
      %add3A_394 = arith.addf %add3A_388, %get3A_393 : vector<16xf32>
      %get3A_395 = arith.constant 1 : i32
      %get3A_396 = arith.index_cast %get3A_395 : i32 to index
      %get3A_397 = arith.constant 48 : index
      %get3A_398 = tpu.vector_load %arg9[%get3A_396, %get3A_397] {strides = array<i32>} : memref<4x128xf32, #tpu.memory_space<vmem>>, vector<1x16xf32>,
      %get3A_399 = vector.shape_cast %get3A_398 : vector<1x16xf32> to vector<16xf32>
      %add3A_400 = arith.addf %add3A_260, %get3A_399 : vector<16xf32>
      %get3A_401 = arith.constant 1 : i32
      %get3A_402 = arith.index_cast %get3A_401 : i32 to index
      %get3A_403 = arith.constant 48 : index
      %get3A_404 = tpu.vector_load %arg10[%get3A_402, %get3A_403] {strides = array<i32>} : memref<4x128xf32, #tpu.memory_space<vmem>>, vector<1x16xf32>,
      %get3A_405 = vector.shape_cast %get3A_404 : vector<1x16xf32> to vector<16xf32>
      %add3A_406 = arith.addf %add3A_400, %get3A_405 : vector<16xf32>
      %get3A_407 = arith.constant 1 : i32
      %get3A_408 = arith.index_cast %get3A_407 : i32 to index
      %get3A_409 = arith.constant 64 : index
      %get3A_410 = tpu.vector_load %arg9[%get3A_408, %get3A_409] {strides = array<i32>} : memref<4x128xf32, #tpu.memory_space<vmem>>, vector<1x16xf32>,
      %get3A_411 = vector.shape_cast %get3A_410 : vector<1x16xf32> to vector<16xf32>
      %add3A_412 = arith.addf %add3A_272, %get3A_411 : vector<16xf32>
      %get3A_413 = arith.constant 1 : i32
      %get3A_414 = arith.index_cast %get3A_413 : i32 to index
      %get3A_415 = arith.constant 64 : index
      %get3A_416 = tpu.vector_load %arg10[%get3A_414, %get3A_415] {strides = array<i32>} : memref<4x128xf32, #tpu.memory_space<vmem>>, vector<1x16xf32>,
      %get3A_417 = vector.shape_cast %get3A_416 : vector<1x16xf32> to vector<16xf32>
      %add3A_418 = arith.addf %add3A_412, %get3A_417 : vector<16xf32>
      %get3A_419 = arith.constant 1 : i32
      %get3A_420 = arith.index_cast %get3A_419 : i32 to index
      %get3A_421 = arith.constant 80 : index
      %get3A_422 = tpu.vector_load %arg9[%get3A_420, %get3A_421] {strides = array<i32>} : memref<4x128xf32, #tpu.memory_space<vmem>>, vector<1x16xf32>,
      %get3A_423 = vector.shape_cast %get3A_422 : vector<1x16xf32> to vector<16xf32>
      %add3A_424 = arith.addf %add3A_284, %get3A_423 : vector<16xf32>
      %get3A_425 = arith.constant 1 : i32
      %get3A_426 = arith.index_cast %get3A_425 : i32 to index
      %get3A_427 = arith.constant 80 : index
      %get3A_428 = tpu.vector_load %arg10[%get3A_426, %get3A_427] {strides = array<i32>} : memref<4x128xf32, #tpu.memory_space<vmem>>, vector<1x16xf32>,
      %get3A_429 = vector.shape_cast %get3A_428 : vector<1x16xf32> to vector<16xf32>
      %add3A_430 = arith.addf %add3A_424, %get3A_429 : vector<16xf32>
      %get3A_431 = arith.constant 1 : i32
      %get3A_432 = arith.index_cast %get3A_431 : i32 to index
      %get3A_433 = arith.constant 96 : index
      %get3A_434 = tpu.vector_load %arg9[%get3A_432, %get3A_433] {strides = array<i32>} : memref<4x128xf32, #tpu.memory_space<vmem>>, vector<1x16xf32>,
      %get3A_435 = vector.shape_cast %get3A_434 : vector<1x16xf32> to vector<16xf32>
      %add3A_436 = arith.addf %add3A_296, %get3A_435 : vector<16xf32>
      %get3A_437 = arith.constant 1 : i32
      %get3A_438 = arith.index_cast %get3A_437 : i32 to index
      %get3A_439 = arith.constant 96 : index
      %get3A_440 = tpu.vector_load %arg10[%get3A_438, %get3A_439] {strides = array<i32>} : memref<4x128xf32, #tpu.memory_space<vmem>>, vector<1x16xf32>,
      %get3A_441 = vector.shape_cast %get3A_440 : vector<1x16xf32> to vector<16xf32>
      %add3A_442 = arith.addf %add3A_436, %get3A_441 : vector<16xf32>
      %get3A_443 = arith.constant 1 : i32
      %get3A_444 = arith.index_cast %get3A_443 : i32 to index
      %get3A_445 = arith.constant 112 : index
      %get3A_446 = tpu.vector_load %arg9[%get3A_444, %get3A_445] {strides = array<i32>} : memref<4x128xf32, #tpu.memory_space<vmem>>, vector<1x16xf32>,
      %get3A_447 = vector.shape_cast %get3A_446 : vector<1x16xf32> to vector<16xf32>
      %add3A_448 = arith.addf %add3A_308, %get3A_447 : vector<16xf32>
      %get3A_449 = arith.constant 1 : i32
      %get3A_450 = arith.index_cast %get3A_449 : i32 to index
      %get3A_451 = arith.constant 112 : index
      %get3A_452 = tpu.vector_load %arg10[%get3A_450, %get3A_451] {strides = array<i32>} : memref<4x128xf32, #tpu.memory_space<vmem>>, vector<1x16xf32>,
      %get3A_453 = vector.shape_cast %get3A_452 : vector<1x16xf32> to vector<16xf32>
      %add3A_454 = arith.addf %add3A_448, %get3A_453 : vector<16xf32>
      %mul3A_455 = arith.constant 4 : i32
      %mul3A_456 = arith.muli %scan3A_157, %mul3A_455 : i32
      %add3A_457 = arith.constant 2 : i32
      %add3A_458 = arith.addi %mul3A_456, %add3A_457 : i32
      %add3A_459 = arith.constant 4 : i32
      %add3A_460 = arith.addi %add3A_458, %add3A_459 : i32
      %sub3A_461 = arith.constant 1 : i32
      %sub3A_462 = arith.subi %add3A_460, %sub3A_461 : i32
      %min3A_463 = arith.constant 199 : i32
      %min3A_464 = arith.minsi %sub3A_462, %min3A_463 : i32
      %dma_start3A_465 = arith.constant 1 : i32
      %dma_start3A_466 = arith.constant 0 : i32
      %dma_start3A_467 = tpu.memref_slice %arg9[%dma_start3A_465, %dma_start3A_466] : memref<4x128xf32, #tpu.memory_space<vmem>> -> memref<1x128xf32, #tpu.memory_space<vmem>>
      %dma_start3A_468 = tpu.memref_squeeze %dma_start3A_467 : memref<1x128xf32, #tpu.memory_space<vmem>> -> memref<128xf32, #tpu.memory_space<vmem>>
      %dma_start3A_469 = arith.constant 0 : i32
      %dma_start3A_470 = tpu.memref_slice %arg7[%min3A_464, %dma_start3A_469] : memref<200x128xi32, #tpu.memory_space<vmem>> -> memref<1x128xi32, #tpu.memory_space<vmem>>
      %dma_start3A_471 = tpu.memref_squeeze %dma_start3A_470 : memref<1x128xi32, #tpu.memory_space<vmem>> -> memref<128xi32, #tpu.memory_space<vmem>>
      %dma_start3A_472 = arith.constant 0 : i32
      %dma_start3A_473 = tpu.memref_slice %arg4[%dma_start3A_472] : memref<1000000xf32, #tpu.memory_space<hbm>> -> memref<1000000xf32, #tpu.memory_space<hbm>>
      tpu.enqueue_indirect_dma source(%dma_start3A_473 : memref<1000000xf32, #tpu.memory_space<hbm>>) target(%dma_start3A_468 : memref<128xf32, #tpu.memory_space<vmem>>) offsets(%dma_start3A_471 : memref<128xi32, #tpu.memory_space<vmem>>) semaphore(%arg13 : memref<!tpu.dma_semaphore, #tpu.memory_space<semaphore_mem>>)
      %dma_start3A_474 = arith.constant 1 : i32
      %dma_start3A_475 = arith.constant 0 : i32
      %dma_start3A_476 = tpu.memref_slice %arg10[%dma_start3A_474, %dma_start3A_475] : memref<4x128xf32, #tpu.memory_space<vmem>> -> memref<1x128xf32, #tpu.memory_space<vmem>>
      %dma_start3A_477 = tpu.memref_squeeze %dma_start3A_476 : memref<1x128xf32, #tpu.memory_space<vmem>> -> memref<128xf32, #tpu.memory_space<vmem>>
      %dma_start3A_478 = arith.constant 0 : i32
      %dma_start3A_479 = tpu.memref_slice %arg8[%min3A_464, %dma_start3A_478] : memref<200x128xi32, #tpu.memory_space<vmem>> -> memref<1x128xi32, #tpu.memory_space<vmem>>
      %dma_start3A_480 = tpu.memref_squeeze %dma_start3A_479 : memref<1x128xi32, #tpu.memory_space<vmem>> -> memref<128xi32, #tpu.memory_space<vmem>>
      %dma_start3A_481 = arith.constant 0 : i32
      %dma_start3A_482 = tpu.memref_slice %arg5[%dma_start3A_481] : memref<1000000xf32, #tpu.memory_space<hbm>> -> memref<1000000xf32, #tpu.memory_space<hbm>>
      tpu.enqueue_indirect_dma source(%dma_start3A_482 : memref<1000000xf32, #tpu.memory_space<hbm>>) target(%dma_start3A_477 : memref<128xf32, #tpu.memory_space<vmem>>) offsets(%dma_start3A_480 : memref<128xi32, #tpu.memory_space<vmem>>) semaphore(%arg13 : memref<!tpu.dma_semaphore, #tpu.memory_space<semaphore_mem>>)
      %dma_wait3A_483 = arith.constant 2 : i32
      %dma_wait3A_484 = arith.constant 0 : i32
      %dma_wait3A_485 = tpu.memref_slice %arg9[%dma_wait3A_483, %dma_wait3A_484] : memref<4x128xf32, #tpu.memory_space<vmem>> -> memref<1x128xf32, #tpu.memory_space<vmem>>
      %dma_wait3A_486 = tpu.memref_squeeze %dma_wait3A_485 : memref<1x128xf32, #tpu.memory_space<vmem>> -> memref<128xf32, #tpu.memory_space<vmem>>
      %dma_wait3A_487 = arith.constant 0 : i32
      %dma_wait3A_488 = tpu.memref_slice %arg4[%dma_wait3A_487] : memref<1000000xf32, #tpu.memory_space<hbm>> -> memref<128xf32, #tpu.memory_space<hbm>>
      %dma_wait3A_489 = arith.constant 0 : i32
      %dma_wait3A_490 = tpu.memref_slice %arg9[%dma_wait3A_483, %dma_wait3A_489] : memref<4x128xf32, #tpu.memory_space<vmem>> -> memref<1x128xf32, #tpu.memory_space<vmem>>
      %dma_wait3A_491 = tpu.memref_squeeze %dma_wait3A_490 : memref<1x128xf32, #tpu.memory_space<vmem>> -> memref<128xf32, #tpu.memory_space<vmem>>
      %dma_wait3A_492 = arith.constant 0 : i32
      %dma_wait3A_493 = tpu.memref_slice %arg4[%dma_wait3A_492] : memref<1000000xf32, #tpu.memory_space<hbm>> -> memref<128xf32, #tpu.memory_space<hbm>>
      tpu.wait_dma2 semaphore(%arg14 : memref<!tpu.dma_semaphore, #tpu.memory_space<semaphore_mem>>) src(%dma_wait3A_493 : memref<128xf32, #tpu.memory_space<hbm>>) dst(%dma_wait3A_491 : memref<128xf32, #tpu.memory_space<vmem>>)
      %dma_wait3A_494 = arith.constant 2 : i32
      %dma_wait3A_495 = arith.constant 0 : i32
      %dma_wait3A_496 = tpu.memref_slice %arg10[%dma_wait3A_494, %dma_wait3A_495] : memref<4x128xf32, #tpu.memory_space<vmem>> -> memref<1x128xf32, #tpu.memory_space<vmem>>
      %dma_wait3A_497 = tpu.memref_squeeze %dma_wait3A_496 : memref<1x128xf32, #tpu.memory_space<vmem>> -> memref<128xf32, #tpu.memory_space<vmem>>
      %dma_wait3A_498 = arith.constant 0 : i32
      %dma_wait3A_499 = tpu.memref_slice %arg5[%dma_wait3A_498] : memref<1000000xf32, #tpu.memory_space<hbm>> -> memref<128xf32, #tpu.memory_space<hbm>>
      %dma_wait3A_500 = arith.constant 0 : i32
      %dma_wait3A_501 = tpu.memref_slice %arg10[%dma_wait3A_494, %dma_wait3A_500] : memref<4x128xf32, #tpu.memory_space<vmem>> -> memref<1x128xf32, #tpu.memory_space<vmem>>
      %dma_wait3A_502 = tpu.memref_squeeze %dma_wait3A_501 : memref<1x128xf32, #tpu.memory_space<vmem>> -> memref<128xf32, #tpu.memory_space<vmem>>
      %dma_wait3A_503 = arith.constant 0 : i32
      %dma_wait3A_504 = tpu.memref_slice %arg5[%dma_wait3A_503] : memref<1000000xf32, #tpu.memory_space<hbm>> -> memref<128xf32, #tpu.memory_space<hbm>>
      tpu.wait_dma2 semaphore(%arg14 : memref<!tpu.dma_semaphore, #tpu.memory_space<semaphore_mem>>) src(%dma_wait3A_504 : memref<128xf32, #tpu.memory_space<hbm>>) dst(%dma_wait3A_502 : memref<128xf32, #tpu.memory_space<vmem>>)
      %get3A_505 = arith.constant 2 : i32
      %get3A_506 = arith.index_cast %get3A_505 : i32 to index
      %get3A_507 = arith.constant 0 : index
      %get3A_508 = tpu.vector_load %arg9[%get3A_506, %get3A_507] {strides = array<i32>} : memref<4x128xf32, #tpu.memory_space<vmem>>, vector<1x16xf32>,
      %get3A_509 = vector.shape_cast %get3A_508 : vector<1x16xf32> to vector<16xf32>
      %add3A_510 = arith.addf %add3A_370, %get3A_509 : vector<16xf32>
      %get3A_511 = arith.constant 2 : i32
      %get3A_512 = arith.index_cast %get3A_511 : i32 to index
      %get3A_513 = arith.constant 0 : index
      %get3A_514 = tpu.vector_load %arg10[%get3A_512, %get3A_513] {strides = array<i32>} : memref<4x128xf32, #tpu.memory_space<vmem>>, vector<1x16xf32>,
      %get3A_515 = vector.shape_cast %get3A_514 : vector<1x16xf32> to vector<16xf32>
      %add3A_516 = arith.addf %add3A_510, %get3A_515 : vector<16xf32>
      %get3A_517 = arith.constant 2 : i32
      %get3A_518 = arith.index_cast %get3A_517 : i32 to index
      %get3A_519 = arith.constant 16 : index
      %get3A_520 = tpu.vector_load %arg9[%get3A_518, %get3A_519] {strides = array<i32>} : memref<4x128xf32, #tpu.memory_space<vmem>>, vector<1x16xf32>,
      %get3A_521 = vector.shape_cast %get3A_520 : vector<1x16xf32> to vector<16xf32>
      %add3A_522 = arith.addf %add3A_382, %get3A_521 : vector<16xf32>
      %get3A_523 = arith.constant 2 : i32
      %get3A_524 = arith.index_cast %get3A_523 : i32 to index
      %get3A_525 = arith.constant 16 : index
      %get3A_526 = tpu.vector_load %arg10[%get3A_524, %get3A_525] {strides = array<i32>} : memref<4x128xf32, #tpu.memory_space<vmem>>, vector<1x16xf32>,
      %get3A_527 = vector.shape_cast %get3A_526 : vector<1x16xf32> to vector<16xf32>
      %add3A_528 = arith.addf %add3A_522, %get3A_527 : vector<16xf32>
      %get3A_529 = arith.constant 2 : i32
      %get3A_530 = arith.index_cast %get3A_529 : i32 to index
      %get3A_531 = arith.constant 32 : index
      %get3A_532 = tpu.vector_load %arg9[%get3A_530, %get3A_531] {strides = array<i32>} : memref<4x128xf32, #tpu.memory_space<vmem>>, vector<1x16xf32>,
      %get3A_533 = vector.shape_cast %get3A_532 : vector<1x16xf32> to vector<16xf32>
      %add3A_534 = arith.addf %add3A_394, %get3A_533 : vector<16xf32>
      %get3A_535 = arith.constant 2 : i32
      %get3A_536 = arith.index_cast %get3A_535 : i32 to index
      %get3A_537 = arith.constant 32 : index
      %get3A_538 = tpu.vector_load %arg10[%get3A_536, %get3A_537] {strides = array<i32>} : memref<4x128xf32, #tpu.memory_space<vmem>>, vector<1x16xf32>,
      %get3A_539 = vector.shape_cast %get3A_538 : vector<1x16xf32> to vector<16xf32>
      %add3A_540 = arith.addf %add3A_534, %get3A_539 : vector<16xf32>
      %get3A_541 = arith.constant 2 : i32
      %get3A_542 = arith.index_cast %get3A_541 : i32 to index
      %get3A_543 = arith.constant 48 : index
      %get3A_544 = tpu.vector_load %arg9[%get3A_542, %get3A_543] {strides = array<i32>} : memref<4x128xf32, #tpu.memory_space<vmem>>, vector<1x16xf32>,
      %get3A_545 = vector.shape_cast %get3A_544 : vector<1x16xf32> to vector<16xf32>
      %add3A_546 = arith.addf %add3A_406, %get3A_545 : vector<16xf32>
      %get3A_547 = arith.constant 2 : i32
      %get3A_548 = arith.index_cast %get3A_547 : i32 to index
      %get3A_549 = arith.constant 48 : index
      %get3A_550 = tpu.vector_load %arg10[%get3A_548, %get3A_549] {strides = array<i32>} : memref<4x128xf32, #tpu.memory_space<vmem>>, vector<1x16xf32>,
      %get3A_551 = vector.shape_cast %get3A_550 : vector<1x16xf32> to vector<16xf32>
      %add3A_552 = arith.addf %add3A_546, %get3A_551 : vector<16xf32>
      %get3A_553 = arith.constant 2 : i32
      %get3A_554 = arith.index_cast %get3A_553 : i32 to index
      %get3A_555 = arith.constant 64 : index
      %get3A_556 = tpu.vector_load %arg9[%get3A_554, %get3A_555] {strides = array<i32>} : memref<4x128xf32, #tpu.memory_space<vmem>>, vector<1x16xf32>,
      %get3A_557 = vector.shape_cast %get3A_556 : vector<1x16xf32> to vector<16xf32>
      %add3A_558 = arith.addf %add3A_418, %get3A_557 : vector<16xf32>
      %get3A_559 = arith.constant 2 : i32
      %get3A_560 = arith.index_cast %get3A_559 : i32 to index
      %get3A_561 = arith.constant 64 : index
      %get3A_562 = tpu.vector_load %arg10[%get3A_560, %get3A_561] {strides = array<i32>} : memref<4x128xf32, #tpu.memory_space<vmem>>, vector<1x16xf32>,
      %get3A_563 = vector.shape_cast %get3A_562 : vector<1x16xf32> to vector<16xf32>
      %add3A_564 = arith.addf %add3A_558, %get3A_563 : vector<16xf32>
      %get3A_565 = arith.constant 2 : i32
      %get3A_566 = arith.index_cast %get3A_565 : i32 to index
      %get3A_567 = arith.constant 80 : index
      %get3A_568 = tpu.vector_load %arg9[%get3A_566, %get3A_567] {strides = array<i32>} : memref<4x128xf32, #tpu.memory_space<vmem>>, vector<1x16xf32>,
      %get3A_569 = vector.shape_cast %get3A_568 : vector<1x16xf32> to vector<16xf32>
      %add3A_570 = arith.addf %add3A_430, %get3A_569 : vector<16xf32>
      %get3A_571 = arith.constant 2 : i32
      %get3A_572 = arith.index_cast %get3A_571 : i32 to index
      %get3A_573 = arith.constant 80 : index
      %get3A_574 = tpu.vector_load %arg10[%get3A_572, %get3A_573] {strides = array<i32>} : memref<4x128xf32, #tpu.memory_space<vmem>>, vector<1x16xf32>,
      %get3A_575 = vector.shape_cast %get3A_574 : vector<1x16xf32> to vector<16xf32>
      %add3A_576 = arith.addf %add3A_570, %get3A_575 : vector<16xf32>
      %get3A_577 = arith.constant 2 : i32
      %get3A_578 = arith.index_cast %get3A_577 : i32 to index
      %get3A_579 = arith.constant 96 : index
      %get3A_580 = tpu.vector_load %arg9[%get3A_578, %get3A_579] {strides = array<i32>} : memref<4x128xf32, #tpu.memory_space<vmem>>, vector<1x16xf32>,
      %get3A_581 = vector.shape_cast %get3A_580 : vector<1x16xf32> to vector<16xf32>
      %add3A_582 = arith.addf %add3A_442, %get3A_581 : vector<16xf32>
      %get3A_583 = arith.constant 2 : i32
      %get3A_584 = arith.index_cast %get3A_583 : i32 to index
      %get3A_585 = arith.constant 96 : index
      %get3A_586 = tpu.vector_load %arg10[%get3A_584, %get3A_585] {strides = array<i32>} : memref<4x128xf32, #tpu.memory_space<vmem>>, vector<1x16xf32>,
      %get3A_587 = vector.shape_cast %get3A_586 : vector<1x16xf32> to vector<16xf32>
      %add3A_588 = arith.addf %add3A_582, %get3A_587 : vector<16xf32>
      %get3A_589 = arith.constant 2 : i32
      %get3A_590 = arith.index_cast %get3A_589 : i32 to index
      %get3A_591 = arith.constant 112 : index
      %get3A_592 = tpu.vector_load %arg9[%get3A_590, %get3A_591] {strides = array<i32>} : memref<4x128xf32, #tpu.memory_space<vmem>>, vector<1x16xf32>,
      %get3A_593 = vector.shape_cast %get3A_592 : vector<1x16xf32> to vector<16xf32>
      %add3A_594 = arith.addf %add3A_454, %get3A_593 : vector<16xf32>
      %get3A_595 = arith.constant 2 : i32
      %get3A_596 = arith.index_cast %get3A_595 : i32 to index
      %get3A_597 = arith.constant 112 : index
      %get3A_598 = tpu.vector_load %arg10[%get3A_596, %get3A_597] {strides = array<i32>} : memref<4x128xf32, #tpu.memory_space<vmem>>, vector<1x16xf32>,
      %get3A_599 = vector.shape_cast %get3A_598 : vector<1x16xf32> to vector<16xf32>
      %add3A_600 = arith.addf %add3A_594, %get3A_599 : vector<16xf32>
      %mul3A_601 = arith.constant 4 : i32
      %mul3A_602 = arith.muli %scan3A_157, %mul3A_601 : i32
      %add3A_603 = arith.constant 3 : i32
      %add3A_604 = arith.addi %mul3A_602, %add3A_603 : i32
      %add3A_605 = arith.constant 4 : i32
      %add3A_606 = arith.addi %add3A_604, %add3A_605 : i32
      %sub3A_607 = arith.constant 1 : i32
      %sub3A_608 = arith.subi %add3A_606, %sub3A_607 : i32
      %min3A_609 = arith.constant 199 : i32
      %min3A_610 = arith.minsi %sub3A_608, %min3A_609 : i32
      %dma_start3A_611 = arith.constant 2 : i32
      %dma_start3A_612 = arith.constant 0 : i32
      %dma_start3A_613 = tpu.memref_slice %arg9[%dma_start3A_611, %dma_start3A_612] : memref<4x128xf32, #tpu.memory_space<vmem>> -> memref<1x128xf32, #tpu.memory_space<vmem>>
      %dma_start3A_614 = tpu.memref_squeeze %dma_start3A_613 : memref<1x128xf32, #tpu.memory_space<vmem>> -> memref<128xf32, #tpu.memory_space<vmem>>
      %dma_start3A_615 = arith.constant 0 : i32
      %dma_start3A_616 = tpu.memref_slice %arg7[%min3A_610, %dma_start3A_615] : memref<200x128xi32, #tpu.memory_space<vmem>> -> memref<1x128xi32, #tpu.memory_space<vmem>>
      %dma_start3A_617 = tpu.memref_squeeze %dma_start3A_616 : memref<1x128xi32, #tpu.memory_space<vmem>> -> memref<128xi32, #tpu.memory_space<vmem>>
      %dma_start3A_618 = arith.constant 0 : i32
      %dma_start3A_619 = tpu.memref_slice %arg4[%dma_start3A_618] : memref<1000000xf32, #tpu.memory_space<hbm>> -> memref<1000000xf32, #tpu.memory_space<hbm>>
      tpu.enqueue_indirect_dma source(%dma_start3A_619 : memref<1000000xf32, #tpu.memory_space<hbm>>) target(%dma_start3A_614 : memref<128xf32, #tpu.memory_space<vmem>>) offsets(%dma_start3A_617 : memref<128xi32, #tpu.memory_space<vmem>>) semaphore(%arg14 : memref<!tpu.dma_semaphore, #tpu.memory_space<semaphore_mem>>)
      %dma_start3A_620 = arith.constant 2 : i32
      %dma_start3A_621 = arith.constant 0 : i32
      %dma_start3A_622 = tpu.memref_slice %arg10[%dma_start3A_620, %dma_start3A_621] : memref<4x128xf32, #tpu.memory_space<vmem>> -> memref<1x128xf32, #tpu.memory_space<vmem>>
      %dma_start3A_623 = tpu.memref_squeeze %dma_start3A_622 : memref<1x128xf32, #tpu.memory_space<vmem>> -> memref<128xf32, #tpu.memory_space<vmem>>
      %dma_start3A_624 = arith.constant 0 : i32
      %dma_start3A_625 = tpu.memref_slice %arg8[%min3A_610, %dma_start3A_624] : memref<200x128xi32, #tpu.memory_space<vmem>> -> memref<1x128xi32, #tpu.memory_space<vmem>>
      %dma_start3A_626 = tpu.memref_squeeze %dma_start3A_625 : memref<1x128xi32, #tpu.memory_space<vmem>> -> memref<128xi32, #tpu.memory_space<vmem>>
      %dma_start3A_627 = arith.constant 0 : i32
      %dma_start3A_628 = tpu.memref_slice %arg5[%dma_start3A_627] : memref<1000000xf32, #tpu.memory_space<hbm>> -> memref<1000000xf32, #tpu.memory_space<hbm>>
      tpu.enqueue_indirect_dma source(%dma_start3A_628 : memref<1000000xf32, #tpu.memory_space<hbm>>) target(%dma_start3A_623 : memref<128xf32, #tpu.memory_space<vmem>>) offsets(%dma_start3A_626 : memref<128xi32, #tpu.memory_space<vmem>>) semaphore(%arg14 : memref<!tpu.dma_semaphore, #tpu.memory_space<semaphore_mem>>)
      %dma_wait3A_629 = arith.constant 3 : i32
      %dma_wait3A_630 = arith.constant 0 : i32
      %dma_wait3A_631 = tpu.memref_slice %arg9[%dma_wait3A_629, %dma_wait3A_630] : memref<4x128xf32, #tpu.memory_space<vmem>> -> memref<1x128xf32, #tpu.memory_space<vmem>>
      %dma_wait3A_632 = tpu.memref_squeeze %dma_wait3A_631 : memref<1x128xf32, #tpu.memory_space<vmem>> -> memref<128xf32, #tpu.memory_space<vmem>>
      %dma_wait3A_633 = arith.constant 0 : i32
      %dma_wait3A_634 = tpu.memref_slice %arg4[%dma_wait3A_633] : memref<1000000xf32, #tpu.memory_space<hbm>> -> memref<128xf32, #tpu.memory_space<hbm>>
      %dma_wait3A_635 = arith.constant 0 : i32
      %dma_wait3A_636 = tpu.memref_slice %arg9[%dma_wait3A_629, %dma_wait3A_635] : memref<4x128xf32, #tpu.memory_space<vmem>> -> memref<1x128xf32, #tpu.memory_space<vmem>>
      %dma_wait3A_637 = tpu.memref_squeeze %dma_wait3A_636 : memref<1x128xf32, #tpu.memory_space<vmem>> -> memref<128xf32, #tpu.memory_space<vmem>>
      %dma_wait3A_638 = arith.constant 0 : i32
      %dma_wait3A_639 = tpu.memref_slice %arg4[%dma_wait3A_638] : memref<1000000xf32, #tpu.memory_space<hbm>> -> memref<128xf32, #tpu.memory_space<hbm>>
      tpu.wait_dma2 semaphore(%arg15 : memref<!tpu.dma_semaphore, #tpu.memory_space<semaphore_mem>>) src(%dma_wait3A_639 : memref<128xf32, #tpu.memory_space<hbm>>) dst(%dma_wait3A_637 : memref<128xf32, #tpu.memory_space<vmem>>)
      %dma_wait3A_640 = arith.constant 3 : i32
      %dma_wait3A_641 = arith.constant 0 : i32
      %dma_wait3A_642 = tpu.memref_slice %arg10[%dma_wait3A_640, %dma_wait3A_641] : memref<4x128xf32, #tpu.memory_space<vmem>> -> memref<1x128xf32, #tpu.memory_space<vmem>>
      %dma_wait3A_643 = tpu.memref_squeeze %dma_wait3A_642 : memref<1x128xf32, #tpu.memory_space<vmem>> -> memref<128xf32, #tpu.memory_space<vmem>>
      %dma_wait3A_644 = arith.constant 0 : i32
      %dma_wait3A_645 = tpu.memref_slice %arg5[%dma_wait3A_644] : memref<1000000xf32, #tpu.memory_space<hbm>> -> memref<128xf32, #tpu.memory_space<hbm>>
      %dma_wait3A_646 = arith.constant 0 : i32
      %dma_wait3A_647 = tpu.memref_slice %arg10[%dma_wait3A_640, %dma_wait3A_646] : memref<4x128xf32, #tpu.memory_space<vmem>> -> memref<1x128xf32, #tpu.memory_space<vmem>>
      %dma_wait3A_648 = tpu.memref_squeeze %dma_wait3A_647 : memref<1x128xf32, #tpu.memory_space<vmem>> -> memref<128xf32, #tpu.memory_space<vmem>>
      %dma_wait3A_649 = arith.constant 0 : i32
      %dma_wait3A_650 = tpu.memref_slice %arg5[%dma_wait3A_649] : memref<1000000xf32, #tpu.memory_space<hbm>> -> memref<128xf32, #tpu.memory_space<hbm>>
      tpu.wait_dma2 semaphore(%arg15 : memref<!tpu.dma_semaphore, #tpu.memory_space<semaphore_mem>>) src(%dma_wait3A_650 : memref<128xf32, #tpu.memory_space<hbm>>) dst(%dma_wait3A_648 : memref<128xf32, #tpu.memory_space<vmem>>)
      %get3A_651 = arith.constant 3 : i32
      %get3A_652 = arith.index_cast %get3A_651 : i32 to index
      %get3A_653 = arith.constant 0 : index
      %get3A_654 = tpu.vector_load %arg9[%get3A_652, %get3A_653] {strides = array<i32>} : memref<4x128xf32, #tpu.memory_space<vmem>>, vector<1x16xf32>,
      %get3A_655 = vector.shape_cast %get3A_654 : vector<1x16xf32> to vector<16xf32>
      %add3A_656 = arith.addf %add3A_516, %get3A_655 : vector<16xf32>
      %get3A_657 = arith.constant 3 : i32
      %get3A_658 = arith.index_cast %get3A_657 : i32 to index
      %get3A_659 = arith.constant 0 : index
      %get3A_660 = tpu.vector_load %arg10[%get3A_658, %get3A_659] {strides = array<i32>} : memref<4x128xf32, #tpu.memory_space<vmem>>, vector<1x16xf32>,
      %get3A_661 = vector.shape_cast %get3A_660 : vector<1x16xf32> to vector<16xf32>
      %add3A_662 = arith.addf %add3A_656, %get3A_661 : vector<16xf32>
      %get3A_663 = arith.constant 3 : i32
      %get3A_664 = arith.index_cast %get3A_663 : i32 to index
      %get3A_665 = arith.constant 16 : index
      %get3A_666 = tpu.vector_load %arg9[%get3A_664, %get3A_665] {strides = array<i32>} : memref<4x128xf32, #tpu.memory_space<vmem>>, vector<1x16xf32>,
      %get3A_667 = vector.shape_cast %get3A_666 : vector<1x16xf32> to vector<16xf32>
      %add3A_668 = arith.addf %add3A_528, %get3A_667 : vector<16xf32>
      %get3A_669 = arith.constant 3 : i32
      %get3A_670 = arith.index_cast %get3A_669 : i32 to index
      %get3A_671 = arith.constant 16 : index
      %get3A_672 = tpu.vector_load %arg10[%get3A_670, %get3A_671] {strides = array<i32>} : memref<4x128xf32, #tpu.memory_space<vmem>>, vector<1x16xf32>,
      %get3A_673 = vector.shape_cast %get3A_672 : vector<1x16xf32> to vector<16xf32>
      %add3A_674 = arith.addf %add3A_668, %get3A_673 : vector<16xf32>
      %get3A_675 = arith.constant 3 : i32
      %get3A_676 = arith.index_cast %get3A_675 : i32 to index
      %get3A_677 = arith.constant 32 : index
      %get3A_678 = tpu.vector_load %arg9[%get3A_676, %get3A_677] {strides = array<i32>} : memref<4x128xf32, #tpu.memory_space<vmem>>, vector<1x16xf32>,
      %get3A_679 = vector.shape_cast %get3A_678 : vector<1x16xf32> to vector<16xf32>
      %add3A_680 = arith.addf %add3A_540, %get3A_679 : vector<16xf32>
      %get3A_681 = arith.constant 3 : i32
      %get3A_682 = arith.index_cast %get3A_681 : i32 to index
      %get3A_683 = arith.constant 32 : index
      %get3A_684 = tpu.vector_load %arg10[%get3A_682, %get3A_683] {strides = array<i32>} : memref<4x128xf32, #tpu.memory_space<vmem>>, vector<1x16xf32>,
      %get3A_685 = vector.shape_cast %get3A_684 : vector<1x16xf32> to vector<16xf32>
      %add3A_686 = arith.addf %add3A_680, %get3A_685 : vector<16xf32>
      %get3A_687 = arith.constant 3 : i32
      %get3A_688 = arith.index_cast %get3A_687 : i32 to index
      %get3A_689 = arith.constant 48 : index
      %get3A_690 = tpu.vector_load %arg9[%get3A_688, %get3A_689] {strides = array<i32>} : memref<4x128xf32, #tpu.memory_space<vmem>>, vector<1x16xf32>,
      %get3A_691 = vector.shape_cast %get3A_690 : vector<1x16xf32> to vector<16xf32>
      %add3A_692 = arith.addf %add3A_552, %get3A_691 : vector<16xf32>
      %get3A_693 = arith.constant 3 : i32
      %get3A_694 = arith.index_cast %get3A_693 : i32 to index
      %get3A_695 = arith.constant 48 : index
      %get3A_696 = tpu.vector_load %arg10[%get3A_694, %get3A_695] {strides = array<i32>} : memref<4x128xf32, #tpu.memory_space<vmem>>, vector<1x16xf32>,
      %get3A_697 = vector.shape_cast %get3A_696 : vector<1x16xf32> to vector<16xf32>
      %add3A_698 = arith.addf %add3A_692, %get3A_697 : vector<16xf32>
      %get3A_699 = arith.constant 3 : i32
      %get3A_700 = arith.index_cast %get3A_699 : i32 to index
      %get3A_701 = arith.constant 64 : index
      %get3A_702 = tpu.vector_load %arg9[%get3A_700, %get3A_701] {strides = array<i32>} : memref<4x128xf32, #tpu.memory_space<vmem>>, vector<1x16xf32>,
      %get3A_703 = vector.shape_cast %get3A_702 : vector<1x16xf32> to vector<16xf32>
      %add3A_704 = arith.addf %add3A_564, %get3A_703 : vector<16xf32>
      %get3A_705 = arith.constant 3 : i32
      %get3A_706 = arith.index_cast %get3A_705 : i32 to index
      %get3A_707 = arith.constant 64 : index
      %get3A_708 = tpu.vector_load %arg10[%get3A_706, %get3A_707] {strides = array<i32>} : memref<4x128xf32, #tpu.memory_space<vmem>>, vector<1x16xf32>,
      %get3A_709 = vector.shape_cast %get3A_708 : vector<1x16xf32> to vector<16xf32>
      %add3A_710 = arith.addf %add3A_704, %get3A_709 : vector<16xf32>
      %get3A_711 = arith.constant 3 : i32
      %get3A_712 = arith.index_cast %get3A_711 : i32 to index
      %get3A_713 = arith.constant 80 : index
      %get3A_714 = tpu.vector_load %arg9[%get3A_712, %get3A_713] {strides = array<i32>} : memref<4x128xf32, #tpu.memory_space<vmem>>, vector<1x16xf32>,
      %get3A_715 = vector.shape_cast %get3A_714 : vector<1x16xf32> to vector<16xf32>
      %add3A_716 = arith.addf %add3A_576, %get3A_715 : vector<16xf32>
      %get3A_717 = arith.constant 3 : i32
      %get3A_718 = arith.index_cast %get3A_717 : i32 to index
      %get3A_719 = arith.constant 80 : index
      %get3A_720 = tpu.vector_load %arg10[%get3A_718, %get3A_719] {strides = array<i32>} : memref<4x128xf32, #tpu.memory_space<vmem>>, vector<1x16xf32>,
      %get3A_721 = vector.shape_cast %get3A_720 : vector<1x16xf32> to vector<16xf32>
      %add3A_722 = arith.addf %add3A_716, %get3A_721 : vector<16xf32>
      %get3A_723 = arith.constant 3 : i32
      %get3A_724 = arith.index_cast %get3A_723 : i32 to index
      %get3A_725 = arith.constant 96 : index
      %get3A_726 = tpu.vector_load %arg9[%get3A_724, %get3A_725] {strides = array<i32>} : memref<4x128xf32, #tpu.memory_space<vmem>>, vector<1x16xf32>,
      %get3A_727 = vector.shape_cast %get3A_726 : vector<1x16xf32> to vector<16xf32>
      %add3A_728 = arith.addf %add3A_588, %get3A_727 : vector<16xf32>
      %get3A_729 = arith.constant 3 : i32
      %get3A_730 = arith.index_cast %get3A_729 : i32 to index
      %get3A_731 = arith.constant 96 : index
      %get3A_732 = tpu.vector_load %arg10[%get3A_730, %get3A_731] {strides = array<i32>} : memref<4x128xf32, #tpu.memory_space<vmem>>, vector<1x16xf32>,
      %get3A_733 = vector.shape_cast %get3A_732 : vector<1x16xf32> to vector<16xf32>
      %add3A_734 = arith.addf %add3A_728, %get3A_733 : vector<16xf32>
      %get3A_735 = arith.constant 3 : i32
      %get3A_736 = arith.index_cast %get3A_735 : i32 to index
      %get3A_737 = arith.constant 112 : index
      %get3A_738 = tpu.vector_load %arg9[%get3A_736, %get3A_737] {strides = array<i32>} : memref<4x128xf32, #tpu.memory_space<vmem>>, vector<1x16xf32>,
      %get3A_739 = vector.shape_cast %get3A_738 : vector<1x16xf32> to vector<16xf32>
      %add3A_740 = arith.addf %add3A_600, %get3A_739 : vector<16xf32>
      %get3A_741 = arith.constant 3 : i32
      %get3A_742 = arith.index_cast %get3A_741 : i32 to index
      %get3A_743 = arith.constant 112 : index
      %get3A_744 = tpu.vector_load %arg10[%get3A_742, %get3A_743] {strides = array<i32>} : memref<4x128xf32, #tpu.memory_space<vmem>>, vector<1x16xf32>,
      %get3A_745 = vector.shape_cast %get3A_744 : vector<1x16xf32> to vector<16xf32>
      %add3A_746 = arith.addf %add3A_740, %get3A_745 : vector<16xf32>
      scf.yield %add3A_662, %add3A_674, %add3A_686, %add3A_698, %add3A_710, %add3A_722, %add3A_734, %add3A_746 : vector<16xf32>, vector<16xf32>, vector<16xf32>, vector<16xf32>, vector<16xf32>, vector<16xf32>, vector<16xf32>, vector<16xf32>
    }
    %scan3A_81 = arith.constant 50 : i32
    %dma_wait3A = arith.constant 0 : i32
    %dma_wait3A_82 = arith.constant 0 : i32
    %dma_wait3A_83 = tpu.memref_slice %arg9[%dma_wait3A, %dma_wait3A_82] : memref<4x128xf32, #tpu.memory_space<vmem>> -> memref<1x128xf32, #tpu.memory_space<vmem>>
    %dma_wait3A_84 = tpu.memref_squeeze %dma_wait3A_83 : memref<1x128xf32, #tpu.memory_space<vmem>> -> memref<128xf32, #tpu.memory_space<vmem>>
    %dma_wait3A_85 = arith.constant 0 : i32
    %dma_wait3A_86 = tpu.memref_slice %arg4[%dma_wait3A_85] : memref<1000000xf32, #tpu.memory_space<hbm>> -> memref<128xf32, #tpu.memory_space<hbm>>
    %dma_wait3A_87 = arith.constant 0 : i32
    %dma_wait3A_88 = tpu.memref_slice %arg9[%dma_wait3A, %dma_wait3A_87] : memref<4x128xf32, #tpu.memory_space<vmem>> -> memref<1x128xf32, #tpu.memory_space<vmem>>
    %dma_wait3A_89 = tpu.memref_squeeze %dma_wait3A_88 : memref<1x128xf32, #tpu.memory_space<vmem>> -> memref<128xf32, #tpu.memory_space<vmem>>
    %dma_wait3A_90 = arith.constant 0 : i32
    %dma_wait3A_91 = tpu.memref_slice %arg4[%dma_wait3A_90] : memref<1000000xf32, #tpu.memory_space<hbm>> -> memref<128xf32, #tpu.memory_space<hbm>>
    tpu.wait_dma2 semaphore(%arg12 : memref<!tpu.dma_semaphore, #tpu.memory_space<semaphore_mem>>) src(%dma_wait3A_91 : memref<128xf32, #tpu.memory_space<hbm>>) dst(%dma_wait3A_89 : memref<128xf32, #tpu.memory_space<vmem>>)
    %dma_wait3A_92 = arith.constant 0 : i32
    %dma_wait3A_93 = arith.constant 0 : i32
    %dma_wait3A_94 = tpu.memref_slice %arg10[%dma_wait3A_92, %dma_wait3A_93] : memref<4x128xf32, #tpu.memory_space<vmem>> -> memref<1x128xf32, #tpu.memory_space<vmem>>
    %dma_wait3A_95 = tpu.memref_squeeze %dma_wait3A_94 : memref<1x128xf32, #tpu.memory_space<vmem>> -> memref<128xf32, #tpu.memory_space<vmem>>
    %dma_wait3A_96 = arith.constant 0 : i32
    %dma_wait3A_97 = tpu.memref_slice %arg5[%dma_wait3A_96] : memref<1000000xf32, #tpu.memory_space<hbm>> -> memref<128xf32, #tpu.memory_space<hbm>>
    %dma_wait3A_98 = arith.constant 0 : i32
    %dma_wait3A_99 = tpu.memref_slice %arg10[%dma_wait3A_92, %dma_wait3A_98] : memref<4x128xf32, #tpu.memory_space<vmem>> -> memref<1x128xf32, #tpu.memory_space<vmem>>
    %dma_wait3A_100 = tpu.memref_squeeze %dma_wait3A_99 : memref<1x128xf32, #tpu.memory_space<vmem>> -> memref<128xf32, #tpu.memory_space<vmem>>
    %dma_wait3A_101 = arith.constant 0 : i32
    %dma_wait3A_102 = tpu.memref_slice %arg5[%dma_wait3A_101] : memref<1000000xf32, #tpu.memory_space<hbm>> -> memref<128xf32, #tpu.memory_space<hbm>>
    tpu.wait_dma2 semaphore(%arg12 : memref<!tpu.dma_semaphore, #tpu.memory_space<semaphore_mem>>) src(%dma_wait3A_102 : memref<128xf32, #tpu.memory_space<hbm>>) dst(%dma_wait3A_100 : memref<128xf32, #tpu.memory_space<vmem>>)
    %dma_wait3A_103 = arith.constant 1 : i32
    %dma_wait3A_104 = arith.constant 0 : i32
    %dma_wait3A_105 = tpu.memref_slice %arg9[%dma_wait3A_103, %dma_wait3A_104] : memref<4x128xf32, #tpu.memory_space<vmem>> -> memref<1x128xf32, #tpu.memory_space<vmem>>
    %dma_wait3A_106 = tpu.memref_squeeze %dma_wait3A_105 : memref<1x128xf32, #tpu.memory_space<vmem>> -> memref<128xf32, #tpu.memory_space<vmem>>
    %dma_wait3A_107 = arith.constant 0 : i32
    %dma_wait3A_108 = tpu.memref_slice %arg4[%dma_wait3A_107] : memref<1000000xf32, #tpu.memory_space<hbm>> -> memref<128xf32, #tpu.memory_space<hbm>>
    %dma_wait3A_109 = arith.constant 0 : i32
    %dma_wait3A_110 = tpu.memref_slice %arg9[%dma_wait3A_103, %dma_wait3A_109] : memref<4x128xf32, #tpu.memory_space<vmem>> -> memref<1x128xf32, #tpu.memory_space<vmem>>
    %dma_wait3A_111 = tpu.memref_squeeze %dma_wait3A_110 : memref<1x128xf32, #tpu.memory_space<vmem>> -> memref<128xf32, #tpu.memory_space<vmem>>
    %dma_wait3A_112 = arith.constant 0 : i32
    %dma_wait3A_113 = tpu.memref_slice %arg4[%dma_wait3A_112] : memref<1000000xf32, #tpu.memory_space<hbm>> -> memref<128xf32, #tpu.memory_space<hbm>>
    tpu.wait_dma2 semaphore(%arg13 : memref<!tpu.dma_semaphore, #tpu.memory_space<semaphore_mem>>) src(%dma_wait3A_113 : memref<128xf32, #tpu.memory_space<hbm>>) dst(%dma_wait3A_111 : memref<128xf32, #tpu.memory_space<vmem>>)
    %dma_wait3A_114 = arith.constant 1 : i32
    %dma_wait3A_115 = arith.constant 0 : i32
    %dma_wait3A_116 = tpu.memref_slice %arg10[%dma_wait3A_114, %dma_wait3A_115] : memref<4x128xf32, #tpu.memory_space<vmem>> -> memref<1x128xf32, #tpu.memory_space<vmem>>
    %dma_wait3A_117 = tpu.memref_squeeze %dma_wait3A_116 : memref<1x128xf32, #tpu.memory_space<vmem>> -> memref<128xf32, #tpu.memory_space<vmem>>
    %dma_wait3A_118 = arith.constant 0 : i32
    %dma_wait3A_119 = tpu.memref_slice %arg5[%dma_wait3A_118] : memref<1000000xf32, #tpu.memory_space<hbm>> -> memref<128xf32, #tpu.memory_space<hbm>>
    %dma_wait3A_120 = arith.constant 0 : i32
    %dma_wait3A_121 = tpu.memref_slice %arg10[%dma_wait3A_114, %dma_wait3A_120] : memref<4x128xf32, #tpu.memory_space<vmem>> -> memref<1x128xf32, #tpu.memory_space<vmem>>
    %dma_wait3A_122 = tpu.memref_squeeze %dma_wait3A_121 : memref<1x128xf32, #tpu.memory_space<vmem>> -> memref<128xf32, #tpu.memory_space<vmem>>
    %dma_wait3A_123 = arith.constant 0 : i32
    %dma_wait3A_124 = tpu.memref_slice %arg5[%dma_wait3A_123] : memref<1000000xf32, #tpu.memory_space<hbm>> -> memref<128xf32, #tpu.memory_space<hbm>>
    tpu.wait_dma2 semaphore(%arg13 : memref<!tpu.dma_semaphore, #tpu.memory_space<semaphore_mem>>) src(%dma_wait3A_124 : memref<128xf32, #tpu.memory_space<hbm>>) dst(%dma_wait3A_122 : memref<128xf32, #tpu.memory_space<vmem>>)
    %dma_wait3A_125 = arith.constant 2 : i32
    %dma_wait3A_126 = arith.constant 0 : i32
    %dma_wait3A_127 = tpu.memref_slice %arg9[%dma_wait3A_125, %dma_wait3A_126] : memref<4x128xf32, #tpu.memory_space<vmem>> -> memref<1x128xf32, #tpu.memory_space<vmem>>
    %dma_wait3A_128 = tpu.memref_squeeze %dma_wait3A_127 : memref<1x128xf32, #tpu.memory_space<vmem>> -> memref<128xf32, #tpu.memory_space<vmem>>
    %dma_wait3A_129 = arith.constant 0 : i32
    %dma_wait3A_130 = tpu.memref_slice %arg4[%dma_wait3A_129] : memref<1000000xf32, #tpu.memory_space<hbm>> -> memref<128xf32, #tpu.memory_space<hbm>>
    %dma_wait3A_131 = arith.constant 0 : i32
    %dma_wait3A_132 = tpu.memref_slice %arg9[%dma_wait3A_125, %dma_wait3A_131] : memref<4x128xf32, #tpu.memory_space<vmem>> -> memref<1x128xf32, #tpu.memory_space<vmem>>
    %dma_wait3A_133 = tpu.memref_squeeze %dma_wait3A_132 : memref<1x128xf32, #tpu.memory_space<vmem>> -> memref<128xf32, #tpu.memory_space<vmem>>
    %dma_wait3A_134 = arith.constant 0 : i32
    %dma_wait3A_135 = tpu.memref_slice %arg4[%dma_wait3A_134] : memref<1000000xf32, #tpu.memory_space<hbm>> -> memref<128xf32, #tpu.memory_space<hbm>>
    tpu.wait_dma2 semaphore(%arg14 : memref<!tpu.dma_semaphore, #tpu.memory_space<semaphore_mem>>) src(%dma_wait3A_135 : memref<128xf32, #tpu.memory_space<hbm>>) dst(%dma_wait3A_133 : memref<128xf32, #tpu.memory_space<vmem>>)
    %dma_wait3A_136 = arith.constant 2 : i32
    %dma_wait3A_137 = arith.constant 0 : i32
    %dma_wait3A_138 = tpu.memref_slice %arg10[%dma_wait3A_136, %dma_wait3A_137] : memref<4x128xf32, #tpu.memory_space<vmem>> -> memref<1x128xf32, #tpu.memory_space<vmem>>
    %dma_wait3A_139 = tpu.memref_squeeze %dma_wait3A_138 : memref<1x128xf32, #tpu.memory_space<vmem>> -> memref<128xf32, #tpu.memory_space<vmem>>
    %dma_wait3A_140 = arith.constant 0 : i32
    %dma_wait3A_141 = tpu.memref_slice %arg5[%dma_wait3A_140] : memref<1000000xf32, #tpu.memory_space<hbm>> -> memref<128xf32, #tpu.memory_space<hbm>>
    %dma_wait3A_142 = arith.constant 0 : i32
    %dma_wait3A_143 = tpu.memref_slice %arg10[%dma_wait3A_136, %dma_wait3A_142] : memref<4x128xf32, #tpu.memory_space<vmem>> -> memref<1x128xf32, #tpu.memory_space<vmem>>
    %dma_wait3A_144 = tpu.memref_squeeze %dma_wait3A_143 : memref<1x128xf32, #tpu.memory_space<vmem>> -> memref<128xf32, #tpu.memory_space<vmem>>
    %dma_wait3A_145 = arith.constant 0 : i32
    %dma_wait3A_146 = tpu.memref_slice %arg5[%dma_wait3A_145] : memref<1000000xf32, #tpu.memory_space<hbm>> -> memref<128xf32, #tpu.memory_space<hbm>>
    tpu.wait_dma2 semaphore(%arg14 : memref<!tpu.dma_semaphore, #tpu.memory_space<semaphore_mem>>) src(%dma_wait3A_146 : memref<128xf32, #tpu.memory_space<hbm>>) dst(%dma_wait3A_144 : memref<128xf32, #tpu.memory_space<vmem>>)
    %add3A_147 = arith.addf %scan3A_80#0, %scan3A_80#1 : vector<16xf32>
    %add3A_148 = arith.addf %add3A_147, %scan3A_80#2 : vector<16xf32>
    %add3A_149 = arith.addf %add3A_148, %scan3A_80#3 : vector<16xf32>
    %add3A_150 = arith.addf %add3A_149, %scan3A_80#4 : vector<16xf32>
    %add3A_151 = arith.addf %add3A_150, %scan3A_80#5 : vector<16xf32>
    %add3A_152 = arith.addf %add3A_151, %scan3A_80#6 : vector<16xf32>
    %add3A_153 = arith.addf %add3A_152, %scan3A_80#7 : vector<16xf32>
    %swap3A = arith.constant 0 : index
    %swap3A_154 = tpu.vector_load %arg11[%swap3A] {strides = array<i32>} : memref<16xf32, #tpu.memory_space<vmem>>, vector<16xf32>,
    %swap3A_155 = vector.shape_cast %swap3A_154 : vector<16xf32> to vector<16xf32>
    %swap3A_156 = vector.shape_cast %add3A_153 : vector<16xf32> to vector<16xf32>
    tpu.vector_store %arg11[%swap3A], %swap3A_156 {strides = array<i32>} : memref<16xf32, #tpu.memory_space<vmem>>, vector<16xf32>,
    "tpu.region"() ({
      %run_scoped3A = tpu.sem_alloc : memref<!tpu.dma_semaphore, #tpu.memory_space<semaphore_mem>>
      %dma_start3A_157 = arith.constant 0 : i32
      %dma_start3A_158 = tpu.memref_slice %arg6[%add3A, %dma_start3A_157] : memref<32x16xf32, #tpu.memory_space<hbm>> -> memref<1x16xf32, #tpu.memory_space<hbm>>
      %dma_start3A_159 = tpu.memref_squeeze %dma_start3A_158 : memref<1x16xf32, #tpu.memory_space<hbm>> -> memref<16xf32, #tpu.memory_space<hbm>>
      %dma_start3A_160 = arith.constant 0 : i32
      %dma_start3A_161 = tpu.memref_slice %arg6[%add3A, %dma_start3A_160] : memref<32x16xf32, #tpu.memory_space<hbm>> -> memref<1x16xf32, #tpu.memory_space<hbm>>
      %dma_start3A_162 = tpu.memref_squeeze %dma_start3A_161 : memref<1x16xf32, #tpu.memory_space<hbm>> -> memref<16xf32, #tpu.memory_space<hbm>>
      tpu.enqueue_dma source(%arg11 : memref<16xf32, #tpu.memory_space<vmem>>) target(%dma_start3A_162 : memref<16xf32, #tpu.memory_space<hbm>>) target_semaphore(%run_scoped3A : memref<!tpu.dma_semaphore, #tpu.memory_space<semaphore_mem>>)
      %dma_wait3A_163 = arith.constant 0 : i32
      %dma_wait3A_164 = tpu.memref_slice %arg6[%add3A, %dma_wait3A_163] : memref<32x16xf32, #tpu.memory_space<hbm>> -> memref<1x16xf32, #tpu.memory_space<hbm>>
      %dma_wait3A_165 = tpu.memref_squeeze %dma_wait3A_164 : memref<1x16xf32, #tpu.memory_space<hbm>> -> memref<16xf32, #tpu.memory_space<hbm>>
      %dma_wait3A_166 = arith.constant 0 : i32
      %dma_wait3A_167 = tpu.memref_slice %arg6[%add3A, %dma_wait3A_166] : memref<32x16xf32, #tpu.memory_space<hbm>> -> memref<1x16xf32, #tpu.memory_space<hbm>>
      %dma_wait3A_168 = tpu.memref_squeeze %dma_wait3A_167 : memref<1x16xf32, #tpu.memory_space<hbm>> -> memref<16xf32, #tpu.memory_space<hbm>>
      tpu.wait_dma2 semaphore(%run_scoped3A : memref<!tpu.dma_semaphore, #tpu.memory_space<semaphore_mem>>) src(%arg11 : memref<16xf32, #tpu.memory_space<vmem>>) dst(%dma_wait3A_168 : memref<16xf32, #tpu.memory_space<hbm>>)
      tpu.yield
    }) : () -> ()
    return
  }
}

</mosaic_0001>

<sc_bundles>
// kernel: kernel.4.cloned.1.call-start
scs
__scs_entry_jumppad:
0x0: {  	(pc) =	sbr.rel $0x88, $3  }
0x1: {  	(tag) =	ssettag $0x0;
	lr =	simm.s32 $0x1  }
0x2: {  	[smem:$0x3F9B] =	sst lr;
	_ =	strace $0xD0000000  }
0x3: {  	_ = 	snop  }
0x4: {  	_ = 	snop  }
0x5: {  	_ = 	snop  }
0x6: {  	_ = 	snop  }
0x7: {  	_ = 	snop  }
__scs_overlays_trampoline_lowered:
0x8: {  	[smem:$0x3FAA] =	sst s0  }
0x9: {  	[smem:$0x3FAB] =	sst s1  }
0xa: {  	[smem:$0x3FAC] =	sst s2  }
0xb: {  	[smem:$0x3FAD] =	sst s3  }
0xc: {  	[smem:$0x3FAE] =	sst s4  }
0xd: {  	[smem:$0x3FAF] =	sst s5  }
0xe: {  	[smem:$0x3FB0] =	sst s6  }
0xf: {  	[smem:$0x3FB1] =	sst s7  }
0x10: {  	[smem:$0x3FB2] =	sst s8  }
0x11: {  	[smem:$0x3FB3] =	sst s9;
	s0 =	simm.s32 @!p0 $0x0  }
0x12: {  	s1 =	sld [smem:$0x3F99];
	s0 =	simm.s32 @p0 $0x1  }
0x13: {  	[smem:$0x3FB4] =	sst s0;
	s0 =	simm.s32 @!p1 $0x0  }
0x14: {  	s2 =	sld [smem:$0x3F98];
	s0 =	simm.s32 @p1 $0x1  }
0x15: {  	[smem:$0x3FB5] =	sst s0;
	s0 =	simm.s32 @!p2 $0x0  }
0x16: {  	s3 =	sld [smem:$0x3FDB];
	s0 =	simm.s32 @p2 $0x1  }
0x17: {  	s4 =	simm.s32 $0x1BF5;
	[smem:$0x3FB7] =	sst s0  }
0x18: {  	s0 =	sld [smem:$0x3F9A];
	_ =	swait.ge [sflag:s4], $0x0  }
0x19: {  	s7 =	sld [smem:$0x3F9B]  }
0x1a: {  	s8 =	sadd.s32 $0xFFFFE003, lr  }
0x1b: {  	s9 =	sadd.s32 $0xFFFFFEF7, lr;
	s5 =	simm.s32 $0xFFFFFFFF;
	p2 =	slt.u32 s8, $0xFFFFF086  }
0x1c: {  	p1 =	slt.u32 s9, $0xF7A;
	s5 =	simm.s32 @!p2 $0x0  }
0x1d: {  	s5 =	simm.s32 @p1 $0x1;
	p0 =	seq.s32 s7, s2  }
0x1e: {  	s7 =	smul.u32 @!p0 $0xF7A, s2;
	p2 =	seq.s32 @!p0 s5, $0x0  }
0x1f: {  	s9 =	smul.u32 $0xF7A, s1;
	s8 =	simm.s32 @!p0 $0x1BF5;
	p2 =	por !p2, p0  }
0x20: {  	[sflag:s8] =	ssyncset.s32 @!p0 $0xFFFFF086;
	s6 =	sadd.s32 @!p0 s3, s7;
	s7 =	simm.s32 @!p0 $0x108  }
0x21: {  	s3 =	sadd.s32 s3, s9;
	s6 =	sadd.s32 @!p0 $0x88, s6;
	s7 =	simm.s32 @p2 $0x1082  }
0x22: {  	[simem:s7], [sflag:s8] =	dma.local @!p0 [hbm:s6], $0xF7A  }
0x23: {  	s9 =	sor.u32 $0xD0000000, s2;
	s6 =	simm.s32 $0x108;
	_ =	swait.ge @!p0 [sflag:s8], $0x0  }
0x24: {  	s3 =	sadd.s32 $0x88, s3;
	s6 =	simm.s32 @!p1 $0x1082;
	[sflag:s4] =	ssyncset.s32 $0xFFFFF086  }
0x25: {  	[simem:s6], [sflag:s4] =	dma.local [hbm:s3], $0xF7A  }
0x26: {  	[smem:$0x3F9B] =	sst s1;
	(tag) =	ssettag s2;
	_ =	strace s9  }
0x27: {  	s1 =	sld [smem:$0x3FAB]  }
0x28: {  	s2 =	sld [smem:$0x3FAC]  }
0x29: {  	s4 =	sld [smem:$0x3FAE]  }
0x2a: {  	p0 =	seq.s32 s5, $0x0;
	s5 =	sld [smem:$0x3FAF]  }
0x2b: {  	s6 =	sld [smem:$0x3FB0]  }
0x2c: {  	s7 =	sld [smem:$0x3FB1]  }
0x2d: {  	s3 =	simm.s32 $0x108;
	s8 =	sld [smem:$0x3FB2]  }
0x2e: {  	s3 =	simm.s32 @!p0 $0x1082;
	s9 =	sld [smem:$0x3FB3]  }
0x2f: {  	lr =	sadd.s32 s0, s3;
	s0 =	sld [smem:$0x3FAA]  }
0x30: {  	s3 =	sld [smem:$0x3FAD]  }
0x31: {  	[smem:$0x3FB6] =	sst s10  }
0x32: {  	s10 =	sld [smem:$0x3FB4];
	_ =	sdelay $0x3  }
0x33: {  	p0 =	seq.s32 s10, $0x1;
	s10 =	sld [smem:$0x3FB6];
	_ =	sdelay $0x3  }
0x34: {  	[smem:$0x3FB6] =	sst s10  }
0x35: {  	s10 =	sld [smem:$0x3FB5];
	_ =	sdelay $0x3  }
0x36: {  	p1 =	seq.s32 s10, $0x1;
	s10 =	sld [smem:$0x3FB6];
	_ =	sdelay $0x3  }
0x37: {  	[smem:$0x3FB6] =	sst s10  }
0x38: {  	s10 =	sld [smem:$0x3FB7]  }
0x39: {  	_ = 	snop;
	(pc) =	sbr.ind lr, $3  }
0x3a: {  	_ = 	snop  }
0x3b: {  	_ = 	snop  }
0x3c: {  	p2 =	seq.s32 s10, $0x1;
	s10 =	sld [smem:$0x3FB6]  }
0x3d: {  	_ =	shalt  }
0x3e: {  	_ =	shalt  }
0x3f: {  	_ =	shalt  }
0x40: {  	_ =	shalt  }
0x41: {  	_ =	shalt  }
0x42: {  	_ =	shalt  }
0x43: {  	_ =	shalt  }
0x44: {  	_ =	shalt  }
0x45: {  	_ =	shalt  }
0x46: {  	_ =	shalt  }
0x47: {  	_ =	shalt  }
0x48: {  	_ =	shalt  }
0x49: {  	_ =	shalt  }
0x4a: {  	_ =	shalt  }
0x4b: {  	_ =	shalt  }
0x4c: {  	_ =	shalt  }
0x4d: {  	_ =	shalt  }
0x4e: {  	_ =	shalt  }
0x4f: {  	_ =	shalt  }
0x50: {  	_ =	shalt  }
0x51: {  	_ =	shalt  }
0x52: {  	_ =	shalt  }
0x53: {  	_ =	shalt  }
0x54: {  	_ =	shalt  }
0x55: {  	_ =	shalt  }
0x56: {  	_ =	shalt  }
0x57: {  	_ =	shalt  }
0x58: {  	_ =	shalt  }
0x59: {  	_ =	shalt  }
0x5a: {  	_ =	shalt  }
0x5b: {  	_ =	shalt  }
0x5c: {  	_ =	shalt  }
0x5d: {  	_ =	shalt  }
0x5e: {  	_ =	shalt  }
0x5f: {  	_ =	shalt  }
0x60: {  	_ =	shalt  }
0x61: {  	_ =	shalt  }
0x62: {  	_ =	shalt  }
0x63: {  	_ =	shalt  }
0x64: {  	_ =	shalt  }
0x65: {  	_ =	shalt  }
0x66: {  	_ =	shalt  }
0x67: {  	_ =	shalt  }
0x68: {  	_ =	shalt  }
0x69: {  	_ =	shalt  }
0x6a: {  	_ =	shalt  }
0x6b: {  	_ =	shalt  }
0x6c: {  	_ =	shalt  }
0x6d: {  	_ =	shalt  }
0x6e: {  	_ =	shalt  }
0x6f: {  	_ =	shalt  }
0x70: {  	_ =	shalt  }
0x71: {  	_ =	shalt  }
0x72: {  	_ =	shalt  }
0x73: {  	_ =	shalt  }
0x74: {  	_ =	shalt  }
0x75: {  	_ =	shalt  }
0x76: {  	_ =	shalt  }
0x77: {  	_ =	shalt  }
0x78: {  	_ =	shalt  }
0x79: {  	_ =	shalt  }
0x7a: {  	_ =	shalt  }
0x7b: {  	_ =	shalt  }
0x7c: {  	_ =	shalt  }
0x7d: {  	_ =	shalt  }
0x7e: {  	_ =	shalt  }
0x7f: {  	_ =	shalt  }
0x80: {  	_ =	shalt  }
0x81: {  	_ =	shalt  }
0x82: {  	_ =	shalt  }
0x83: {  	_ =	shalt  }
0x84: {  	_ =	shalt  }
0x85: {  	_ =	shalt  }
0x86: {  	_ =	shalt  }
0x87: {  	_ =	shalt  }
.Lfunc_end0:
.L_simem_size_0:
called_computation_lowered:
.L_overlay_start_0:
0x88: {  	s2 =	sld [smem:$0x3FD9]  }
0x89: {  	s3 =	sld [smem:$0x3FFE];
	_ =	sdelay $0x1  }
0x8a: {  	s1 =	srdreg.scid  }
0x8b: {  	s0 =	sand.u32 $0x1, s1  }
0x8c: {  	s17 =	sshll.u32 s0, $0xA;
	s2 =	sadd.s32 s3, s2  }
0x8d: {  	s2 =	sadd.s32 s2, s17  }
0x8e: {  	[smem:$0x3FC2] =	sst s2  }
0x8f: {  	_ = 	snop  }
0x90: {  	(tm) =	ssettm $0x1  }
0x91: {  	s18 =	sld [smem:$0x3FFB];
	_ =	sdelay $0x3  }
0x92: {  	_ =	strace s18  }
0x93: {  	s2 =	sld [smem:$0x3FFC];
	_ =	sdelay $0x3  }
0x94: {  	_ =	strace s2  }
0x95: {  	s2 =	sld [smem:$0x3FFD];
	_ =	sdelay $0x3  }
0x96: {  	_ =	strace s2  }
0x97: {  	_ =	strace $0x8FFFFFFF  }
0x98: {  	s19 =	sld [smem:$0x3FDB];
	_ =	sdelay $0x1  }
0x99: {  	s20 =	simm.s32 $_scs_section_size  }
0x9a: {  	s4 =	simm.s32 $_size__tile_overlayer_lowered;
	s5 =	simm.s32 $_tile_overlayer_lowered  }
0x9b: {  	s6 =	simm.s32 $0x1BFF;
	s21 =	sshll.u32 s5, $0x1;
	s3 =	sadd.s32 s20, s19  }
0x9c: {  	s22 =	simm.s32 $0x0;
	s4 =	sshll.u32 s4, $0x1;
	s5 =	sadd.s32 s21, s3  }
0x9d: {  	[timem:s22], [sflag:s6] =	dma.local [hbm:s5], s4  }
0x9e: {  	_ =	swait.ge [sflag:s6], s4  }
0x9f: {  	s4 =	ssub.s32 $0x0, s4;
	[sflag:s6] =	ssyncset.done $0x0  }
0xa0: {  	[sflag:s6] =	ssyncadd.s32 s4;
	_ =	sdelay $0x1  }
0xa1: {  	s23 =	simm.s32 $0x1B8B  }
0xa2: {  	_ =	swait.ge [sflag:s23], $0x1  }
0xa3: {  	[sflag:s23] =	ssyncset.done $0x0  }
0xa4: {  	[sflag:s23] =	ssyncadd.s32 $0xFFFFFFFF  }
0xa5: {  	s4 =	sld [smem:$0x0]  }
0xa6: {  	s5 =	sand.u32 $0xFFFFFFFE, s1  }
0xa7: {  	p0 =	sne.s32 s1, s5  }
0xa8: {  	s5 =	sshll.u32 @p0 s5, $0xE  }
0xa9: {  	s5 =	sadd.s32 @p0 $0x11B8D, s5;
	s6 =	sshll.u32 @p0 s4, $0x11  }
0xaa: {  	s5 =	sor.u32 @p0 s6, s5  }
0xab: {  	[sflag:s5] =	ssyncadd.remote.s32 @p0 $0x1;
	_ =	sdelay $0x1  }
0xac: {  	s5 =	simm.s32 @p0 $0x1B8D  }
0xad: {  	_ =	swait.eq @p0 [sflag:s5], $0x1  }
0xae: {  	[sflag:s5] =	ssyncadd.s32 @p0 $0xFFFFFFFF  }
0xaf: {  	s6 =	sshll.u32 @!p0 s1, $0xE  }
0xb0: {  	s6 =	sor.u32 @!p0 $0x4000, s6;
	s5 =	simm.s32 @!p0 $0x1B8D  }
0xb1: {  	s4 =	sshll.u32 @!p0 s4, $0x11;
	s6 =	sadd.s32 @!p0 $0x11B8D, s6;
	_ =	swait.eq @!p0 [sflag:s5], $0x1  }
0xb2: {  	s4 =	sor.u32 @!p0 s4, s6;
	[sflag:s5] =	ssyncadd.s32 @!p0 $0xFFFFFFFF  }
0xb3: {  	s25 =	simm.s32 $0x1B8E;
	s24 =	sld [smem:$0x3FFE];
	[sflag:s4] =	ssyncadd.remote.s32 @!p0 $0x1  }
0xb4: {  	s26 =	simm.s32 $execute0_lowered;
	[smem:$0x3FD2] =	sst s25  }
0xb5: {  	s5 =	sshll.u32 s26, $0x1;
	_ =	strace $0x80000049;
	[dreg:$0x1] =	wrdreg $0xFFFFFFFF  }
0xb6: {  	s28 =	simm.s32 $_size_execute0_lowered;
	s3 =	sadd.s32 s3, s5;
	[dreg:$0x0] =	wrdreg $0x0  }
0xb7: {  	s5 =	sshll.u32 s28, $0x1;
	[dreg:$0x2] =	wrdreg s3  }
0xb8: {  	[dreg:$0x3] =	wrdreg s5  }
0xb9: {  	[dreg:$0x4] =	wrdreg $0xC0  }
0xba: {  	_ =	task [dreg:s22], $0x5FFFF  }
0xbb: {  	[dreg:$0x1] =	wrdreg $0xFFFFFFFF  }
0xbc: {  	[dreg:$0x0] =	wrdreg $0x60  }
0xbd: {  	[dreg:$0x2] =	wrdreg s24  }
0xbe: {  	[dreg:$0x3] =	wrdreg $0x9  }
0xbf: {  	_ =	task.clear_ibuf [dreg:s22], $0x4FFFF;
	_ =	strace $0x90000049  }
0xc0: {  	s29 =	simm.s32 $0x9;
	_ =	strace $0x8000004B  }
0xc1: {  	_ =	swait.ge [sflag:s29], $0x1  }
0xc2: {  	[sflag:s29] =	ssyncadd.s32 $0xFFFFFFFF  }
0xc3: {  	_ =	strace $0x9000004B  }
0xc4: {  	_ =	sfence  }
0xc5: {  	s30 =	sld [smem:$0x0];
	_ =	sdelay $0x2  }
0xc6: {  	s31 =	sshll.u32 s1, $0xD;
	s1 =	sshrl.u32 s1, $0x2  }
0xc7: {  	s4 =	sand.u32 $0x4000, s31;
	s1 =	sadd.s32 s1, s30  }
0xc8: {  	s0 =	sor.u32 s4, s0;
	s1 =	sshll.u32 s1, $0x11  }
0xc9: {  	s0 =	sor.u32 s1, s0  }
0xca: {  	s0 =	sadd.s32 $0x8F2B, s0  }
0xcb: {  	[sflag:s0] =	ssyncadd.remote.s32 $0x1  }
0xcc: {  	_ =	sfence.sel $0xFFFF  }
0xcd: {  	[dreg:$0x0] =	wrdreg $0xFFFFFFFF;
	(pc) =	sbr.abs _section_cstart, $3  }
0xce: {  	[dreg:$0x1] =	wrdreg $0xFFFFFFFF  }
0xcf: {  	_ =	task.clear_ibuf [dreg:s22], $0x2FFFF;
	_ =	strace $0x9FFFFFFF  }
0xd0: {  	(tm) =	ssettm $0x7FFFFFFF  }
0xd1: {  	_ =	shalt  }
tec
execute0_lowered:
.L_overlay_start_1:
0x0: {  	(tag) =	ssettag $0x1  }
0x1: {  	s6 =	rddreg [dreg:$0x0]  }
0x2: {  	s3 =	srdreg.scid;
	s1 =	stileid.u32;
	s2 =	simm.s32 $0x0  }
0x3: {  	s11 =	simm.s32 $0x80;
	s12 =	simm.s32 $0xC800;
	s13 =	simm.s32 $0xCA00  }
0x4: {  	s14 =	simm.s32 $0xC880;
	s15 =	simm.s32 $0x6480;
	s16 =	simm.s32 $0xCA80  }
0x5: {  	s17 =	simm.s32 $0x100;
	s19 =	simm.s32 $0xC980;
	s18 =	simm.s32 $0xC900  }
0x6: {  	s21 =	simm.s32 $0xCB80;
	s20 =	simm.s32 $0xCB00;
	s22 =	simm.s32 $0x2  }
0x7: {  	s23 =	simm.s32 $0x3;
	s24 =	simm.s32 $0x4;
	s25 =	simm.s32 $0xCC00  }
0x8: {  	s26 =	simm.s32 $0x0;
	s5 =	sand.u32 $0x1, s3;
	s30 =	sshll.u32 s1, $0x1  }
0x9: {  	[smem:$0x7FF] =	sst s2;
	s3 =	sadd.s32 $0x50C00, s6;
	s4 =	sadd.s32 $0x32200, s6  }
0xa: {  	s7 =	sor.u32 s5, s30;
	_ =	strace $0x8000004A;
	[dreg:$0x2] =	wrdreg s19  }
0xb: {  	s9 =	ssub.s32 $0x2, s5;
	s19 =	simm.s32 $0x6500;
	[dreg:$0x3] =	wrdreg s21  }
0xc: {  	s8 =	smul.u32 $0xC80, s7;
	s7 =	sshll.u32 s7, $0x1;
	s10 =	sshrl.u32 s9, $0x1  }
0xd: {  	s21 =	simm.s32 $0x1;
	s7 =	sadd.s32 s7, s6;
	s31 =	ssub.s32 s9, s10  }
0xe: {  	s9 =	simm.s32 $0x5;
	s10 =	simm.s32 $0x6400;
	s5 =	sadd.s32 s6, s8  }
0xf: {  	s7 =	sadd.s32 $0x6F600, s7;
	s8 =	smax.u32 s31, $0x1;
	s6 =	sadd.s32 $0x19000, s5  }
.LBB2_1:
0x10: {  	[tilespmem:s2], [sflag:$0x5] =	stream.linear.gather [hbm4b:s6+s2], $0x6400, $0x38;
	[tilespmem:$0xCC10] =	vst v63  }
0x11: {  	_ =	swait.ge [sflag:s9], $0x6400  }
0x12: {  	[sflag:s9] =	ssyncset.done $0x0  }
0x13: {  	[sflag:s9] =	ssyncadd.s32 $0xFFFF9C00  }
0x14: {  	[tilespmem:s10], [sflag:$0x5] =	stream.linear.gather [hbm4b:s5+s2], $0x6400, $0x38;
	[tilespmem:$0xCC10] =	vst v63  }
0x15: {  	_ =	swait.ge [sflag:s9], $0x6400  }
0x16: {  	[sflag:s9] =	ssyncset.done $0x0  }
0x17: {  	[sflag:s9] =	ssyncadd.s32 $0xFFFF9C00  }
0x18: {  	[tilespmem:s12], [sflag:$0x1] =	stream.indirect.gather [hbm4b:s3+s11], $0x1, s2, s11, $0xb8;
	[tilespmem:$0xCC10] =	vst v63  }
0x19: {  	_ = 	snop  }
0x1a: {  	[tilespmem:s13], [sflag:$0x1] =	stream.indirect.gather [hbm4b:s4+s11], $0x1, s10, s11, $0xb8;
	[tilespmem:$0xCC10] =	vst v63  }
0x1b: {  	_ = 	snop  }
0x1c: {  	[tilespmem:s14], [sflag:$0x2] =	stream.indirect.gather [hbm4b:s3+s11], $0x1, s11, s11, $0xb8;
	[tilespmem:$0xCC10] =	vst v63  }
0x1d: {  	_ = 	snop  }
0x1e: {  	[tilespmem:s16], [sflag:$0x2] =	stream.indirect.gather [hbm4b:s4+s11], $0x1, s15, s11, $0xb8;
	[tilespmem:$0xCC10] =	vst v63  }
0x1f: {  	_ = 	snop  }
0x20: {  	v0 =	vimm.f32 $0.0e+00;
	v1 =	vimm.f32 $0.0e+00;
	[tilespmem:s18], [sflag:$0x3] =	stream.indirect.gather [hbm4b:s3+s11], $0x1, s17, s11, $0xb8;
	[tilespmem:$0xCC10] =	vst v63  }
0x21: {  	v2 =	vimm.f32 $0.0e+00;
	v3 =	vimm.f32 $0.0e+00;
	v4 =	vimm.f32 $0.0e+00;
	s28 =	simm.s32 $0x6580;
	s29 =	simm.s32 $0x180;
	s30 =	simm.s32 $0x0  }
0x22: {  	v5 =	vimm.f32 $0.0e+00;
	v6 =	vimm.f32 $0.0e+00;
	v7 =	vimm.f32 $0.0e+00;
	[tilespmem:s20], [sflag:$0x3] =	stream.indirect.gather [hbm4b:s4+s11], $0x1, s19, s11, $0xb8;
	[tilespmem:$0xCC10] =	vst v63  }
.LBB2_2:
0x23: {  	s31 =	rddreg [dreg:$0x2]  }
0x24: {  	[tilespmem:s31], [sflag:$0x4] =	stream.indirect.gather [hbm4b:s3+s11], $0x1, s29, s11, $0xb8;
	[tilespmem:$0xCC10] =	vst v63  }
0x25: {  	s0 =	rddreg [dreg:$0x3]  }
0x26: {  	[tilespmem:s0], [sflag:$0x4] =	stream.indirect.gather [hbm4b:s4+s11], $0x1, s28, s11, $0xb8;
	[tilespmem:$0xCC10] =	vst v63  }
0x27: {  	_ =	swait.ge [sflag:s21], $0x80  }
0x28: {  	[sflag:s21] =	ssyncset.done $0x0  }
0x29: {  	[sflag:s21] =	ssyncadd.s32 $0xFFFFFF80  }
0x2a: {  	_ =	swait.ge [sflag:s21], $0x80  }
0x2b: {  	[sflag:s21] =	ssyncset.done $0x0  }
0x2c: {  	[sflag:s21] =	ssyncadd.s32 $0xFFFFFF80  }
0x2d: {  	v8 =	vld [tilespmem:$0xC800]  }
0x2e: {  	v9 =	vld [tilespmem:$0xCA00]  }
0x2f: {  	v10 =	vld [tilespmem:$0xC810]  }
0x30: {  	v11 =	vld [tilespmem:$0xCA10]  }
0x31: {  	v12 =	vld [tilespmem:$0xC820]  }
0x32: {  	v13 =	vld [tilespmem:$0xCA20]  }
0x33: {  	v14 =	vld [tilespmem:$0xC830]  }
0x34: {  	v15 =	vld [tilespmem:$0xCA30]  }
0x35: {  	v16 =	vld [tilespmem:$0xC840]  }
0x36: {  	v17 =	vld [tilespmem:$0xCA40]  }
0x37: {  	v18 =	vld [tilespmem:$0xC850]  }
0x38: {  	v19 =	vld [tilespmem:$0xCA50]  }
0x39: {  	s31 =	smin.u32 s30, $0xC3;
	v20 =	vld [tilespmem:$0xC860]  }
0x3a: {  	s0 =	sshll.u32 s31, $0x7;
	v21 =	vld [tilespmem:$0xCA60]  }
0x3b: {  	s31 =	sadd.s32 $0x200, s0;
	v22 =	vld [tilespmem:$0xC870]  }
0x3c: {  	v23 =	vld [tilespmem:$0xCA70];
	[tilespmem:s12], [sflag:$0x1] =	stream.indirect.gather [hbm4b:s3+s11], $0x1, s31, s11, $0xb8  }
0x3d: {  	s0 =	sadd.s32 $0x6600, s0  }
0x3e: {  	[tilespmem:s13], [sflag:$0x1] =	stream.indirect.gather [hbm4b:s4+s11], $0x1, s0, s11, $0xb8;
	[tilespmem:$0xCC10] =	vst v63  }
0x3f: {  	_ =	swait.ge [sflag:s22], $0x80  }
0x40: {  	[sflag:s22] =	ssyncset.done $0x0  }
0x41: {  	[sflag:s22] =	ssyncadd.s32 $0xFFFFFF80  }
0x42: {  	_ =	swait.ge [sflag:s22], $0x80  }
0x43: {  	[sflag:s22] =	ssyncset.done $0x0  }
0x44: {  	[sflag:s22] =	ssyncadd.s32 $0xFFFFFF80  }
0x45: {  	v24 =	vld [tilespmem:$0xC880]  }
0x46: {  	v25 =	vld [tilespmem:$0xCA80]  }
0x47: {  	v26 =	vld [tilespmem:$0xC890]  }
0x48: {  	v27 =	vld [tilespmem:$0xCA90]  }
0x49: {  	v28 =	vld [tilespmem:$0xC8A0]  }
0x4a: {  	v29 =	vld [tilespmem:$0xCAA0]  }
0x4b: {  	v30 =	vld [tilespmem:$0xC8B0]  }
0x4c: {  	v31 =	vld [tilespmem:$0xCAB0]  }
0x4d: {  	v32 =	vld [tilespmem:$0xC8C0]  }
0x4e: {  	v33 =	vld [tilespmem:$0xCAC0]  }
0x4f: {  	v34 =	vld [tilespmem:$0xC8D0]  }
0x50: {  	v35 =	vld [tilespmem:$0xCAD0]  }
0x51: {  	s31 =	smin.u32 s30, $0xC2;
	v36 =	vld [tilespmem:$0xC8E0]  }
0x52: {  	s0 =	sshll.u32 s31, $0x7;
	v37 =	vld [tilespmem:$0xCAE0]  }
0x53: {  	s31 =	sadd.s32 $0x280, s0;
	v38 =	vld [tilespmem:$0xC8F0]  }
0x54: {  	v39 =	vld [tilespmem:$0xCAF0];
	[tilespmem:s14], [sflag:$0x2] =	stream.indirect.gather [hbm4b:s3+s11], $0x1, s31, s11, $0xb8  }
0x55: {  	s0 =	sadd.s32 $0x6680, s0  }
0x56: {  	[tilespmem:s16], [sflag:$0x2] =	stream.indirect.gather [hbm4b:s4+s11], $0x1, s0, s11, $0xb8;
	[tilespmem:$0xCC10] =	vst v63  }
0x57: {  	_ =	swait.ge [sflag:s23], $0x80  }
0x58: {  	[sflag:s23] =	ssyncset.done $0x0  }
0x59: {  	[sflag:s23] =	ssyncadd.s32 $0xFFFFFF80  }
0x5a: {  	_ =	swait.ge [sflag:s23], $0x80  }
0x5b: {  	[sflag:s23] =	ssyncset.done $0x0  }
0x5c: {  	[sflag:s23] =	ssyncadd.s32 $0xFFFFFF80  }
0x5d: {  	v40 =	vld [tilespmem:$0xC900]  }
0x5e: {  	v41 =	vld [tilespmem:$0xCB00]  }
0x5f: {  	v42 =	vld [tilespmem:$0xC910]  }
0x60: {  	v43 =	vld [tilespmem:$0xCB10]  }
0x61: {  	v44 =	vld [tilespmem:$0xC920]  }
0x62: {  	v45 =	vld [tilespmem:$0xCB20]  }
0x63: {  	v46 =	vld [tilespmem:$0xC930]  }
0x64: {  	v47 =	vld [tilespmem:$0xCB30]  }
0x65: {  	v48 =	vld [tilespmem:$0xC940]  }
0x66: {  	v49 =	vld [tilespmem:$0xCB40]  }
0x67: {  	v50 =	vld [tilespmem:$0xC950]  }
0x68: {  	v51 =	vld [tilespmem:$0xCB50]  }
0x69: {  	s31 =	smin.u32 s30, $0xC1;
	v52 =	vld [tilespmem:$0xC960]  }
0x6a: {  	v7 =	vadd.f32 v8, v7;
	v6 =	vadd.f32 v10, v6;
	s0 =	sshll.u32 s31, $0x7;
	v53 =	vld [tilespmem:$0xCB60]  }
0x6b: {  	v5 =	vadd.f32 v12, v5;
	v4 =	vadd.f32 v14, v4;
	s31 =	sadd.s32 $0x300, s0;
	v8 =	vld [tilespmem:$0xC970]  }
0x6c: {  	v3 =	vadd.f32 v16, v3;
	v2 =	vadd.f32 v18, v2;
	v63 =	vld [tilespmem:$0xCB70];
	[tilespmem:s18], [sflag:$0x3] =	stream.indirect.gather [hbm4b:s3+s11], $0x1, s31, s11, $0xb8  }
0x6d: {  	v1 =	vadd.f32 v20, v1;
	v0 =	vadd.f32 v22, v0;
	s0 =	sadd.s32 $0x6700, s0  }
0x6e: {  	v7 =	vadd.f32 v9, v7;
	v6 =	vadd.f32 v11, v6;
	[tilespmem:s20], [sflag:$0x3] =	stream.indirect.gather [hbm4b:s4+s11], $0x1, s0, s11, $0xb8;
	[tilespmem:$0xCC10] =	vst v63  }
0x6f: {  	v5 =	vadd.f32 v13, v5;
	v4 =	vadd.f32 v15, v4;
	_ =	swait.ge [sflag:s24], $0x80  }
0x70: {  	v3 =	vadd.f32 v17, v3;
	v2 =	vadd.f32 v19, v2;
	[sflag:s24] =	ssyncset.done $0x0  }
0x71: {  	v1 =	vadd.f32 v21, v1;
	v0 =	vadd.f32 v23, v0;
	[sflag:s24] =	ssyncadd.s32 $0xFFFFFF80  }
0x72: {  	v7 =	vadd.f32 v24, v7;
	v6 =	vadd.f32 v26, v6;
	_ =	swait.ge [sflag:s24], $0x80  }
0x73: {  	v5 =	vadd.f32 v28, v5;
	v4 =	vadd.f32 v30, v4;
	[sflag:s24] =	ssyncset.done $0x0  }
0x74: {  	v3 =	vadd.f32 v32, v3;
	v2 =	vadd.f32 v34, v2;
	[sflag:s24] =	ssyncadd.s32 $0xFFFFFF80  }
0x75: {  	v1 =	vadd.f32 v36, v1;
	v4 =	vadd.f32 v31, v4;
	v31 =	vld [tilespmem:$0xC980]  }
0x76: {  	v0 =	vadd.f32 v38, v0;
	v7 =	vadd.f32 v25, v7;
	v34 =	vld [tilespmem:$0xCB80]  }
0x77: {  	v6 =	vadd.f32 v27, v6;
	v5 =	vadd.f32 v29, v5;
	v36 =	vld [tilespmem:$0xC990]  }
0x78: {  	v3 =	vadd.f32 v33, v3;
	v2 =	vadd.f32 v35, v2;
	v38 =	vld [tilespmem:$0xCB90]  }
0x79: {  	v1 =	vadd.f32 v37, v1;
	v0 =	vadd.f32 v39, v0;
	v39 =	vld [tilespmem:$0xC9A0]  }
0x7a: {  	v7 =	vadd.f32 v40, v7;
	v6 =	vadd.f32 v42, v6;
	v54 =	vld [tilespmem:$0xCBA0]  }
0x7b: {  	v5 =	vadd.f32 v44, v5;
	v4 =	vadd.f32 v46, v4;
	v55 =	vld [tilespmem:$0xC9B0]  }
0x7c: {  	v3 =	vadd.f32 v48, v3;
	v2 =	vadd.f32 v50, v2;
	v56 =	vld [tilespmem:$0xCBB0]  }
0x7d: {  	v1 =	vadd.f32 v52, v1;
	v0 =	vadd.f32 v8, v0;
	v57 =	vld [tilespmem:$0xC9C0]  }
0x7e: {  	v7 =	vadd.f32 v41, v7;
	v6 =	vadd.f32 v43, v6;
	v8 =	vld [tilespmem:$0xC9D0]  }
0x7f: {  	v5 =	vadd.f32 v45, v5;
	v4 =	vadd.f32 v47, v4;
	v60 =	vld [tilespmem:$0xC9E0]  }
0x80: {  	v3 =	vadd.f32 v49, v3;
	v2 =	vadd.f32 v51, v2;
	v61 =	vld [tilespmem:$0xC9F0]  }
0x81: {  	v1 =	vadd.f32 v53, v1;
	v0 =	vadd.f32 v63, v0;
	v58 =	vld [tilespmem:$0xCBC0]  }
0x82: {  	v59 =	vld [tilespmem:$0xCBD0];
	v7 =	vadd.f32 v31, v7;
	v6 =	vadd.f32 v36, v6  }
0x83: {  	v62 =	vld [tilespmem:$0xCBE0];
	v5 =	vadd.f32 v39, v5;
	v4 =	vadd.f32 v55, v4  }
0x84: {  	p0 =	sne.s32 s30, $0xC4;
	v63 =	vld [tilespmem:$0xCBF0];
	v3 =	vadd.f32 v57, v3;
	v2 =	vadd.f32 v8, v2  }
.Ltmp0:
0x85: {  	v1 =	vadd.f32 v60, v1;
	v0 =	vadd.f32 v61, v0;
	(pc) =	sbr.rel @p0 .LBB2_2-.Ltmp0, $4  }
0x86: {  	v7 =	vadd.f32 v34, v7;
	v6 =	vadd.f32 v38, v6  }
0x87: {  	v5 =	vadd.f32 v54, v5;
	v4 =	vadd.f32 v56, v4  }
0x88: {  	v3 =	vadd.f32 v58, v3;
	v2 =	vadd.f32 v59, v2  }
0x89: {  	s29 =	sadd.s32 $0x200, s29;
	s28 =	sadd.s32 $0x200, s28;
	s30 =	sadd.s32 $0x4, s30;
	v1 =	vadd.f32 v62, v1;
	v0 =	vadd.f32 v63, v0  }
0x8a: {  	_ =	swait.ge [sflag:s21], $0x80  }
0x8b: {  	[sflag:s21] =	ssyncset.done $0x0  }
0x8c: {  	[sflag:s21] =	ssyncadd.s32 $0xFFFFFF80  }
0x8d: {  	_ =	swait.ge [sflag:s21], $0x80  }
0x8e: {  	v6 =	vadd.f32 v6, v7;
	[sflag:s21] =	ssyncset.done $0x0  }
0x8f: {  	[sflag:s21] =	ssyncadd.s32 $0xFFFFFF80  }
0x90: {  	v5 =	vadd.f32 v5, v6;
	_ =	swait.ge [sflag:s22], $0x80  }
0x91: {  	[sflag:s22] =	ssyncset.done $0x0  }
0x92: {  	v4 =	vadd.f32 v4, v5;
	[sflag:s22] =	ssyncadd.s32 $0xFFFFFF80  }
0x93: {  	_ =	swait.ge [sflag:s22], $0x80  }
0x94: {  	v3 =	vadd.f32 v3, v4;
	[sflag:s22] =	ssyncset.done $0x0  }
0x95: {  	[sflag:s22] =	ssyncadd.s32 $0xFFFFFF80  }
0x96: {  	v2 =	vadd.f32 v2, v3;
	_ =	swait.ge [sflag:s23], $0x80  }
0x97: {  	[sflag:s23] =	ssyncset.done $0x0  }
0x98: {  	v1 =	vadd.f32 v1, v2;
	[sflag:s23] =	ssyncadd.s32 $0xFFFFFF80  }
0x99: {  	_ =	swait.ge [sflag:s23], $0x80  }
0x9a: {  	s26 =	sadd.s32 $0x1, s26;
	v0 =	vadd.f32 v0, v1;
	[sflag:s23] =	ssyncset.done $0x0  }
0x9b: {  	p0 =	sne.s32 s26, s8;
	[sflag:s23] =	ssyncadd.s32 $0xFFFFFF80  }
.Ltmp1:
0x9c: {  	[tilespmem:$0xCC00] =	vst v0;
	(pc) =	sbr.rel @p0 .LBB2_1-.Ltmp1, $4  }
0x9d: {  	[hbm4b:s7+s2] =	stream.linear.scatter [tilespmem:s25], [sflag:$0x5], $0x10, $0x38;
	[tilespmem:$0xCC10] =	vst v63  }
0x9e: {  	_ =	swait.ge [sflag:s9], $0x10  }
0x9f: {  	[sflag:s9] =	ssyncset.done $0x0  }
0xa0: {  	[sflag:s9] =	ssyncadd.s32 $0xFFFFFFF0  }
0xa1: {  	_ =	sfence.sel $0x180000  }
0xa2: {  	[bflag:$0x0] =	sbarrier.arrive $0xFFFF  }
0xa3: {  	_ =	strace $0x9000004A  }
0xa4: {  	[bflag:$0x2] =	sbarrier.arrive $0xFFFF  }
0xa5: {  	p0 =	sne.s32 s1, $0x0;
	s0 =	rddreg [dreg:$0x1]  }
0xa6: {  	s0 =	sadd.s32 @!p0 $0x100000, s0  }
0xa7: {  	[sflag:s0] =	ssyncadd.tile.s32 @!p0 $0x1;
	_ =	shalt  }
.Lfunc_end2:
_tile_overlayer_lowered:
.L_overlay_start_2:
0xa8: {  	(tag) =	ssettag $0x2  }
0xa9: {  	s0 =	rddreg [dreg:$0x0];
	s2 =	stileid.u32  }
0xaa: {  	s1 =	rddreg [dreg:$0x1];
	p0 =	sne.s32 s2, $0x0  }
0xab: {  	s3 =	rddreg [dreg:$0x2];
	[bflag:$0x3] =	sbarrier.arrive $0xFFFF;
	s2 =	simm.s32 @!p0 $0x1C05  }
0xac: {  	[timem:s3], [sflag:s2] =	dma.local @!p0 [hbm:s0], s1  }
0xad: {  	s0 =	simm.s32 @!p0 $0x5  }
0xae: {  	_ =	swait.ge @!p0 [sflag:s0], s1  }
0xaf: {  	s1 =	ssub.s32 @!p0 $0x0, s1;
	[sflag:s0] =	ssyncset.done @!p0 $0x0  }
0xb0: {  	[sflag:s0] =	ssyncadd.s32 @!p0 s1  }
0xb1: {  	[bflag:$0x3] =	sbarrier.arrive $0xFFFF  }
0xb2: {  	_ =	shalt  }

// kernel: kernel.7.cloned.1.call-start
scs
__scs_entry_jumppad:
0x0: {  	(pc) =	sbr.rel $0x88, $3  }
0x1: {  	(tag) =	ssettag $0x0;
	lr =	simm.s32 $0x1  }
0x2: {  	[smem:$0x3F9B] =	sst lr;
	_ =	strace $0xD0000000  }
0x3: {  	_ = 	snop  }
0x4: {  	_ = 	snop  }
0x5: {  	_ = 	snop  }
0x6: {  	_ = 	snop  }
0x7: {  	_ = 	snop  }
__scs_overlays_trampoline_lowered:
0x8: {  	[smem:$0x3FAA] =	sst s0  }
0x9: {  	[smem:$0x3FAB] =	sst s1  }
0xa: {  	[smem:$0x3FAC] =	sst s2  }
0xb: {  	[smem:$0x3FAD] =	sst s3  }
0xc: {  	[smem:$0x3FAE] =	sst s4  }
0xd: {  	[smem:$0x3FAF] =	sst s5  }
0xe: {  	[smem:$0x3FB0] =	sst s6  }
0xf: {  	[smem:$0x3FB1] =	sst s7  }
0x10: {  	[smem:$0x3FB2] =	sst s8  }
0x11: {  	[smem:$0x3FB3] =	sst s9;
	s0 =	simm.s32 @!p0 $0x0  }
0x12: {  	s1 =	sld [smem:$0x3F99];
	s0 =	simm.s32 @p0 $0x1  }
0x13: {  	[smem:$0x3FB4] =	sst s0;
	s0 =	simm.s32 @!p1 $0x0  }
0x14: {  	s2 =	sld [smem:$0x3F98];
	s0 =	simm.s32 @p1 $0x1  }
0x15: {  	[smem:$0x3FB5] =	sst s0;
	s0 =	simm.s32 @!p2 $0x0  }
0x16: {  	s3 =	sld [smem:$0x3FDB];
	s0 =	simm.s32 @p2 $0x1  }
0x17: {  	s4 =	simm.s32 $0x1BF5;
	[smem:$0x3FB7] =	sst s0  }
0x18: {  	s0 =	sld [smem:$0x3F9A];
	_ =	swait.ge [sflag:s4], $0x0  }
0x19: {  	s7 =	sld [smem:$0x3F9B]  }
0x1a: {  	s8 =	sadd.s32 $0xFFFFE003, lr  }
0x1b: {  	s9 =	sadd.s32 $0xFFFFFEF7, lr;
	s5 =	simm.s32 $0xFFFFFFFF;
	p2 =	slt.u32 s8, $0xFFFFF086  }
0x1c: {  	p1 =	slt.u32 s9, $0xF7A;
	s5 =	simm.s32 @!p2 $0x0  }
0x1d: {  	s5 =	simm.s32 @p1 $0x1;
	p0 =	seq.s32 s7, s2  }
0x1e: {  	s7 =	smul.u32 @!p0 $0xF7A, s2;
	p2 =	seq.s32 @!p0 s5, $0x0  }
0x1f: {  	s9 =	smul.u32 $0xF7A, s1;
	s8 =	simm.s32 @!p0 $0x1BF5;
	p2 =	por !p2, p0  }
0x20: {  	[sflag:s8] =	ssyncset.s32 @!p0 $0xFFFFF086;
	s6 =	sadd.s32 @!p0 s3, s7;
	s7 =	simm.s32 @!p0 $0x108  }
0x21: {  	s3 =	sadd.s32 s3, s9;
	s6 =	sadd.s32 @!p0 $0x88, s6;
	s7 =	simm.s32 @p2 $0x1082  }
0x22: {  	[simem:s7], [sflag:s8] =	dma.local @!p0 [hbm:s6], $0xF7A  }
0x23: {  	s9 =	sor.u32 $0xD0000000, s2;
	s6 =	simm.s32 $0x108;
	_ =	swait.ge @!p0 [sflag:s8], $0x0  }
0x24: {  	s3 =	sadd.s32 $0x88, s3;
	s6 =	simm.s32 @!p1 $0x1082;
	[sflag:s4] =	ssyncset.s32 $0xFFFFF086  }
0x25: {  	[simem:s6], [sflag:s4] =	dma.local [hbm:s3], $0xF7A  }
0x26: {  	[smem:$0x3F9B] =	sst s1;
	(tag) =	ssettag s2;
	_ =	strace s9  }
0x27: {  	s1 =	sld [smem:$0x3FAB]  }
0x28: {  	s2 =	sld [smem:$0x3FAC]  }
0x29: {  	s4 =	sld [smem:$0x3FAE]  }
0x2a: {  	p0 =	seq.s32 s5, $0x0;
	s5 =	sld [smem:$0x3FAF]  }
0x2b: {  	s6 =	sld [smem:$0x3FB0]  }
0x2c: {  	s7 =	sld [smem:$0x3FB1]  }
0x2d: {  	s3 =	simm.s32 $0x108;
	s8 =	sld [smem:$0x3FB2]  }
0x2e: {  	s3 =	simm.s32 @!p0 $0x1082;
	s9 =	sld [smem:$0x3FB3]  }
0x2f: {  	lr =	sadd.s32 s0, s3;
	s0 =	sld [smem:$0x3FAA]  }
0x30: {  	s3 =	sld [smem:$0x3FAD]  }
0x31: {  	[smem:$0x3FB6] =	sst s10  }
0x32: {  	s10 =	sld [smem:$0x3FB4];
	_ =	sdelay $0x3  }
0x33: {  	p0 =	seq.s32 s10, $0x1;
	s10 =	sld [smem:$0x3FB6];
	_ =	sdelay $0x3  }
0x34: {  	[smem:$0x3FB6] =	sst s10  }
0x35: {  	s10 =	sld [smem:$0x3FB5];
	_ =	sdelay $0x3  }
0x36: {  	p1 =	seq.s32 s10, $0x1;
	s10 =	sld [smem:$0x3FB6];
	_ =	sdelay $0x3  }
0x37: {  	[smem:$0x3FB6] =	sst s10  }
0x38: {  	s10 =	sld [smem:$0x3FB7]  }
0x39: {  	_ = 	snop;
	(pc) =	sbr.ind lr, $3  }
0x3a: {  	_ = 	snop  }
0x3b: {  	_ = 	snop  }
0x3c: {  	p2 =	seq.s32 s10, $0x1;
	s10 =	sld [smem:$0x3FB6]  }
0x3d: {  	_ =	shalt  }
0x3e: {  	_ =	shalt  }
0x3f: {  	_ =	shalt  }
0x40: {  	_ =	shalt  }
0x41: {  	_ =	shalt  }
0x42: {  	_ =	shalt  }
0x43: {  	_ =	shalt  }
0x44: {  	_ =	shalt  }
0x45: {  	_ =	shalt  }
0x46: {  	_ =	shalt  }
0x47: {  	_ =	shalt  }
0x48: {  	_ =	shalt  }
0x49: {  	_ =	shalt  }
0x4a: {  	_ =	shalt  }
0x4b: {  	_ =	shalt  }
0x4c: {  	_ =	shalt  }
0x4d: {  	_ =	shalt  }
0x4e: {  	_ =	shalt  }
0x4f: {  	_ =	shalt  }
0x50: {  	_ =	shalt  }
0x51: {  	_ =	shalt  }
0x52: {  	_ =	shalt  }
0x53: {  	_ =	shalt  }
0x54: {  	_ =	shalt  }
0x55: {  	_ =	shalt  }
0x56: {  	_ =	shalt  }
0x57: {  	_ =	shalt  }
0x58: {  	_ =	shalt  }
0x59: {  	_ =	shalt  }
0x5a: {  	_ =	shalt  }
0x5b: {  	_ =	shalt  }
0x5c: {  	_ =	shalt  }
0x5d: {  	_ =	shalt  }
0x5e: {  	_ =	shalt  }
0x5f: {  	_ =	shalt  }
0x60: {  	_ =	shalt  }
0x61: {  	_ =	shalt  }
0x62: {  	_ =	shalt  }
0x63: {  	_ =	shalt  }
0x64: {  	_ =	shalt  }
0x65: {  	_ =	shalt  }
0x66: {  	_ =	shalt  }
0x67: {  	_ =	shalt  }
0x68: {  	_ =	shalt  }
0x69: {  	_ =	shalt  }
0x6a: {  	_ =	shalt  }
0x6b: {  	_ =	shalt  }
0x6c: {  	_ =	shalt  }
0x6d: {  	_ =	shalt  }
0x6e: {  	_ =	shalt  }
0x6f: {  	_ =	shalt  }
0x70: {  	_ =	shalt  }
0x71: {  	_ =	shalt  }
0x72: {  	_ =	shalt  }
0x73: {  	_ =	shalt  }
0x74: {  	_ =	shalt  }
0x75: {  	_ =	shalt  }
0x76: {  	_ =	shalt  }
0x77: {  	_ =	shalt  }
0x78: {  	_ =	shalt  }
0x79: {  	_ =	shalt  }
0x7a: {  	_ =	shalt  }
0x7b: {  	_ =	shalt  }
0x7c: {  	_ =	shalt  }
0x7d: {  	_ =	shalt  }
0x7e: {  	_ =	shalt  }
0x7f: {  	_ =	shalt  }
0x80: {  	_ =	shalt  }
0x81: {  	_ =	shalt  }
0x82: {  	_ =	shalt  }
0x83: {  	_ =	shalt  }
0x84: {  	_ =	shalt  }
0x85: {  	_ =	shalt  }
0x86: {  	_ =	shalt  }
0x87: {  	_ =	shalt  }
.Lfunc_end0:
.L_simem_size_0:
called_computation.1_lowered:
.L_overlay_start_0:
0x88: {  	s2 =	sld [smem:$0x3FD9]  }
0x89: {  	s3 =	sld [smem:$0x3FFE];
	_ =	sdelay $0x1  }
0x8a: {  	s1 =	srdreg.scid  }
0x8b: {  	s0 =	sand.u32 $0x1, s1  }
0x8c: {  	s16 =	sshll.u32 s0, $0xA;
	s2 =	sadd.s32 s3, s2  }
0x8d: {  	s2 =	sadd.s32 s2, s16  }
0x8e: {  	[smem:$0x3FC2] =	sst s2  }
0x8f: {  	_ = 	snop  }
0x90: {  	(tm) =	ssettm $0x1  }
0x91: {  	s17 =	sld [smem:$0x3FFB];
	_ =	sdelay $0x3  }
0x92: {  	_ =	strace s17  }
0x93: {  	s2 =	sld [smem:$0x3FFC];
	_ =	sdelay $0x3  }
0x94: {  	_ =	strace s2  }
0x95: {  	s2 =	sld [smem:$0x3FFD];
	_ =	sdelay $0x3  }
0x96: {  	_ =	strace s2  }
0x97: {  	_ =	strace $0x8FFFFFFF  }
0x98: {  	s18 =	sld [smem:$0x3FDB];
	_ =	sdelay $0x1  }
0x99: {  	s19 =	simm.s32 $_scs_section_size  }
0x9a: {  	s4 =	simm.s32 $_size__tile_overlayer_lowered;
	s5 =	simm.s32 $_tile_overlayer_lowered  }
0x9b: {  	s22 =	simm.s32 $0x1BFF;
	s21 =	sshll.u32 s5, $0x1;
	s2 =	sadd.s32 s19, s18  }
0x9c: {  	s6 =	simm.s32 $0x0;
	s20 =	sshll.u32 s4, $0x1;
	s4 =	sadd.s32 s21, s2  }
0x9d: {  	[timem:s6], [sflag:s22] =	dma.local [hbm:s4], s20  }
0x9e: {  	_ =	swait.ge [sflag:s22], s20  }
0x9f: {  	s3 =	ssub.s32 $0x0, s20;
	[sflag:s22] =	ssyncset.done $0x0  }
0xa0: {  	[sflag:s22] =	ssyncadd.s32 s3;
	_ =	sdelay $0x1  }
0xa1: {  	s23 =	simm.s32 $0x1B8B  }
0xa2: {  	_ =	swait.ge [sflag:s23], $0x1  }
0xa3: {  	[sflag:s23] =	ssyncset.done $0x0  }
0xa4: {  	s25 =	simm.s32 $0x1B8E;
	s24 =	sld [smem:$0x3FFE];
	[sflag:s23] =	ssyncadd.s32 $0xFFFFFFFF  }
0xa5: {  	s26 =	simm.s32 $execute0_lowered;
	[smem:$0x3FD2] =	sst s25  }
0xa6: {  	s4 =	sshll.u32 s26, $0x1;
	_ =	strace $0x80000046;
	[dreg:$0x1] =	wrdreg $0xFFFFFFFF  }
0xa7: {  	s28 =	simm.s32 $_size_execute0_lowered;
	s2 =	sadd.s32 s2, s4;
	[dreg:$0x0] =	wrdreg $0x0  }
0xa8: {  	s4 =	sshll.u32 s28, $0x1;
	[dreg:$0x2] =	wrdreg s2  }
0xa9: {  	[dreg:$0x3] =	wrdreg s4  }
0xaa: {  	[dreg:$0x4] =	wrdreg $0xC0  }
0xab: {  	_ =	task [dreg:s6], $0x5FFFF  }
0xac: {  	[dreg:$0x1] =	wrdreg $0xFFFFFFFF  }
0xad: {  	[dreg:$0x0] =	wrdreg $0x60  }
0xae: {  	[dreg:$0x2] =	wrdreg s24  }
0xaf: {  	[dreg:$0x3] =	wrdreg $0xA  }
0xb0: {  	_ =	task.clear_ibuf [dreg:s6], $0x4FFFF;
	_ =	strace $0x90000046  }
0xb1: {  	s29 =	simm.s32 $0xA;
	_ =	strace $0x80000048  }
0xb2: {  	_ =	swait.ge [sflag:s29], $0x1  }
0xb3: {  	[sflag:s29] =	ssyncadd.s32 $0xFFFFFFFF  }
0xb4: {  	_ =	strace $0x90000048  }
0xb5: {  	_ =	sfence  }
0xb6: {  	s30 =	sld [smem:$0x0];
	_ =	sdelay $0x2  }
0xb7: {  	s31 =	sshll.u32 s1, $0xD;
	s1 =	sshrl.u32 s1, $0x2  }
0xb8: {  	s3 =	sand.u32 $0x4000, s31;
	s1 =	sadd.s32 s1, s30  }
0xb9: {  	s0 =	sor.u32 s3, s0;
	s1 =	sshll.u32 s1, $0x11  }
0xba: {  	s0 =	sor.u32 s1, s0  }
0xbb: {  	s0 =	sadd.s32 $0x8F2B, s0  }
0xbc: {  	[sflag:s0] =	ssyncadd.remote.s32 $0x1  }
0xbd: {  	_ =	sfence.sel $0xFFFF  }
0xbe: {  	[dreg:$0x0] =	wrdreg $0xFFFFFFFF;
	(pc) =	sbr.abs _section_cstart, $3  }
0xbf: {  	[dreg:$0x1] =	wrdreg $0xFFFFFFFF  }
0xc0: {  	_ =	task.clear_ibuf [dreg:s6], $0x2FFFF;
	_ =	strace $0x9FFFFFFF  }
0xc1: {  	(tm) =	ssettm $0x7FFFFFFF  }
tec
execute0_lowered:
.L_overlay_start_1:
0x0: {  	(tag) =	ssettag $0x1  }
0x1: {  	s0 =	rddreg [dreg:$0x0];
	s2 =	simm.s32 $0x0  }
0x2: {  	s1 =	srdreg.scid;
	s3 =	stileid.u32;
	s9 =	simm.s32 $0x5  }
0x3: {  	s10 =	simm.s32 $0x6400;
	s11 =	simm.s32 $0x80;
	s12 =	simm.s32 $0xC800  }
0x4: {  	s13 =	simm.s32 $0x14800;
	s14 =	simm.s32 $0xE800;
	s15 =	simm.s32 $0x6480  }
0x5: {  	s16 =	simm.s32 $0x16800;
	s17 =	simm.s32 $0x100;
	s18 =	simm.s32 $0x10800  }
0x6: {  	s19 =	simm.s32 $0x6500;
	s20 =	simm.s32 $0x18800;
	s21 =	simm.s32 $0x12800  }
0x7: {  	s22 =	simm.s32 $0x1A800;
	s23 =	simm.s32 $0x1;
	s24 =	simm.s32 $0x2  }
0x8: {  	s25 =	simm.s32 $0x3;
	s26 =	simm.s32 $0x4;
	s28 =	simm.s32 $0x1C800  }
0x9: {  	s29 =	simm.s32 $0x0;
	s1 =	sand.u32 $0x1, s1;
	s3 =	sshll.u32 s3, $0x1  }
0xa: {  	[smem:$0x7FF] =	sst s2;
	s4 =	sadd.s32 $0xF74400, s0;
	s5 =	sor.u32 s1, s3  }
0xb: {  	_ =	strace $0x80000047;
	s1 =	ssub.s32 $0x2, s1;
	s6 =	smul.u32 $0xC80, s5  }
0xc: {  	s3 =	sadd.s32 $0x1715600, s0;
	s5 =	sshll.u32 s5, $0x1;
	s8 =	sshrl.u32 s1, $0x1  }
0xd: {  	s7 =	sadd.s32 s5, s0;
	s31 =	ssub.s32 s1, s8;
	s5 =	sadd.s32 s0, s6  }
0xe: {  	s7 =	sadd.s32 $0x32000, s7;
	s8 =	smax.u32 s31, $0x1;
	s6 =	sadd.s32 $0x19000, s5  }
.LBB2_1:
0xf: {  	[tilespmem:s2], [sflag:$0x5] =	stream.linear.gather [hbm4b:s6+s2], $0x6400, $0x38;
	[tilespmem:$0x1C810] =	vst v63  }
0x10: {  	_ =	swait.ge [sflag:s9], $0x6400  }
0x11: {  	[sflag:s9] =	ssyncset.done $0x0  }
0x12: {  	[sflag:s9] =	ssyncadd.s32 $0xFFFF9C00  }
0x13: {  	[tilespmem:s10], [sflag:$0x5] =	stream.linear.gather [hbm4b:s5+s2], $0x6400, $0x38;
	[tilespmem:$0x1C810] =	vst v63  }
0x14: {  	_ =	swait.ge [sflag:s9], $0x6400  }
0x15: {  	[sflag:s9] =	ssyncset.done $0x0  }
0x16: {  	[sflag:s9] =	ssyncadd.s32 $0xFFFF9C00  }
0x17: {  	[tilespmem:s12], [sflag:$0x1] =	stream.indirect.gather [hbm4b:s3+s11], $0x40, s2, s11, $0xb8;
	[tilespmem:$0x1C810] =	vst v63  }
0x18: {  	_ = 	snop  }
0x19: {  	[tilespmem:s13], [sflag:$0x1] =	stream.indirect.gather [hbm4b:s4+s11], $0x40, s10, s11, $0xb8;
	[tilespmem:$0x1C810] =	vst v63  }
0x1a: {  	_ = 	snop  }
0x1b: {  	[tilespmem:s14], [sflag:$0x2] =	stream.indirect.gather [hbm4b:s3+s11], $0x40, s11, s11, $0xb8;
	[tilespmem:$0x1C810] =	vst v63  }
0x1c: {  	_ = 	snop  }
0x1d: {  	[tilespmem:s16], [sflag:$0x2] =	stream.indirect.gather [hbm4b:s4+s11], $0x40, s15, s11, $0xb8;
	[tilespmem:$0x1C810] =	vst v63  }
0x1e: {  	_ = 	snop  }
0x1f: {  	v0 =	vimm.f32 $0.0e+00;
	v1 =	vimm.f32 $0.0e+00;
	[tilespmem:s18], [sflag:$0x3] =	stream.indirect.gather [hbm4b:s3+s11], $0x40, s17, s11, $0xb8;
	[tilespmem:$0x1C810] =	vst v63  }
0x20: {  	v2 =	vimm.f32 $0.0e+00;
	v3 =	vimm.f32 $0.0e+00;
	v4 =	vimm.f32 $0.0e+00;
	s30 =	simm.s32 $0x0  }
0x21: {  	v5 =	vimm.f32 $0.0e+00;
	v6 =	vimm.f32 $0.0e+00;
	v7 =	vimm.f32 $0.0e+00;
	[tilespmem:s20], [sflag:$0x3] =	stream.indirect.gather [hbm4b:s4+s11], $0x40, s19, s11, $0xb8;
	[tilespmem:$0x1C810] =	vst v63  }
.LBB2_2:
0x22: {  	s0 =	sshll.u32 s30, $0x9  }
0x23: {  	s1 =	sor.u32 $0x180, s0  }
0x24: {  	[tilespmem:s21], [sflag:$0x4] =	stream.indirect.gather [hbm4b:s3+s11], $0x40, s1, s11, $0xb8;
	[tilespmem:$0x1C810] =	vst v63  }
0x25: {  	s0 =	sadd.s32 $0x6580, s0  }
0x26: {  	[tilespmem:s22], [sflag:$0x4] =	stream.indirect.gather [hbm4b:s4+s11], $0x40, s0, s11, $0xb8;
	[tilespmem:$0x1C810] =	vst v63  }
0x27: {  	_ =	swait.ge [sflag:s23], $0x2000  }
0x28: {  	[sflag:s23] =	ssyncset.done $0x0  }
0x29: {  	[sflag:s23] =	ssyncadd.s32 $0xFFFFE000  }
0x2a: {  	_ =	swait.ge [sflag:s23], $0x2000  }
0x2b: {  	[sflag:s23] =	ssyncset.done $0x0  }
0x2c: {  	s0 =	simm.s32 $0x0;
	[sflag:s23] =	ssyncadd.s32 $0xFFFFE000  }
0x2d: {  	v8 =	vld [tilespmem:s0+$0xC880]  }
0x2e: {  	v9 =	vld [tilespmem:s0+$0x14880]  }
0x2f: {  	v13 =	vld [tilespmem:s0+$0xC890]  }
0x30: {  	v14 =	vld [tilespmem:s0+$0x14890]  }
0x31: {  	v15 =	vld [tilespmem:s0+$0xC8A0]  }
0x32: {  	v16 =	vld [tilespmem:s0+$0x148A0]  }
0x33: {  	v17 =	vld [tilespmem:s0+$0xC8B0]  }
0x34: {  	v19 =	vld [tilespmem:s0+$0x148B0]  }
0x35: {  	v36 =	vld [tilespmem:s0+$0xC8C0]  }
0x36: {  	v37 =	vld [tilespmem:s0+$0x148C0]  }
0x37: {  	v38 =	vld [tilespmem:s0+$0xC8D0]  }
0x38: {  	v39 =	vld [tilespmem:s0+$0x148D0]  }
0x39: {  	v10 =	vld [tilespmem:s0+$0xC8E0]  }
0x3a: {  	v12 =	vld [tilespmem:s0+$0x148E0]  }
0x3b: {  	v11 =	vld [tilespmem:s0+$0xC800]  }
0x3c: {  	v18 =	vld [tilespmem:s0+$0x14800]  }
0x3d: {  	v20 =	vld [tilespmem:s0+$0xC810]  }
0x3e: {  	v30 =	vld [tilespmem:s0+$0x14810]  }
0x3f: {  	v22 =	vld [tilespmem:s0+$0xC820]  }
0x40: {  	v32 =	vld [tilespmem:s0+$0x14820]  }
0x41: {  	v33 =	vld [tilespmem:s0+$0xC830]  }
0x42: {  	v35 =	vld [tilespmem:s0+$0x14830]  }
0x43: {  	v23 =	vld [tilespmem:s0+$0xC840]  }
0x44: {  	v34 =	vld [tilespmem:s0+$0x14840]  }
0x45: {  	v21 =	vld [tilespmem:s0+$0xC850]  }
0x46: {  	v26 =	vld [tilespmem:s0+$0x14850]  }
0x47: {  	v24 =	vld [tilespmem:s0+$0xC860];
	v28 =	vmul.f32 v9, v8;
	v25 =	vmul.f32 v14, v13  }
0x48: {  	v31 =	vld [tilespmem:s0+$0x14860];
	v27 =	vmul.f32 v16, v15;
	v19 =	vmul.f32 v19, v17  }
0x49: {  	s31 =	simm.s32 $0x400;
	v29 =	vld [tilespmem:s0+$0xC870];
	v17 =	vmul.f32 v37, v36;
	v16 =	vmul.f32 v39, v38  }
.LBB2_3:
0x4a: {  	p0 =	sne.s32 s31, $0x7C00;
	v8 =	vmul.f32 v18, v11;
	v9 =	vmul.f32 v30, v20;
	v11 =	vld [tilespmem:s0+$0x14870]  }
0x4b: {  	v13 =	vmul.f32 v32, v22;
	v14 =	vmul.f32 v35, v33;
	v15 =	vld [tilespmem:s0+$0xC8F0]  }
0x4c: {  	v7 =	vadd.f32 v8, v7;
	v6 =	vadd.f32 v9, v6;
	v8 =	vmul.f32 v34, v23;
	v9 =	vld [tilespmem:s0+$0x148F0];
	s0 =	sshra.s32 s31, $0x2  }
0x4d: {  	v5 =	vadd.f32 v13, v5;
	v4 =	vadd.f32 v14, v4;
	v13 =	vmul.f32 v26, v21;
	v36 =	vld [tilespmem:s0+$0xC880]  }
0x4e: {  	v18 =	vmul.f32 v31, v24;
	v14 =	vld [tilespmem:s0+$0x14880];
	v7 =	vadd.f32 v28, v7;
	v6 =	vadd.f32 v25, v6  }
0x4f: {  	v5 =	vadd.f32 v27, v5;
	v4 =	vadd.f32 v19, v4;
	v25 =	vld [tilespmem:s0+$0xC890];
	v11 =	vmul.f32 v11, v29  }
0x50: {  	v3 =	vadd.f32 v8, v3;
	v2 =	vadd.f32 v13, v2;
	v8 =	vmul.f32 v12, v10;
	v19 =	vld [tilespmem:s0+$0x14890]  }
0x51: {  	v1 =	vadd.f32 v18, v1;
	v13 =	vld [tilespmem:s0+$0xC8A0];
	v0 =	vadd.f32 v11, v0;
	v9 =	vmul.f32 v9, v15  }
0x52: {  	v3 =	vadd.f32 v17, v3;
	v2 =	vadd.f32 v16, v2;
	v15 =	vld [tilespmem:s0+$0x148A0]  }
0x53: {  	v1 =	vadd.f32 v8, v1;
	v16 =	vld [tilespmem:s0+$0xC8B0];
	v0 =	vadd.f32 v9, v0  }
0x54: {  	v8 =	vld [tilespmem:s0+$0x148B0]  }
0x55: {  	v9 =	vld [tilespmem:s0+$0xC8C0]  }
0x56: {  	v17 =	vld [tilespmem:s0+$0x148C0]  }
0x57: {  	v37 =	vld [tilespmem:s0+$0xC8D0]  }
0x58: {  	v38 =	vld [tilespmem:s0+$0x148D0]  }
0x59: {  	v10 =	vld [tilespmem:s0+$0xC8E0]  }
0x5a: {  	v12 =	vld [tilespmem:s0+$0x148E0]  }
0x5b: {  	v11 =	vld [tilespmem:s0+$0xC800]  }
0x5c: {  	v18 =	vld [tilespmem:s0+$0x14800]  }
0x5d: {  	v20 =	vld [tilespmem:s0+$0xC810]  }
0x5e: {  	v30 =	vld [tilespmem:s0+$0x14810]  }
0x5f: {  	v22 =	vld [tilespmem:s0+$0xC820]  }
0x60: {  	v32 =	vld [tilespmem:s0+$0x14820]  }
0x61: {  	v33 =	vld [tilespmem:s0+$0xC830]  }
0x62: {  	v35 =	vld [tilespmem:s0+$0x14830]  }
0x63: {  	v23 =	vld [tilespmem:s0+$0xC840]  }
0x64: {  	v34 =	vld [tilespmem:s0+$0x14840]  }
.Ltmp0:
0x65: {  	v21 =	vld [tilespmem:s0+$0xC850];
	(pc) =	sbr.rel @p0 .LBB2_3-.Ltmp0, $4  }
0x66: {  	v26 =	vld [tilespmem:s0+$0x14850]  }
0x67: {  	v28 =	vmul.f32 v14, v36;
	v25 =	vmul.f32 v19, v25;
	v24 =	vld [tilespmem:s0+$0xC860]  }
0x68: {  	v27 =	vmul.f32 v15, v13;
	v19 =	vmul.f32 v8, v16;
	v31 =	vld [tilespmem:s0+$0x14860]  }
0x69: {  	s31 =	sadd.s32 $0x400, s31;
	v17 =	vmul.f32 v17, v9;
	v16 =	vmul.f32 v38, v37;
	v29 =	vld [tilespmem:s0+$0xC870]  }
0x6a: {  	s31 =	sshll.u32 s30, $0x2  }
0x6b: {  	v36 =	vld [tilespmem:s0+$0x14870];
	s1 =	smin.u32 s31, $0xC3  }
0x6c: {  	v37 =	vld [tilespmem:s0+$0xC8F0];
	s1 =	sshll.u32 s1, $0x7  }
0x6d: {  	v38 =	vld [tilespmem:s0+$0x148F0];
	s0 =	sadd.s32 $0x200, s1  }
0x6e: {  	[tilespmem:s12], [sflag:$0x1] =	stream.indirect.gather [hbm4b:s3+s11], $0x40, s0, s11, $0xb8;
	[tilespmem:$0x1C810] =	vst v63  }
0x6f: {  	s1 =	sadd.s32 $0x6600, s1  }
0x70: {  	[tilespmem:s13], [sflag:$0x1] =	stream.indirect.gather [hbm4b:s4+s11], $0x40, s1, s11, $0xb8;
	[tilespmem:$0x1C810] =	vst v63  }
0x71: {  	_ =	swait.ge [sflag:s24], $0x2000  }
0x72: {  	[sflag:s24] =	ssyncset.done $0x0  }
0x73: {  	[sflag:s24] =	ssyncadd.s32 $0xFFFFE000  }
0x74: {  	_ =	swait.ge [sflag:s24], $0x2000  }
0x75: {  	[sflag:s24] =	ssyncset.done $0x0  }
0x76: {  	s0 =	simm.s32 $0x0;
	[sflag:s24] =	ssyncadd.s32 $0xFFFFE000  }
0x77: {  	v39 =	vld [tilespmem:s0+$0xE880]  }
0x78: {  	v40 =	vld [tilespmem:s0+$0x16880]  }
0x79: {  	v41 =	vld [tilespmem:s0+$0xE890]  }
0x7a: {  	v42 =	vld [tilespmem:s0+$0x16890]  }
0x7b: {  	v43 =	vld [tilespmem:s0+$0xE8A0]  }
0x7c: {  	v44 =	vld [tilespmem:s0+$0x168A0]  }
0x7d: {  	v45 =	vld [tilespmem:s0+$0xE8B0]  }
0x7e: {  	v46 =	vld [tilespmem:s0+$0x168B0]  }
0x7f: {  	v47 =	vld [tilespmem:s0+$0xE8C0]  }
0x80: {  	v48 =	vld [tilespmem:s0+$0x168C0]  }
0x81: {  	v49 =	vld [tilespmem:s0+$0xE8D0]  }
0x82: {  	v50 =	vld [tilespmem:s0+$0x168D0]  }
0x83: {  	v8 =	vld [tilespmem:s0+$0xE8E0]  }
0x84: {  	v9 =	vld [tilespmem:s0+$0x168E0]  }
0x85: {  	v13 =	vld [tilespmem:s0+$0xE800]  }
0x86: {  	v14 =	vld [tilespmem:s0+$0x16800]  }
0x87: {  	v15 =	vld [tilespmem:s0+$0xE810]  }
0x88: {  	v11 =	vmul.f32 v18, v11;
	v30 =	vmul.f32 v30, v20;
	v18 =	vld [tilespmem:s0+$0x16810]  }
0x89: {  	v32 =	vmul.f32 v32, v22;
	v33 =	vmul.f32 v35, v33;
	v20 =	vld [tilespmem:s0+$0xE820]  }
0x8a: {  	v7 =	vadd.f32 v11, v7;
	v6 =	vadd.f32 v30, v6;
	v22 =	vld [tilespmem:s0+$0x16820]  }
0x8b: {  	v30 =	vmul.f32 v34, v23;
	v5 =	vadd.f32 v32, v5;
	v63 =	vadd.f32 v33, v4;
	v23 =	vld [tilespmem:s0+$0xE830]  }
0x8c: {  	v21 =	vmul.f32 v26, v21;
	v7 =	vadd.f32 v28, v7;
	v11 =	vadd.f32 v25, v6;
	v26 =	vld [tilespmem:s0+$0x16830]  }
0x8d: {  	v28 =	vmul.f32 v31, v24;
	v4 =	vadd.f32 v27, v5;
	v6 =	vadd.f32 v19, v63;
	v24 =	vld [tilespmem:s0+$0xE840]  }
0x8e: {  	v3 =	vadd.f32 v30, v3;
	v19 =	vadd.f32 v21, v2;
	v5 =	vmul.f32 v36, v29;
	v29 =	vld [tilespmem:s0+$0x16840]  }
0x8f: {  	v10 =	vmul.f32 v12, v10;
	v1 =	vadd.f32 v28, v1;
	v25 =	vld [tilespmem:s0+$0xE850]  }
0x90: {  	v12 =	vmul.f32 v38, v37;
	v2 =	vadd.f32 v17, v3;
	v3 =	vadd.f32 v16, v19;
	v30 =	vld [tilespmem:s0+$0x16850]  }
0x91: {  	v0 =	vadd.f32 v5, v0;
	v31 =	vld [tilespmem:s0+$0xE860];
	v32 =	vmul.f32 v40, v39;
	v27 =	vmul.f32 v42, v41  }
0x92: {  	v5 =	vadd.f32 v10, v1;
	v35 =	vld [tilespmem:s0+$0x16860];
	v33 =	vmul.f32 v44, v43;
	v28 =	vmul.f32 v46, v45  }
0x93: {  	s1 =	simm.s32 $0x400;
	v10 =	vadd.f32 v12, v0;
	v34 =	vld [tilespmem:s0+$0xE870];
	v21 =	vmul.f32 v48, v47;
	v19 =	vmul.f32 v50, v49  }
.LBB2_5:
0x94: {  	p0 =	sne.s32 s1, $0x7C00;
	v0 =	vmul.f32 v14, v13;
	v1 =	vmul.f32 v18, v15;
	v12 =	vld [tilespmem:s0+$0x16870]  }
0x95: {  	v13 =	vmul.f32 v22, v20;
	v14 =	vmul.f32 v26, v23;
	v15 =	vld [tilespmem:s0+$0xE8F0]  }
0x96: {  	v16 =	vmul.f32 v29, v24;
	v0 =	vadd.f32 v0, v7;
	v1 =	vadd.f32 v1, v11;
	v17 =	vld [tilespmem:s0+$0x168F0];
	s0 =	sshra.s32 s1, $0x2  }
0x97: {  	v4 =	vadd.f32 v13, v4;
	v6 =	vadd.f32 v14, v6;
	v13 =	vmul.f32 v30, v25;
	v36 =	vld [tilespmem:s0+$0xE880]  }
0x98: {  	v14 =	vmul.f32 v35, v31;
	v37 =	vld [tilespmem:s0+$0x16880];
	v7 =	vadd.f32 v32, v0;
	v11 =	vadd.f32 v27, v1  }
0x99: {  	v4 =	vadd.f32 v33, v4;
	v6 =	vadd.f32 v28, v6;
	v0 =	vld [tilespmem:s0+$0xE890];
	v1 =	vmul.f32 v12, v34  }
0x9a: {  	v8 =	vmul.f32 v9, v8;
	v2 =	vadd.f32 v16, v2;
	v3 =	vadd.f32 v13, v3;
	v12 =	vld [tilespmem:s0+$0x16890]  }
0x9b: {  	v5 =	vadd.f32 v14, v5;
	v16 =	vld [tilespmem:s0+$0xE8A0];
	v1 =	vadd.f32 v1, v10;
	v9 =	vmul.f32 v17, v15  }
0x9c: {  	v2 =	vadd.f32 v21, v2;
	v3 =	vadd.f32 v19, v3;
	v17 =	vld [tilespmem:s0+$0x168A0]  }
0x9d: {  	v5 =	vadd.f32 v8, v5;
	v19 =	vld [tilespmem:s0+$0xE8B0];
	v10 =	vadd.f32 v9, v1  }
0x9e: {  	v1 =	vld [tilespmem:s0+$0x168B0]  }
0x9f: {  	v21 =	vld [tilespmem:s0+$0xE8C0]  }
0xa0: {  	v38 =	vld [tilespmem:s0+$0x168C0]  }
0xa1: {  	v39 =	vld [tilespmem:s0+$0xE8D0]  }
0xa2: {  	v40 =	vld [tilespmem:s0+$0x168D0]  }
0xa3: {  	v8 =	vld [tilespmem:s0+$0xE8E0]  }
0xa4: {  	v9 =	vld [tilespmem:s0+$0x168E0]  }
0xa5: {  	v13 =	vld [tilespmem:s0+$0xE800]  }
0xa6: {  	v14 =	vld [tilespmem:s0+$0x16800]  }
0xa7: {  	v15 =	vld [tilespmem:s0+$0xE810]  }
0xa8: {  	v18 =	vld [tilespmem:s0+$0x16810]  }
0xa9: {  	v20 =	vld [tilespmem:s0+$0xE820]  }
0xaa: {  	v22 =	vld [tilespmem:s0+$0x16820]  }
0xab: {  	v23 =	vld [tilespmem:s0+$0xE830]  }
0xac: {  	v26 =	vld [tilespmem:s0+$0x16830]  }
0xad: {  	v24 =	vld [tilespmem:s0+$0xE840]  }
0xae: {  	v29 =	vld [tilespmem:s0+$0x16840]  }
.Ltmp1:
0xaf: {  	v25 =	vld [tilespmem:s0+$0xE850];
	(pc) =	sbr.rel @p0 .LBB2_5-.Ltmp1, $4  }
0xb0: {  	v30 =	vld [tilespmem:s0+$0x16850]  }
0xb1: {  	v32 =	vmul.f32 v37, v36;
	v27 =	vmul.f32 v12, v0;
	v31 =	vld [tilespmem:s0+$0xE860]  }
0xb2: {  	v33 =	vmul.f32 v17, v16;
	v28 =	vmul.f32 v1, v19;
	v35 =	vld [tilespmem:s0+$0x16860]  }
0xb3: {  	s1 =	sadd.s32 $0x400, s1;
	v21 =	vmul.f32 v38, v21;
	v19 =	vmul.f32 v40, v39;
	v34 =	vld [tilespmem:s0+$0xE870]  }
0xb4: {  	v36 =	vld [tilespmem:s0+$0x16870];
	s1 =	smin.u32 s31, $0xC2  }
0xb5: {  	v37 =	vld [tilespmem:s0+$0xE8F0];
	s1 =	sshll.u32 s1, $0x7  }
0xb6: {  	v38 =	vld [tilespmem:s0+$0x168F0];
	s0 =	sadd.s32 $0x280, s1  }
0xb7: {  	[tilespmem:s14], [sflag:$0x2] =	stream.indirect.gather [hbm4b:s3+s11], $0x40, s0, s11, $0xb8;
	[tilespmem:$0x1C810] =	vst v63  }
0xb8: {  	s1 =	sadd.s32 $0x6680, s1  }
0xb9: {  	[tilespmem:s16], [sflag:$0x2] =	stream.indirect.gather [hbm4b:s4+s11], $0x40, s1, s11, $0xb8;
	[tilespmem:$0x1C810] =	vst v63  }
0xba: {  	_ =	swait.ge [sflag:s25], $0x2000  }
0xbb: {  	[sflag:s25] =	ssyncset.done $0x0  }
0xbc: {  	[sflag:s25] =	ssyncadd.s32 $0xFFFFE000  }
0xbd: {  	_ =	swait.ge [sflag:s25], $0x2000  }
0xbe: {  	[sflag:s25] =	ssyncset.done $0x0  }
0xbf: {  	s0 =	simm.s32 $0x0;
	[sflag:s25] =	ssyncadd.s32 $0xFFFFE000  }
0xc0: {  	v39 =	vld [tilespmem:s0+$0x10880]  }
0xc1: {  	v40 =	vld [tilespmem:s0+$0x18880]  }
0xc2: {  	v41 =	vld [tilespmem:s0+$0x10890]  }
0xc3: {  	v42 =	vld [tilespmem:s0+$0x18890]  }
0xc4: {  	v43 =	vld [tilespmem:s0+$0x108A0]  }
0xc5: {  	v44 =	vld [tilespmem:s0+$0x188A0]  }
0xc6: {  	v45 =	vld [tilespmem:s0+$0x108B0]  }
0xc7: {  	v46 =	vld [tilespmem:s0+$0x188B0]  }
0xc8: {  	v47 =	vld [tilespmem:s0+$0x108C0]  }
0xc9: {  	v48 =	vld [tilespmem:s0+$0x188C0]  }
0xca: {  	v49 =	vld [tilespmem:s0+$0x108D0]  }
0xcb: {  	v50 =	vld [tilespmem:s0+$0x188D0]  }
0xcc: {  	v0 =	vld [tilespmem:s0+$0x108E0]  }
0xcd: {  	v1 =	vld [tilespmem:s0+$0x188E0]  }
0xce: {  	v12 =	vld [tilespmem:s0+$0x10800]  }
0xcf: {  	v16 =	vld [tilespmem:s0+$0x18800]  }
0xd0: {  	v17 =	vld [tilespmem:s0+$0x10810]  }
0xd1: {  	v14 =	vmul.f32 v14, v13;
	v13 =	vld [tilespmem:s0+$0x18810]  }
0xd2: {  	v18 =	vmul.f32 v18, v15;
	v22 =	vmul.f32 v22, v20;
	v15 =	vld [tilespmem:s0+$0x10820]  }
0xd3: {  	v23 =	vmul.f32 v26, v23;
	v7 =	vadd.f32 v14, v7;
	v20 =	vld [tilespmem:s0+$0x18820]  }
0xd4: {  	v11 =	vadd.f32 v18, v11;
	v14 =	vmul.f32 v29, v24;
	v4 =	vadd.f32 v22, v4;
	v22 =	vld [tilespmem:s0+$0x10830]  }
0xd5: {  	v6 =	vadd.f32 v23, v6;
	v18 =	vmul.f32 v30, v25;
	v7 =	vadd.f32 v32, v7;
	v25 =	vld [tilespmem:s0+$0x18830]  }
0xd6: {  	v24 =	vmul.f32 v35, v31;
	v11 =	vadd.f32 v27, v11;
	v4 =	vadd.f32 v33, v4;
	v23 =	vld [tilespmem:s0+$0x10840]  }
0xd7: {  	v6 =	vadd.f32 v28, v6;
	v2 =	vadd.f32 v14, v2;
	v27 =	vmul.f32 v36, v34;
	v26 =	vld [tilespmem:s0+$0x18840]  }
0xd8: {  	v8 =	vmul.f32 v9, v8;
	v3 =	vadd.f32 v18, v3;
	v5 =	vadd.f32 v24, v5;
	v24 =	vld [tilespmem:s0+$0x10850]  }
0xd9: {  	v2 =	vadd.f32 v21, v2;
	v9 =	vadd.f32 v27, v10;
	v10 =	vmul.f32 v38, v37;
	v27 =	vld [tilespmem:s0+$0x18850]  }
0xda: {  	v3 =	vadd.f32 v19, v3;
	v28 =	vld [tilespmem:s0+$0x10860];
	v29 =	vmul.f32 v40, v39;
	v19 =	vmul.f32 v42, v41  }
0xdb: {  	v5 =	vadd.f32 v8, v5;
	v32 =	vld [tilespmem:s0+$0x18860];
	v30 =	vmul.f32 v44, v43;
	v21 =	vmul.f32 v46, v45  }
0xdc: {  	s1 =	simm.s32 $0x400;
	v8 =	vadd.f32 v10, v9;
	v31 =	vld [tilespmem:s0+$0x10870];
	v18 =	vmul.f32 v48, v47;
	v14 =	vmul.f32 v50, v49  }
.LBB2_7:
0xdd: {  	p0 =	sne.s32 s1, $0x7C00;
	v9 =	vmul.f32 v16, v12;
	v10 =	vmul.f32 v13, v17;
	v12 =	vld [tilespmem:s0+$0x18870]  }
0xde: {  	v13 =	vmul.f32 v20, v15;
	v15 =	vmul.f32 v25, v22;
	v16 =	vld [tilespmem:s0+$0x108F0]  }
0xdf: {  	v7 =	vadd.f32 v9, v7;
	v9 =	vadd.f32 v10, v11;
	v10 =	vmul.f32 v26, v23;
	v17 =	vld [tilespmem:s0+$0x188F0];
	s0 =	sshra.s32 s1, $0x2  }
0xe0: {  	v4 =	vadd.f32 v13, v4;
	v6 =	vadd.f32 v15, v6;
	v13 =	vmul.f32 v27, v24;
	v33 =	vld [tilespmem:s0+$0x10880]  }
0xe1: {  	v15 =	vmul.f32 v32, v28;
	v34 =	vld [tilespmem:s0+$0x18880];
	v7 =	vadd.f32 v29, v7;
	v11 =	vadd.f32 v19, v9  }
0xe2: {  	v4 =	vadd.f32 v30, v4;
	v6 =	vadd.f32 v21, v6;
	v9 =	vld [tilespmem:s0+$0x10890];
	v12 =	vmul.f32 v12, v31  }
0xe3: {  	v0 =	vmul.f32 v1, v0;
	v2 =	vadd.f32 v10, v2;
	v3 =	vadd.f32 v13, v3;
	v19 =	vld [tilespmem:s0+$0x18890]  }
0xe4: {  	v1 =	vadd.f32 v15, v5;
	v10 =	vld [tilespmem:s0+$0x108A0];
	v8 =	vadd.f32 v12, v8;
	v12 =	vmul.f32 v17, v16  }
0xe5: {  	v2 =	vadd.f32 v18, v2;
	v3 =	vadd.f32 v14, v3;
	v21 =	vld [tilespmem:s0+$0x188A0]  }
0xe6: {  	v5 =	vadd.f32 v0, v1;
	v14 =	vld [tilespmem:s0+$0x108B0];
	v8 =	vadd.f32 v12, v8  }
0xe7: {  	v18 =	vld [tilespmem:s0+$0x188B0]  }
0xe8: {  	v35 =	vld [tilespmem:s0+$0x108C0]  }
0xe9: {  	v36 =	vld [tilespmem:s0+$0x188C0]  }
0xea: {  	v37 =	vld [tilespmem:s0+$0x108D0]  }
0xeb: {  	v38 =	vld [tilespmem:s0+$0x188D0]  }
0xec: {  	v0 =	vld [tilespmem:s0+$0x108E0]  }
0xed: {  	v1 =	vld [tilespmem:s0+$0x188E0]  }
0xee: {  	v12 =	vld [tilespmem:s0+$0x10800]  }
0xef: {  	v16 =	vld [tilespmem:s0+$0x18800]  }
0xf0: {  	v17 =	vld [tilespmem:s0+$0x10810]  }
0xf1: {  	v13 =	vld [tilespmem:s0+$0x18810]  }
0xf2: {  	v15 =	vld [tilespmem:s0+$0x10820]  }
0xf3: {  	v20 =	vld [tilespmem:s0+$0x18820]  }
0xf4: {  	v22 =	vld [tilespmem:s0+$0x10830]  }
0xf5: {  	v25 =	vld [tilespmem:s0+$0x18830]  }
0xf6: {  	v23 =	vld [tilespmem:s0+$0x10840]  }
0xf7: {  	v26 =	vld [tilespmem:s0+$0x18840]  }
.Ltmp2:
0xf8: {  	v24 =	vld [tilespmem:s0+$0x10850];
	(pc) =	sbr.rel @p0 .LBB2_7-.Ltmp2, $4  }
0xf9: {  	v27 =	vld [tilespmem:s0+$0x18850]  }
0xfa: {  	v29 =	vmul.f32 v34, v33;
	v19 =	vmul.f32 v19, v9;
	v28 =	vld [tilespmem:s0+$0x10860]  }
0xfb: {  	v30 =	vmul.f32 v21, v10;
	v21 =	vmul.f32 v18, v14;
	v32 =	vld [tilespmem:s0+$0x18860]  }
0xfc: {  	s1 =	sadd.s32 $0x400, s1;
	v18 =	vmul.f32 v36, v35;
	v14 =	vmul.f32 v38, v37;
	v31 =	vld [tilespmem:s0+$0x10870]  }
0xfd: {  	v36 =	vld [tilespmem:s0+$0x18870];
	s1 =	smin.u32 s31, $0xC1  }
0xfe: {  	v37 =	vld [tilespmem:s0+$0x108F0];
	s1 =	sshll.u32 s1, $0x7  }
0xff: {  	v38 =	vld [tilespmem:s0+$0x188F0];
	s0 =	sadd.s32 $0x300, s1  }
0x100: {  	[tilespmem:s18], [sflag:$0x3] =	stream.indirect.gather [hbm4b:s3+s11], $0x40, s0, s11, $0xb8;
	[tilespmem:$0x1C810] =	vst v63  }
0x101: {  	s1 =	sadd.s32 $0x6700, s1  }
0x102: {  	[tilespmem:s20], [sflag:$0x3] =	stream.indirect.gather [hbm4b:s4+s11], $0x40, s1, s11, $0xb8;
	[tilespmem:$0x1C810] =	vst v63  }
0x103: {  	_ =	swait.ge [sflag:s26], $0x2000  }
0x104: {  	[sflag:s26] =	ssyncset.done $0x0  }
0x105: {  	[sflag:s26] =	ssyncadd.s32 $0xFFFFE000  }
0x106: {  	_ =	swait.ge [sflag:s26], $0x2000  }
0x107: {  	[sflag:s26] =	ssyncset.done $0x0  }
0x108: {  	s31 =	simm.s32 $0x0;
	[sflag:s26] =	ssyncadd.s32 $0xFFFFE000  }
0x109: {  	v39 =	vld [tilespmem:s31+$0x12880]  }
0x10a: {  	v40 =	vld [tilespmem:s31+$0x1A880]  }
0x10b: {  	v41 =	vld [tilespmem:s31+$0x12890]  }
0x10c: {  	v42 =	vld [tilespmem:s31+$0x1A890]  }
0x10d: {  	v43 =	vld [tilespmem:s31+$0x128A0]  }
0x10e: {  	v44 =	vld [tilespmem:s31+$0x1A8A0]  }
0x10f: {  	v45 =	vld [tilespmem:s31+$0x128B0]  }
0x110: {  	v46 =	vld [tilespmem:s31+$0x1A8B0]  }
0x111: {  	v47 =	vld [tilespmem:s31+$0x128C0]  }
0x112: {  	v48 =	vld [tilespmem:s31+$0x1A8C0]  }
0x113: {  	v49 =	vld [tilespmem:s31+$0x128D0]  }
0x114: {  	v50 =	vld [tilespmem:s31+$0x1A8D0]  }
0x115: {  	v9 =	vld [tilespmem:s31+$0x128E0]  }
0x116: {  	v10 =	vld [tilespmem:s31+$0x1A8E0]  }
0x117: {  	v33 =	vld [tilespmem:s31+$0x12800]  }
0x118: {  	v34 =	vld [tilespmem:s31+$0x1A800]  }
0x119: {  	v35 =	vld [tilespmem:s31+$0x12810]  }
0x11a: {  	v16 =	vmul.f32 v16, v12;
	v12 =	vld [tilespmem:s31+$0x1A810]  }
0x11b: {  	v17 =	vmul.f32 v13, v17;
	v20 =	vmul.f32 v20, v15;
	v13 =	vld [tilespmem:s31+$0x12820]  }
0x11c: {  	v22 =	vmul.f32 v25, v22;
	v23 =	vmul.f32 v26, v23;
	v7 =	vadd.f32 v16, v7;
	v15 =	vld [tilespmem:s31+$0x1A820]  }
0x11d: {  	v24 =	vmul.f32 v27, v24;
	v11 =	vadd.f32 v17, v11;
	v4 =	vadd.f32 v20, v4;
	v16 =	vld [tilespmem:s31+$0x12830]  }
0x11e: {  	v22 =	vadd.f32 v22, v6;
	v2 =	vadd.f32 v23, v2;
	v20 =	vld [tilespmem:s31+$0x1A830]  }
0x11f: {  	v25 =	vmul.f32 v32, v28;
	v3 =	vadd.f32 v24, v3;
	v6 =	vadd.f32 v29, v7;
	v17 =	vld [tilespmem:s31+$0x12840]  }
0x120: {  	v23 =	vmul.f32 v1, v0;
	v11 =	vadd.f32 v19, v11;
	v4 =	vadd.f32 v30, v4;
	v19 =	vld [tilespmem:s31+$0x1A840]  }
0x121: {  	v7 =	vadd.f32 v21, v22;
	v26 =	vmul.f32 v36, v31;
	v24 =	vadd.f32 v25, v5;
	v5 =	vld [tilespmem:s31+$0x12850]  }
0x122: {  	v0 =	vadd.f32 v18, v2;
	v27 =	vmul.f32 v38, v37;
	v1 =	vadd.f32 v14, v3;
	v22 =	vld [tilespmem:s31+$0x1A850]  }
0x123: {  	v8 =	vadd.f32 v26, v8;
	v25 =	vld [tilespmem:s31+$0x12860];
	v18 =	vmul.f32 v40, v39;
	v21 =	vmul.f32 v42, v41  }
0x124: {  	v2 =	vadd.f32 v23, v24;
	v26 =	vld [tilespmem:s31+$0x1A860];
	v23 =	vmul.f32 v44, v43;
	v24 =	vmul.f32 v46, v45  }
0x125: {  	s0 =	simm.s32 $0x400;
	v3 =	vadd.f32 v27, v8;
	v27 =	vld [tilespmem:s31+$0x12870];
	v8 =	vmul.f32 v48, v47;
	v14 =	vmul.f32 v50, v49  }
.LBB2_9:
0x126: {  	p0 =	sne.s32 s0, $0x7C00;
	v28 =	vmul.f32 v34, v33;
	v12 =	vmul.f32 v12, v35;
	v29 =	vld [tilespmem:s31+$0x1A870]  }
0x127: {  	v13 =	vmul.f32 v15, v13;
	v15 =	vmul.f32 v20, v16;
	v16 =	vld [tilespmem:s31+$0x128F0]  }
0x128: {  	v6 =	vadd.f32 v28, v6;
	v11 =	vadd.f32 v12, v11;
	v12 =	vmul.f32 v19, v17;
	v17 =	vld [tilespmem:s31+$0x1A8F0];
	s31 =	sshra.s32 s0, $0x2  }
0x129: {  	v5 =	vmul.f32 v22, v5;
	v4 =	vadd.f32 v13, v4;
	v7 =	vadd.f32 v15, v7;
	v28 =	vld [tilespmem:s31+$0x12880]  }
0x12a: {  	v13 =	vmul.f32 v26, v25;
	v30 =	vld [tilespmem:s31+$0x1A880];
	v6 =	vadd.f32 v18, v6;
	v11 =	vadd.f32 v21, v11  }
0x12b: {  	v4 =	vadd.f32 v23, v4;
	v7 =	vadd.f32 v24, v7;
	v21 =	vld [tilespmem:s31+$0x12890];
	v15 =	vmul.f32 v29, v27  }
0x12c: {  	v1 =	vadd.f32 v5, v1;
	v5 =	vmul.f32 v10, v9;
	v0 =	vadd.f32 v12, v0;
	v23 =	vld [tilespmem:s31+$0x1A890]  }
0x12d: {  	v2 =	vadd.f32 v13, v2;
	v24 =	vld [tilespmem:s31+$0x128A0];
	v3 =	vadd.f32 v15, v3;
	v9 =	vmul.f32 v17, v16  }
0x12e: {  	v1 =	vadd.f32 v14, v1;
	v0 =	vadd.f32 v8, v0;
	v27 =	vld [tilespmem:s31+$0x1A8A0]  }
0x12f: {  	v2 =	vadd.f32 v5, v2;
	v8 =	vld [tilespmem:s31+$0x128B0];
	v3 =	vadd.f32 v9, v3  }
0x130: {  	v14 =	vld [tilespmem:s31+$0x1A8B0]  }
0x131: {  	v29 =	vld [tilespmem:s31+$0x128C0]  }
0x132: {  	v31 =	vld [tilespmem:s31+$0x1A8C0]  }
0x133: {  	v32 =	vld [tilespmem:s31+$0x128D0]  }
0x134: {  	v36 =	vld [tilespmem:s31+$0x1A8D0]  }
0x135: {  	v9 =	vld [tilespmem:s31+$0x128E0]  }
0x136: {  	v10 =	vld [tilespmem:s31+$0x1A8E0]  }
0x137: {  	v33 =	vld [tilespmem:s31+$0x12800]  }
0x138: {  	v34 =	vld [tilespmem:s31+$0x1A800]  }
0x139: {  	v35 =	vld [tilespmem:s31+$0x12810]  }
0x13a: {  	v12 =	vld [tilespmem:s31+$0x1A810]  }
0x13b: {  	v13 =	vld [tilespmem:s31+$0x12820]  }
0x13c: {  	v15 =	vld [tilespmem:s31+$0x1A820]  }
0x13d: {  	v16 =	vld [tilespmem:s31+$0x12830]  }
0x13e: {  	v20 =	vld [tilespmem:s31+$0x1A830]  }
0x13f: {  	v17 =	vld [tilespmem:s31+$0x12840]  }
0x140: {  	v19 =	vld [tilespmem:s31+$0x1A840]  }
.Ltmp3:
0x141: {  	v5 =	vld [tilespmem:s31+$0x12850];
	(pc) =	sbr.rel @p0 .LBB2_9-.Ltmp3, $4  }
0x142: {  	v22 =	vld [tilespmem:s31+$0x1A850]  }
0x143: {  	v18 =	vmul.f32 v30, v28;
	v21 =	vmul.f32 v23, v21;
	v25 =	vld [tilespmem:s31+$0x12860]  }
0x144: {  	v23 =	vmul.f32 v27, v24;
	v24 =	vmul.f32 v14, v8;
	v26 =	vld [tilespmem:s31+$0x1A860]  }
0x145: {  	s0 =	sadd.s32 $0x400, s0;
	v8 =	vmul.f32 v31, v29;
	v14 =	vmul.f32 v36, v32;
	v27 =	vld [tilespmem:s31+$0x12870]  }
0x146: {  	v28 =	vmul.f32 v34, v33  }
0x147: {  	v12 =	vmul.f32 v12, v35;
	v29 =	vld [tilespmem:s31+$0x1A870];
	v13 =	vmul.f32 v15, v13  }
0x148: {  	v54 =	vmul.f32 v20, v16;
	v55 =	vld [tilespmem:s31+$0x128F0];
	v56 =	vmul.f32 v19, v17  }
0x149: {  	v57 =	vld [tilespmem:s31+$0x1A8F0];
	v59 =	vmul.f32 v22, v5;
	v6 =	vadd.f32 v28, v6;
	v11 =	vadd.f32 v12, v11  }
0x14a: {  	s30 =	sadd.s32 $0x1, s30;
	v4 =	vadd.f32 v13, v4;
	v58 =	vadd.f32 v54, v7  }
0x14b: {  	p0 =	sne.s32 s30, $0x32;
	v0 =	vadd.f32 v56, v0;
	v60 =	vmul.f32 v26, v25;
	v1 =	vadd.f32 v59, v1  }
.Ltmp4:
0x14c: {  	v7 =	vadd.f32 v18, v6;
	v6 =	vadd.f32 v21, v11;
	v61 =	vmul.f32 v29, v27;
	(pc) =	sbr.rel @p0 .LBB2_2-.Ltmp4, $4  }
0x14d: {  	v9 =	vmul.f32 v10, v9;
	v5 =	vadd.f32 v23, v4;
	v4 =	vadd.f32 v24, v58  }
0x14e: {  	v62 =	vadd.f32 v60, v2;
	v63 =	vmul.f32 v57, v55;
	v11 =	vadd.f32 v61, v3  }
0x14f: {  	v2 =	vadd.f32 v14, v1;
	v3 =	vadd.f32 v8, v0  }
0x150: {  	v1 =	vadd.f32 v9, v62;
	v0 =	vadd.f32 v63, v11  }
0x151: {  	_ =	swait.ge [sflag:s23], $0x2000  }
0x152: {  	[sflag:s23] =	ssyncset.done $0x0  }
0x153: {  	[sflag:s23] =	ssyncadd.s32 $0xFFFFE000  }
0x154: {  	_ =	swait.ge [sflag:s23], $0x2000  }
0x155: {  	v6 =	vadd.f32 v6, v7;
	[sflag:s23] =	ssyncset.done $0x0  }
0x156: {  	[sflag:s23] =	ssyncadd.s32 $0xFFFFE000  }
0x157: {  	v5 =	vadd.f32 v5, v6;
	_ =	swait.ge [sflag:s24], $0x2000  }
0x158: {  	[sflag:s24] =	ssyncset.done $0x0  }
0x159: {  	v4 =	vadd.f32 v4, v5;
	[sflag:s24] =	ssyncadd.s32 $0xFFFFE000  }
0x15a: {  	_ =	swait.ge [sflag:s24], $0x2000  }
0x15b: {  	v3 =	vadd.f32 v3, v4;
	[sflag:s24] =	ssyncset.done $0x0  }
0x15c: {  	[sflag:s24] =	ssyncadd.s32 $0xFFFFE000  }
0x15d: {  	v2 =	vadd.f32 v2, v3;
	_ =	swait.ge [sflag:s25], $0x2000  }
0x15e: {  	[sflag:s25] =	ssyncset.done $0x0  }
0x15f: {  	v1 =	vadd.f32 v1, v2;
	[sflag:s25] =	ssyncadd.s32 $0xFFFFE000  }
0x160: {  	_ =	swait.ge [sflag:s25], $0x2000  }
0x161: {  	s29 =	sadd.s32 $0x1, s29;
	v0 =	vadd.f32 v0, v1;
	[sflag:s25] =	ssyncset.done $0x0  }
0x162: {  	p0 =	sne.s32 s29, s8;
	[sflag:s25] =	ssyncadd.s32 $0xFFFFE000  }
.Ltmp5:
0x163: {  	[tilespmem:$0x1C800] =	vst v0;
	(pc) =	sbr.rel @p0 .LBB2_1-.Ltmp5, $4  }
0x164: {  	[hbm4b:s7+s2] =	stream.linear.scatter [tilespmem:s28], [sflag:$0x5], $0x10, $0x38;
	[tilespmem:$0x1C810] =	vst v63  }
0x165: {  	_ =	swait.ge [sflag:s9], $0x10  }
0x166: {  	[sflag:s9] =	ssyncset.done $0x0  }
0x167: {  	[sflag:s9] =	ssyncadd.s32 $0xFFFFFFF0  }
0x168: {  	_ =	sfence.sel $0x180000  }
0x169: {  	[bflag:$0x0] =	sbarrier.arrive $0xFFFF  }
0x16a: {  	_ =	strace $0x90000047  }
0x16b: {  	s0 =	stileid.u32;
	[bflag:$0x2] =	sbarrier.arrive $0xFFFF  }
0x16c: {  	p0 =	sne.s32 s0, $0x0;
	s0 =	rddreg [dreg:$0x1]  }
0x16d: {  	s0 =	sadd.s32 @!p0 $0x100000, s0  }
0x16e: {  	[sflag:s0] =	ssyncadd.tile.s32 @!p0 $0x1;
	_ =	shalt  }
.Lfunc_end2:
_tile_overlayer_lowered:
.L_overlay_start_2:
0x16f: {  	(tag) =	ssettag $0x2  }
0x170: {  	s0 =	rddreg [dreg:$0x0];
	s2 =	stileid.u32  }
0x171: {  	s1 =	rddreg [dreg:$0x1];
	p0 =	sne.s32 s2, $0x0  }
0x172: {  	s3 =	rddreg [dreg:$0x2];
	[bflag:$0x3] =	sbarrier.arrive $0xFFFF;
	s2 =	simm.s32 @!p0 $0x1C05  }
0x173: {  	[timem:s3], [sflag:s2] =	dma.local @!p0 [hbm:s0], s1  }
0x174: {  	s0 =	simm.s32 @!p0 $0x5  }
0x175: {  	_ =	swait.ge @!p0 [sflag:s0], s1  }
0x176: {  	s1 =	ssub.s32 @!p0 $0x0, s1;
	[sflag:s0] =	ssyncset.done @!p0 $0x0  }
0x177: {  	[sflag:s0] =	ssyncadd.s32 @!p0 s1  }
0x178: {  	[bflag:$0x3] =	sbarrier.arrive $0xFFFF  }
0x179: {  	_ =	shalt  }

</sc_bundles>
